<compile_context>
chip_gen: v7x
topology: tpu7x:2x2x1
jax: 0.10.2.dev20260603
libtpu: 0.0.44.dev20260713+nightly
codegen_flags: <defaults>
</compile_context>

<pallas_src>
import functools

import jax
import jax.numpy as jnp
from jax import lax
from jax.experimental import pallas as pl
from jax.experimental.pallas import tpu as pltpu
from jax.experimental.pallas import tpu_sc as plsc

NUM_LAYERS = 12
N_TASKS = 1000
NUM_PROMPTS = 20
EMB_D = 128
BATCH = 1024

N_TABLES = NUM_LAYERS * NUM_PROMPTS
NC = 2
NS = 16
NW = NC * NS
BPW = BATCH // NW
TPC = 4
N_CHUNKS = N_TABLES // TPC
ROWS = TPC * BPW


NBUF = 6


def _sc_body(table, task, out, tid, idx, rows, sg, sw):
    wid = lax.axis_index("s") * NC + lax.axis_index("c")
    base = wid * BPW
    pltpu.sync_copy(task.at[pl.ds(base, BPW)], tid)
    t0 = tid[pl.ds(0, 16)]
    t1 = tid[pl.ds(16, 16)]

    ch_off = (wid * N_CHUNKS) // NW

    def prep_and_fire(ch, b):
        ch = lax.rem(ch + ch_off, N_CHUNKS)
        lp0 = ch * TPC
        for j in range(TPC):
            off = (lp0 + j) * N_TASKS
            idx[b][pl.ds(2 * j * 16, 16)] = t0 + off
            idx[b][pl.ds((2 * j + 1) * 16, 16)] = t1 + off
        pltpu.async_copy(table.at[idx[b]], rows[b], sg[b])

    def wait_gather(b):
        pltpu.make_async_copy(table.at[idx[b]], rows[b], sg[b]).wait()

    def fire_writes(ch, b):
        ch = lax.rem(ch + ch_off, N_CHUNKS)
        lp0 = ch * TPC
        for j in range(TPC):
            pltpu.async_copy(
                rows[b].at[pl.ds(j * BPW, BPW)],
                out.at[pl.ds((lp0 + j) * BATCH + base, BPW)],
                sw[b])

    def wait_writes(b):
        for _ in range(TPC):
            pltpu.make_async_copy(
                rows[b].at[pl.ds(0, BPW)], out.at[pl.ds(0, BPW)],
                sw[b]).wait()

    for b in range(NBUF - 1):
        prep_and_fire(b, b)

    n_steps = N_CHUNKS // NBUF

    def step(c, carry):
        for b in range(NBUF):
            ch = NBUF * c + b
            nb = (b + NBUF - 1) % NBUF
            if b == 0:
                @pl.when(c > 0)
                def _():
                    wait_writes(nb)
                prep_and_fire(ch + NBUF - 1, nb)
            else:
                @pl.when(c < n_steps - 1)
                def _():
                    wait_writes(nb)
                    prep_and_fire(ch + NBUF - 1, nb)
            wait_gather(b)
            fire_writes(ch, b)
        return carry

    lax.fori_loop(0, n_steps, step, 0)

    for b in range(NBUF):
        wait_writes(b)


@functools.partial(
    pl.kernel,
    mesh=plsc.VectorSubcoreMesh(core_axis_name="c", subcore_axis_name="s"),
    out_type=jax.ShapeDtypeStruct((N_TABLES * BATCH, EMB_D), jnp.float32),
    scratch_types=(
        [pltpu.VMEM((BPW,), jnp.int32)]
        + [pltpu.VMEM((ROWS,), jnp.int32)] * NBUF
        + [pltpu.VMEM((ROWS, EMB_D), jnp.float32)] * NBUF
        + [pltpu.SemaphoreType.DMA] * (2 * NBUF)
    ),
)
def _gather_sc(table, task, out, tid, *scratch):
    idx = scratch[:NBUF]
    rows = scratch[NBUF:2 * NBUF]
    sg = scratch[2 * NBUF:3 * NBUF]
    sw = scratch[3 * NBUF:]
    _sc_body(table, task, out, tid, idx, rows, sg, sw)


def kernel(nL, task_id, e_p):
    table = e_p.transpose(0, 2, 1, 3).reshape(N_TABLES * N_TASKS, EMB_D)
    out = _gather_sc(table, task_id)
    out = out.reshape(NUM_LAYERS, NUM_PROMPTS, BATCH, EMB_D)
    return out.transpose(0, 2, 1, 3)

# --- scband reference (transcript-rebuilt; emitter-appended) ---
"""Pipeline reference for scband-fixed-prompts-task-inc-84095459655778 (READ-ONLY COPY).

The authoritative reference and input builder live on the scoring server;
editing this copy changes nothing except your own understanding.
"""

import jax, jax.numpy as jnp
import numpy as np

N_TASKS = 1000
EMB_D = 128
NUM_PROMPTS = 20
NUM_LAYERS = 12
BATCH = 1024


def setup_inputs(seed: int = 0) -> dict:
    key = jax.random.key(seed)
    k1, k2 = jax.random.split(key)
    # e_p_{l} parameters stacked along layer axis: [num_layers, n_tasks, num_prompts, emb_d]
    # torch code uses nn.init.uniform_ (default U[0,1))
    e_p = jax.random.uniform(k1, (NUM_LAYERS, N_TASKS, NUM_PROMPTS, EMB_D), dtype=jnp.float32)
    task_id = jax.random.randint(k2, (BATCH,), 0, N_TASKS, dtype=jnp.int32)
    return {"nL": NUM_LAYERS, "task_id": task_id, "e_p": e_p}


def reference(nL, task_id, e_p):
    # Faithful translation of FixedPromptsTaskInc.forward
    num_layers = e_p.shape[0]
    p_return = []
    for l in range(num_layers):
        # getattr(self, f'e_p_{l}')[task_id] -> gather rows of the per-layer table
        p = jnp.take(e_p[l], task_id, axis=0)  # [B, num_prompts, emb_d]
        p_return.append(p)
    p_return = jnp.stack(p_return, axis=0)  # [nL, B, num_prompts, emb_d]
    p_return = p_return + (jnp.asarray(nL) * 0).astype(p_return.dtype)
    return p_return

if __name__ == "__main__":
    import jax
    _d = setup_inputs()
    print(jax.jit(kernel)(*tuple(_d.values())))

</pallas_src>

<mosaic_0001>
#map = affine_map<(d0, d1) -> (0, 0)>
#map1 = affine_map<(d0, d1) -> (0)>
module attributes {stable_mosaic.version = 14 : i64} {
  func.func @_gather_sc(%arg0: i32, %arg1: i32, %arg2: memref<240000x128xf32, #tpu.memory_space<hbm>>, %arg3: memref<1024xi32, #tpu.memory_space<hbm>>, %arg4: memref<245760x128xf32, #tpu.memory_space<hbm>>, %arg5: memref<32xi32, #tpu.memory_space<vmem>>, %arg6: memref<128xi32, #tpu.memory_space<vmem>>, %arg7: memref<128xi32, #tpu.memory_space<vmem>>, %arg8: memref<128xi32, #tpu.memory_space<vmem>>, %arg9: memref<128xi32, #tpu.memory_space<vmem>>, %arg10: memref<128xi32, #tpu.memory_space<vmem>>, %arg11: memref<128xi32, #tpu.memory_space<vmem>>, %arg12: memref<128x128xf32, #tpu.memory_space<vmem>>, %arg13: memref<128x128xf32, #tpu.memory_space<vmem>>, %arg14: memref<128x128xf32, #tpu.memory_space<vmem>>, %arg15: memref<128x128xf32, #tpu.memory_space<vmem>>, %arg16: memref<128x128xf32, #tpu.memory_space<vmem>>, %arg17: memref<128x128xf32, #tpu.memory_space<vmem>>, %arg18: memref<!tpu.dma_semaphore, #tpu.memory_space<semaphore_mem>>, %arg19: memref<!tpu.dma_semaphore, #tpu.memory_space<semaphore_mem>>, %arg20: memref<!tpu.dma_semaphore, #tpu.memory_space<semaphore_mem>>, %arg21: memref<!tpu.dma_semaphore, #tpu.memory_space<semaphore_mem>>, %arg22: memref<!tpu.dma_semaphore, #tpu.memory_space<semaphore_mem>>, %arg23: memref<!tpu.dma_semaphore, #tpu.memory_space<semaphore_mem>>, %arg24: memref<!tpu.dma_semaphore, #tpu.memory_space<semaphore_mem>>, %arg25: memref<!tpu.dma_semaphore, #tpu.memory_space<semaphore_mem>>, %arg26: memref<!tpu.dma_semaphore, #tpu.memory_space<semaphore_mem>>, %arg27: memref<!tpu.dma_semaphore, #tpu.memory_space<semaphore_mem>>, %arg28: memref<!tpu.dma_semaphore, #tpu.memory_space<semaphore_mem>>, %arg29: memref<!tpu.dma_semaphore, #tpu.memory_space<semaphore_mem>>) attributes {dimension_semantics = [#tpu.dimension_semantics<core_parallel>, #tpu.dimension_semantics<subcore_parallel>], iteration_bounds = array<i64: 2, 16>, scalar_prefetch = 0 : i64, scratch_operands = 25 : i64, tpu.core_type = #tpu.core_type<sc_vector_subcore>, window_params = [{transform_indices = #map}, {transform_indices = #map1}, {transform_indices = #map}]} {
    %mul3A = arith.constant 2 : i32
    %mul3A_0 = arith.muli %arg1, %mul3A : i32
    %add3A = arith.addi %mul3A_0, %arg0 : i32
    %mul3A_1 = arith.constant 32 : i32
    %mul3A_2 = arith.muli %add3A, %mul3A_1 : i32
    "tpu.region"() ({
      %run_scoped3A = tpu.sem_alloc : memref<!tpu.dma_semaphore, #tpu.memory_space<semaphore_mem>>
      %dma_start3A_681 = tpu.memref_slice %arg3[%mul3A_2] : memref<1024xi32, #tpu.memory_space<hbm>> -> memref<32xi32, #tpu.memory_space<hbm>>
      %dma_start3A_682 = tpu.memref_slice %arg3[%mul3A_2] : memref<1024xi32, #tpu.memory_space<hbm>> -> memref<32xi32, #tpu.memory_space<hbm>>
      tpu.enqueue_dma source(%dma_start3A_682 : memref<32xi32, #tpu.memory_space<hbm>>) target(%arg5 : memref<32xi32, #tpu.memory_space<vmem>>) target_semaphore(%run_scoped3A : memref<!tpu.dma_semaphore, #tpu.memory_space<semaphore_mem>>)
      %dma_wait3A_683 = tpu.memref_slice %arg3[%mul3A_2] : memref<1024xi32, #tpu.memory_space<hbm>> -> memref<32xi32, #tpu.memory_space<hbm>>
      %dma_wait3A_684 = tpu.memref_slice %arg3[%mul3A_2] : memref<1024xi32, #tpu.memory_space<hbm>> -> memref<32xi32, #tpu.memory_space<hbm>>
      tpu.wait_dma2 semaphore(%run_scoped3A : memref<!tpu.dma_semaphore, #tpu.memory_space<semaphore_mem>>) src(%dma_wait3A_684 : memref<32xi32, #tpu.memory_space<hbm>>) dst(%arg5 : memref<32xi32, #tpu.memory_space<vmem>>)
      tpu.yield
    }) : () -> ()
    %get3A = arith.constant 0 : index
    %get3A_3 = tpu.vector_load %arg5[%get3A] {strides = array<i32>} : memref<32xi32, #tpu.memory_space<vmem>>, vector<16xi32>,
    %get3A_4 = vector.shape_cast %get3A_3 : vector<16xi32> to vector<16xi32>
    %get3A_5 = arith.constant 16 : index
    %get3A_6 = tpu.vector_load %arg5[%get3A_5] {strides = array<i32>} : memref<32xi32, #tpu.memory_space<vmem>>, vector<16xi32>,
    %get3A_7 = vector.shape_cast %get3A_6 : vector<16xi32> to vector<16xi32>
    %mul3A_8 = arith.constant 60 : i32
    %mul3A_9 = arith.muli %add3A, %mul3A_8 : i32
    %jit3A = arith.constant 32 : i32
    %div3A = arith.divsi %mul3A_9, %jit3A : i32
    %sign3A = arith.constant 0 : i32
    %sign3A_10 = arith.cmpi sgt, %mul3A_9, %sign3A : i32
    %sign3A_11 = arith.extui %sign3A_10 : i1 to i32
    %sign3A_12 = arith.constant 0 : i32
    %sign3A_13 = arith.cmpi slt, %mul3A_9, %sign3A_12 : i32
    %sign3A_14 = arith.extui %sign3A_13 : i1 to i32
    %sign3A_15 = arith.subi %sign3A_11, %sign3A_14 : i32
    %sign3A_16 = arith.constant 0 : i32
    %sign3A_17 = arith.cmpi sgt, %jit3A, %sign3A_16 : i32
    %sign3A_18 = arith.extui %sign3A_17 : i1 to i32
    %sign3A_19 = arith.constant 0 : i32
    %sign3A_20 = arith.cmpi slt, %jit3A, %sign3A_19 : i32
    %sign3A_21 = arith.extui %sign3A_20 : i1 to i32
    %sign3A_22 = arith.subi %sign3A_18, %sign3A_21 : i32
    %ne3A = arith.cmpi ne, %sign3A_15, %sign3A_22 : i32
    %rem3A = arith.remsi %mul3A_9, %jit3A : i32
    %ne3A_23 = arith.constant 0 : i32
    %ne3A_24 = arith.cmpi ne, %rem3A, %ne3A_23 : i32
    %and3A = arith.andi %ne3A, %ne3A_24 : i1
    %sub3A = arith.constant 1 : i32
    %sub3A_25 = arith.subi %div3A, %sub3A : i32
    %select_n3A = arith.select %and3A, %sub3A_25, %div3A : i32
    %add3A_26 = arith.constant 0 : i32
    %add3A_27 = arith.addi %add3A_26, %select_n3A : i32
    %rem3A_28 = arith.constant 60 : i32
    %rem3A_29 = arith.remsi %add3A_27, %rem3A_28 : i32
    %mul3A_30 = arith.constant 4 : i32
    %mul3A_31 = arith.muli %rem3A_29, %mul3A_30 : i32
    %add3A_32 = arith.constant 0 : i32
    %add3A_33 = arith.addi %mul3A_31, %add3A_32 : i32
    %mul3A_34 = arith.constant 1000 : i32
    %mul3A_35 = arith.muli %add3A_33, %mul3A_34 : i32
    %add3A_36 = vector.broadcast %mul3A_35 : i32 to vector<16xi32>
    %add3A_37 = arith.addi %get3A_4, %add3A_36 : vector<16xi32>
    %swap3A = arith.constant 0 : index
    %swap3A_38 = tpu.vector_load %arg6[%swap3A] {strides = array<i32>} : memref<128xi32, #tpu.memory_space<vmem>>, vector<16xi32>,
    %swap3A_39 = vector.shape_cast %swap3A_38 : vector<16xi32> to vector<16xi32>
    %swap3A_40 = vector.shape_cast %add3A_37 : vector<16xi32> to vector<16xi32>
    tpu.vector_store %arg6[%swap3A], %swap3A_40 {strides = array<i32>} : memref<128xi32, #tpu.memory_space<vmem>>, vector<16xi32>,
    %add3A_41 = vector.broadcast %mul3A_35 : i32 to vector<16xi32>
    %add3A_42 = arith.addi %get3A_7, %add3A_41 : vector<16xi32>
    %swap3A_43 = arith.constant 16 : index
    %swap3A_44 = tpu.vector_load %arg6[%swap3A_43] {strides = array<i32>} : memref<128xi32, #tpu.memory_space<vmem>>, vector<16xi32>,
    %swap3A_45 = vector.shape_cast %swap3A_44 : vector<16xi32> to vector<16xi32>
    %swap3A_46 = vector.shape_cast %add3A_42 : vector<16xi32> to vector<16xi32>
    tpu.vector_store %arg6[%swap3A_43], %swap3A_46 {strides = array<i32>} : memref<128xi32, #tpu.memory_space<vmem>>, vector<16xi32>,
    %add3A_47 = arith.constant 1 : i32
    %add3A_48 = arith.addi %mul3A_31, %add3A_47 : i32
    %mul3A_49 = arith.constant 1000 : i32
    %mul3A_50 = arith.muli %add3A_48, %mul3A_49 : i32
    %add3A_51 = vector.broadcast %mul3A_50 : i32 to vector<16xi32>
    %add3A_52 = arith.addi %get3A_4, %add3A_51 : vector<16xi32>
    %swap3A_53 = arith.constant 32 : index
    %swap3A_54 = tpu.vector_load %arg6[%swap3A_53] {strides = array<i32>} : memref<128xi32, #tpu.memory_space<vmem>>, vector<16xi32>,
    %swap3A_55 = vector.shape_cast %swap3A_54 : vector<16xi32> to vector<16xi32>
    %swap3A_56 = vector.shape_cast %add3A_52 : vector<16xi32> to vector<16xi32>
    tpu.vector_store %arg6[%swap3A_53], %swap3A_56 {strides = array<i32>} : memref<128xi32, #tpu.memory_space<vmem>>, vector<16xi32>,
    %add3A_57 = vector.broadcast %mul3A_50 : i32 to vector<16xi32>
    %add3A_58 = arith.addi %get3A_7, %add3A_57 : vector<16xi32>
    %swap3A_59 = arith.constant 48 : index
    %swap3A_60 = tpu.vector_load %arg6[%swap3A_59] {strides = array<i32>} : memref<128xi32, #tpu.memory_space<vmem>>, vector<16xi32>,
    %swap3A_61 = vector.shape_cast %swap3A_60 : vector<16xi32> to vector<16xi32>
    %swap3A_62 = vector.shape_cast %add3A_58 : vector<16xi32> to vector<16xi32>
    tpu.vector_store %arg6[%swap3A_59], %swap3A_62 {strides = array<i32>} : memref<128xi32, #tpu.memory_space<vmem>>, vector<16xi32>,
    %add3A_63 = arith.constant 2 : i32
    %add3A_64 = arith.addi %mul3A_31, %add3A_63 : i32
    %mul3A_65 = arith.constant 1000 : i32
    %mul3A_66 = arith.muli %add3A_64, %mul3A_65 : i32
    %add3A_67 = vector.broadcast %mul3A_66 : i32 to vector<16xi32>
    %add3A_68 = arith.addi %get3A_4, %add3A_67 : vector<16xi32>
    %swap3A_69 = arith.constant 64 : index
    %swap3A_70 = tpu.vector_load %arg6[%swap3A_69] {strides = array<i32>} : memref<128xi32, #tpu.memory_space<vmem>>, vector<16xi32>,
    %swap3A_71 = vector.shape_cast %swap3A_70 : vector<16xi32> to vector<16xi32>
    %swap3A_72 = vector.shape_cast %add3A_68 : vector<16xi32> to vector<16xi32>
    tpu.vector_store %arg6[%swap3A_69], %swap3A_72 {strides = array<i32>} : memref<128xi32, #tpu.memory_space<vmem>>, vector<16xi32>,
    %add3A_73 = vector.broadcast %mul3A_66 : i32 to vector<16xi32>
    %add3A_74 = arith.addi %get3A_7, %add3A_73 : vector<16xi32>
    %swap3A_75 = arith.constant 80 : index
    %swap3A_76 = tpu.vector_load %arg6[%swap3A_75] {strides = array<i32>} : memref<128xi32, #tpu.memory_space<vmem>>, vector<16xi32>,
    %swap3A_77 = vector.shape_cast %swap3A_76 : vector<16xi32> to vector<16xi32>
    %swap3A_78 = vector.shape_cast %add3A_74 : vector<16xi32> to vector<16xi32>
    tpu.vector_store %arg6[%swap3A_75], %swap3A_78 {strides = array<i32>} : memref<128xi32, #tpu.memory_space<vmem>>, vector<16xi32>,
    %add3A_79 = arith.constant 3 : i32
    %add3A_80 = arith.addi %mul3A_31, %add3A_79 : i32
    %mul3A_81 = arith.constant 1000 : i32
    %mul3A_82 = arith.muli %add3A_80, %mul3A_81 : i32
    %add3A_83 = vector.broadcast %mul3A_82 : i32 to vector<16xi32>
    %add3A_84 = arith.addi %get3A_4, %add3A_83 : vector<16xi32>
    %swap3A_85 = arith.constant 96 : index
    %swap3A_86 = tpu.vector_load %arg6[%swap3A_85] {strides = array<i32>} : memref<128xi32, #tpu.memory_space<vmem>>, vector<16xi32>,
    %swap3A_87 = vector.shape_cast %swap3A_86 : vector<16xi32> to vector<16xi32>
    %swap3A_88 = vector.shape_cast %add3A_84 : vector<16xi32> to vector<16xi32>
    tpu.vector_store %arg6[%swap3A_85], %swap3A_88 {strides = array<i32>} : memref<128xi32, #tpu.memory_space<vmem>>, vector<16xi32>,
    %add3A_89 = vector.broadcast %mul3A_82 : i32 to vector<16xi32>
    %add3A_90 = arith.addi %get3A_7, %add3A_89 : vector<16xi32>
    %swap3A_91 = arith.constant 112 : index
    %swap3A_92 = tpu.vector_load %arg6[%swap3A_91] {strides = array<i32>} : memref<128xi32, #tpu.memory_space<vmem>>, vector<16xi32>,
    %swap3A_93 = vector.shape_cast %swap3A_92 : vector<16xi32> to vector<16xi32>
    %swap3A_94 = vector.shape_cast %add3A_90 : vector<16xi32> to vector<16xi32>
    tpu.vector_store %arg6[%swap3A_91], %swap3A_94 {strides = array<i32>} : memref<128xi32, #tpu.memory_space<vmem>>, vector<16xi32>,
    %dma_start3A = arith.constant 0 : i32
    %dma_start3A_95 = arith.constant 0 : i32
    %dma_start3A_96 = tpu.memref_slice %arg2[%dma_start3A, %dma_start3A_95] : memref<240000x128xf32, #tpu.memory_space<hbm>> -> memref<240000x128xf32, #tpu.memory_space<hbm>>
    tpu.enqueue_indirect_dma source(%dma_start3A_96 : memref<240000x128xf32, #tpu.memory_space<hbm>>) target(%arg12 : memref<128x128xf32, #tpu.memory_space<vmem>>) offsets(%arg6 : memref<128xi32, #tpu.memory_space<vmem>>) semaphore(%arg18 : memref<!tpu.dma_semaphore, #tpu.memory_space<semaphore_mem>>)
    %add3A_97 = arith.constant 1 : i32
    %add3A_98 = arith.addi %add3A_97, %select_n3A : i32
    %rem3A_99 = arith.constant 60 : i32
    %rem3A_100 = arith.remsi %add3A_98, %rem3A_99 : i32
    %mul3A_101 = arith.constant 4 : i32
    %mul3A_102 = arith.muli %rem3A_100, %mul3A_101 : i32
    %add3A_103 = arith.constant 0 : i32
    %add3A_104 = arith.addi %mul3A_102, %add3A_103 : i32
    %mul3A_105 = arith.constant 1000 : i32
    %mul3A_106 = arith.muli %add3A_104, %mul3A_105 : i32
    %add3A_107 = vector.broadcast %mul3A_106 : i32 to vector<16xi32>
    %add3A_108 = arith.addi %get3A_4, %add3A_107 : vector<16xi32>
    %swap3A_109 = arith.constant 0 : index
    %swap3A_110 = tpu.vector_load %arg7[%swap3A_109] {strides = array<i32>} : memref<128xi32, #tpu.memory_space<vmem>>, vector<16xi32>,
    %swap3A_111 = vector.shape_cast %swap3A_110 : vector<16xi32> to vector<16xi32>
    %swap3A_112 = vector.shape_cast %add3A_108 : vector<16xi32> to vector<16xi32>
    tpu.vector_store %arg7[%swap3A_109], %swap3A_112 {strides = array<i32>} : memref<128xi32, #tpu.memory_space<vmem>>, vector<16xi32>,
    %add3A_113 = vector.broadcast %mul3A_106 : i32 to vector<16xi32>
    %add3A_114 = arith.addi %get3A_7, %add3A_113 : vector<16xi32>
    %swap3A_115 = arith.constant 16 : index
    %swap3A_116 = tpu.vector_load %arg7[%swap3A_115] {strides = array<i32>} : memref<128xi32, #tpu.memory_space<vmem>>, vector<16xi32>,
    %swap3A_117 = vector.shape_cast %swap3A_116 : vector<16xi32> to vector<16xi32>
    %swap3A_118 = vector.shape_cast %add3A_114 : vector<16xi32> to vector<16xi32>
    tpu.vector_store %arg7[%swap3A_115], %swap3A_118 {strides = array<i32>} : memref<128xi32, #tpu.memory_space<vmem>>, vector<16xi32>,
    %add3A_119 = arith.constant 1 : i32
    %add3A_120 = arith.addi %mul3A_102, %add3A_119 : i32
    %mul3A_121 = arith.constant 1000 : i32
    %mul3A_122 = arith.muli %add3A_120, %mul3A_121 : i32
    %add3A_123 = vector.broadcast %mul3A_122 : i32 to vector<16xi32>
    %add3A_124 = arith.addi %get3A_4, %add3A_123 : vector<16xi32>
    %swap3A_125 = arith.constant 32 : index
    %swap3A_126 = tpu.vector_load %arg7[%swap3A_125] {strides = array<i32>} : memref<128xi32, #tpu.memory_space<vmem>>, vector<16xi32>,
    %swap3A_127 = vector.shape_cast %swap3A_126 : vector<16xi32> to vector<16xi32>
    %swap3A_128 = vector.shape_cast %add3A_124 : vector<16xi32> to vector<16xi32>
    tpu.vector_store %arg7[%swap3A_125], %swap3A_128 {strides = array<i32>} : memref<128xi32, #tpu.memory_space<vmem>>, vector<16xi32>,
    %add3A_129 = vector.broadcast %mul3A_122 : i32 to vector<16xi32>
    %add3A_130 = arith.addi %get3A_7, %add3A_129 : vector<16xi32>
    %swap3A_131 = arith.constant 48 : index
    %swap3A_132 = tpu.vector_load %arg7[%swap3A_131] {strides = array<i32>} : memref<128xi32, #tpu.memory_space<vmem>>, vector<16xi32>,
    %swap3A_133 = vector.shape_cast %swap3A_132 : vector<16xi32> to vector<16xi32>
    %swap3A_134 = vector.shape_cast %add3A_130 : vector<16xi32> to vector<16xi32>
    tpu.vector_store %arg7[%swap3A_131], %swap3A_134 {strides = array<i32>} : memref<128xi32, #tpu.memory_space<vmem>>, vector<16xi32>,
    %add3A_135 = arith.constant 2 : i32
    %add3A_136 = arith.addi %mul3A_102, %add3A_135 : i32
    %mul3A_137 = arith.constant 1000 : i32
    %mul3A_138 = arith.muli %add3A_136, %mul3A_137 : i32
    %add3A_139 = vector.broadcast %mul3A_138 : i32 to vector<16xi32>
    %add3A_140 = arith.addi %get3A_4, %add3A_139 : vector<16xi32>
    %swap3A_141 = arith.constant 64 : index
    %swap3A_142 = tpu.vector_load %arg7[%swap3A_141] {strides = array<i32>} : memref<128xi32, #tpu.memory_space<vmem>>, vector<16xi32>,
    %swap3A_143 = vector.shape_cast %swap3A_142 : vector<16xi32> to vector<16xi32>
    %swap3A_144 = vector.shape_cast %add3A_140 : vector<16xi32> to vector<16xi32>
    tpu.vector_store %arg7[%swap3A_141], %swap3A_144 {strides = array<i32>} : memref<128xi32, #tpu.memory_space<vmem>>, vector<16xi32>,
    %add3A_145 = vector.broadcast %mul3A_138 : i32 to vector<16xi32>
    %add3A_146 = arith.addi %get3A_7, %add3A_145 : vector<16xi32>
    %swap3A_147 = arith.constant 80 : index
    %swap3A_148 = tpu.vector_load %arg7[%swap3A_147] {strides = array<i32>} : memref<128xi32, #tpu.memory_space<vmem>>, vector<16xi32>,
    %swap3A_149 = vector.shape_cast %swap3A_148 : vector<16xi32> to vector<16xi32>
    %swap3A_150 = vector.shape_cast %add3A_146 : vector<16xi32> to vector<16xi32>
    tpu.vector_store %arg7[%swap3A_147], %swap3A_150 {strides = array<i32>} : memref<128xi32, #tpu.memory_space<vmem>>, vector<16xi32>,
    %add3A_151 = arith.constant 3 : i32
    %add3A_152 = arith.addi %mul3A_102, %add3A_151 : i32
    %mul3A_153 = arith.constant 1000 : i32
    %mul3A_154 = arith.muli %add3A_152, %mul3A_153 : i32
    %add3A_155 = vector.broadcast %mul3A_154 : i32 to vector<16xi32>
    %add3A_156 = arith.addi %get3A_4, %add3A_155 : vector<16xi32>
    %swap3A_157 = arith.constant 96 : index
    %swap3A_158 = tpu.vector_load %arg7[%swap3A_157] {strides = array<i32>} : memref<128xi32, #tpu.memory_space<vmem>>, vector<16xi32>,
    %swap3A_159 = vector.shape_cast %swap3A_158 : vector<16xi32> to vector<16xi32>
    %swap3A_160 = vector.shape_cast %add3A_156 : vector<16xi32> to vector<16xi32>
    tpu.vector_store %arg7[%swap3A_157], %swap3A_160 {strides = array<i32>} : memref<128xi32, #tpu.memory_space<vmem>>, vector<16xi32>,
    %add3A_161 = vector.broadcast %mul3A_154 : i32 to vector<16xi32>
    %add3A_162 = arith.addi %get3A_7, %add3A_161 : vector<16xi32>
    %swap3A_163 = arith.constant 112 : index
    %swap3A_164 = tpu.vector_load %arg7[%swap3A_163] {strides = array<i32>} : memref<128xi32, #tpu.memory_space<vmem>>, vector<16xi32>,
    %swap3A_165 = vector.shape_cast %swap3A_164 : vector<16xi32> to vector<16xi32>
    %swap3A_166 = vector.shape_cast %add3A_162 : vector<16xi32> to vector<16xi32>
    tpu.vector_store %arg7[%swap3A_163], %swap3A_166 {strides = array<i32>} : memref<128xi32, #tpu.memory_space<vmem>>, vector<16xi32>,
    %dma_start3A_167 = arith.constant 0 : i32
    %dma_start3A_168 = arith.constant 0 : i32
    %dma_start3A_169 = tpu.memref_slice %arg2[%dma_start3A_167, %dma_start3A_168] : memref<240000x128xf32, #tpu.memory_space<hbm>> -> memref<240000x128xf32, #tpu.memory_space<hbm>>
    tpu.enqueue_indirect_dma source(%dma_start3A_169 : memref<240000x128xf32, #tpu.memory_space<hbm>>) target(%arg13 : memref<128x128xf32, #tpu.memory_space<vmem>>) offsets(%arg7 : memref<128xi32, #tpu.memory_space<vmem>>) semaphore(%arg19 : memref<!tpu.dma_semaphore, #tpu.memory_space<semaphore_mem>>)
    %add3A_170 = arith.constant 2 : i32
    %add3A_171 = arith.addi %add3A_170, %select_n3A : i32
    %rem3A_172 = arith.constant 60 : i32
    %rem3A_173 = arith.remsi %add3A_171, %rem3A_172 : i32
    %mul3A_174 = arith.constant 4 : i32
    %mul3A_175 = arith.muli %rem3A_173, %mul3A_174 : i32
    %add3A_176 = arith.constant 0 : i32
    %add3A_177 = arith.addi %mul3A_175, %add3A_176 : i32
    %mul3A_178 = arith.constant 1000 : i32
    %mul3A_179 = arith.muli %add3A_177, %mul3A_178 : i32
    %add3A_180 = vector.broadcast %mul3A_179 : i32 to vector<16xi32>
    %add3A_181 = arith.addi %get3A_4, %add3A_180 : vector<16xi32>
    %swap3A_182 = arith.constant 0 : index
    %swap3A_183 = tpu.vector_load %arg8[%swap3A_182] {strides = array<i32>} : memref<128xi32, #tpu.memory_space<vmem>>, vector<16xi32>,
    %swap3A_184 = vector.shape_cast %swap3A_183 : vector<16xi32> to vector<16xi32>
    %swap3A_185 = vector.shape_cast %add3A_181 : vector<16xi32> to vector<16xi32>
    tpu.vector_store %arg8[%swap3A_182], %swap3A_185 {strides = array<i32>} : memref<128xi32, #tpu.memory_space<vmem>>, vector<16xi32>,
    %add3A_186 = vector.broadcast %mul3A_179 : i32 to vector<16xi32>
    %add3A_187 = arith.addi %get3A_7, %add3A_186 : vector<16xi32>
    %swap3A_188 = arith.constant 16 : index
    %swap3A_189 = tpu.vector_load %arg8[%swap3A_188] {strides = array<i32>} : memref<128xi32, #tpu.memory_space<vmem>>, vector<16xi32>,
    %swap3A_190 = vector.shape_cast %swap3A_189 : vector<16xi32> to vector<16xi32>
    %swap3A_191 = vector.shape_cast %add3A_187 : vector<16xi32> to vector<16xi32>
    tpu.vector_store %arg8[%swap3A_188], %swap3A_191 {strides = array<i32>} : memref<128xi32, #tpu.memory_space<vmem>>, vector<16xi32>,
    %add3A_192 = arith.constant 1 : i32
    %add3A_193 = arith.addi %mul3A_175, %add3A_192 : i32
    %mul3A_194 = arith.constant 1000 : i32
    %mul3A_195 = arith.muli %add3A_193, %mul3A_194 : i32
    %add3A_196 = vector.broadcast %mul3A_195 : i32 to vector<16xi32>
    %add3A_197 = arith.addi %get3A_4, %add3A_196 : vector<16xi32>
    %swap3A_198 = arith.constant 32 : index
    %swap3A_199 = tpu.vector_load %arg8[%swap3A_198] {strides = array<i32>} : memref<128xi32, #tpu.memory_space<vmem>>, vector<16xi32>,
    %swap3A_200 = vector.shape_cast %swap3A_199 : vector<16xi32> to vector<16xi32>
    %swap3A_201 = vector.shape_cast %add3A_197 : vector<16xi32> to vector<16xi32>
    tpu.vector_store %arg8[%swap3A_198], %swap3A_201 {strides = array<i32>} : memref<128xi32, #tpu.memory_space<vmem>>, vector<16xi32>,
    %add3A_202 = vector.broadcast %mul3A_195 : i32 to vector<16xi32>
    %add3A_203 = arith.addi %get3A_7, %add3A_202 : vector<16xi32>
    %swap3A_204 = arith.constant 48 : index
    %swap3A_205 = tpu.vector_load %arg8[%swap3A_204] {strides = array<i32>} : memref<128xi32, #tpu.memory_space<vmem>>, vector<16xi32>,
    %swap3A_206 = vector.shape_cast %swap3A_205 : vector<16xi32> to vector<16xi32>
    %swap3A_207 = vector.shape_cast %add3A_203 : vector<16xi32> to vector<16xi32>
    tpu.vector_store %arg8[%swap3A_204], %swap3A_207 {strides = array<i32>} : memref<128xi32, #tpu.memory_space<vmem>>, vector<16xi32>,
    %add3A_208 = arith.constant 2 : i32
    %add3A_209 = arith.addi %mul3A_175, %add3A_208 : i32
    %mul3A_210 = arith.constant 1000 : i32
    %mul3A_211 = arith.muli %add3A_209, %mul3A_210 : i32
    %add3A_212 = vector.broadcast %mul3A_211 : i32 to vector<16xi32>
    %add3A_213 = arith.addi %get3A_4, %add3A_212 : vector<16xi32>
    %swap3A_214 = arith.constant 64 : index
    %swap3A_215 = tpu.vector_load %arg8[%swap3A_214] {strides = array<i32>} : memref<128xi32, #tpu.memory_space<vmem>>, vector<16xi32>,
    %swap3A_216 = vector.shape_cast %swap3A_215 : vector<16xi32> to vector<16xi32>
    %swap3A_217 = vector.shape_cast %add3A_213 : vector<16xi32> to vector<16xi32>
    tpu.vector_store %arg8[%swap3A_214], %swap3A_217 {strides = array<i32>} : memref<128xi32, #tpu.memory_space<vmem>>, vector<16xi32>,
    %add3A_218 = vector.broadcast %mul3A_211 : i32 to vector<16xi32>
    %add3A_219 = arith.addi %get3A_7, %add3A_218 : vector<16xi32>
    %swap3A_220 = arith.constant 80 : index
    %swap3A_221 = tpu.vector_load %arg8[%swap3A_220] {strides = array<i32>} : memref<128xi32, #tpu.memory_space<vmem>>, vector<16xi32>,
    %swap3A_222 = vector.shape_cast %swap3A_221 : vector<16xi32> to vector<16xi32>
    %swap3A_223 = vector.shape_cast %add3A_219 : vector<16xi32> to vector<16xi32>
    tpu.vector_store %arg8[%swap3A_220], %swap3A_223 {strides = array<i32>} : memref<128xi32, #tpu.memory_space<vmem>>, vector<16xi32>,
    %add3A_224 = arith.constant 3 : i32
    %add3A_225 = arith.addi %mul3A_175, %add3A_224 : i32
    %mul3A_226 = arith.constant 1000 : i32
    %mul3A_227 = arith.muli %add3A_225, %mul3A_226 : i32
    %add3A_228 = vector.broadcast %mul3A_227 : i32 to vector<16xi32>
    %add3A_229 = arith.addi %get3A_4, %add3A_228 : vector<16xi32>
    %swap3A_230 = arith.constant 96 : index
    %swap3A_231 = tpu.vector_load %arg8[%swap3A_230] {strides = array<i32>} : memref<128xi32, #tpu.memory_space<vmem>>, vector<16xi32>,
    %swap3A_232 = vector.shape_cast %swap3A_231 : vector<16xi32> to vector<16xi32>
    %swap3A_233 = vector.shape_cast %add3A_229 : vector<16xi32> to vector<16xi32>
    tpu.vector_store %arg8[%swap3A_230], %swap3A_233 {strides = array<i32>} : memref<128xi32, #tpu.memory_space<vmem>>, vector<16xi32>,
    %add3A_234 = vector.broadcast %mul3A_227 : i32 to vector<16xi32>
    %add3A_235 = arith.addi %get3A_7, %add3A_234 : vector<16xi32>
    %swap3A_236 = arith.constant 112 : index
    %swap3A_237 = tpu.vector_load %arg8[%swap3A_236] {strides = array<i32>} : memref<128xi32, #tpu.memory_space<vmem>>, vector<16xi32>,
    %swap3A_238 = vector.shape_cast %swap3A_237 : vector<16xi32> to vector<16xi32>
    %swap3A_239 = vector.shape_cast %add3A_235 : vector<16xi32> to vector<16xi32>
    tpu.vector_store %arg8[%swap3A_236], %swap3A_239 {strides = array<i32>} : memref<128xi32, #tpu.memory_space<vmem>>, vector<16xi32>,
    %dma_start3A_240 = arith.constant 0 : i32
    %dma_start3A_241 = arith.constant 0 : i32
    %dma_start3A_242 = tpu.memref_slice %arg2[%dma_start3A_240, %dma_start3A_241] : memref<240000x128xf32, #tpu.memory_space<hbm>> -> memref<240000x128xf32, #tpu.memory_space<hbm>>
    tpu.enqueue_indirect_dma source(%dma_start3A_242 : memref<240000x128xf32, #tpu.memory_space<hbm>>) target(%arg14 : memref<128x128xf32, #tpu.memory_space<vmem>>) offsets(%arg8 : memref<128xi32, #tpu.memory_space<vmem>>) semaphore(%arg20 : memref<!tpu.dma_semaphore, #tpu.memory_space<semaphore_mem>>)
    %add3A_243 = arith.constant 3 : i32
    %add3A_244 = arith.addi %add3A_243, %select_n3A : i32
    %rem3A_245 = arith.constant 60 : i32
    %rem3A_246 = arith.remsi %add3A_244, %rem3A_245 : i32
    %mul3A_247 = arith.constant 4 : i32
    %mul3A_248 = arith.muli %rem3A_246, %mul3A_247 : i32
    %add3A_249 = arith.constant 0 : i32
    %add3A_250 = arith.addi %mul3A_248, %add3A_249 : i32
    %mul3A_251 = arith.constant 1000 : i32
    %mul3A_252 = arith.muli %add3A_250, %mul3A_251 : i32
    %add3A_253 = vector.broadcast %mul3A_252 : i32 to vector<16xi32>
    %add3A_254 = arith.addi %get3A_4, %add3A_253 : vector<16xi32>
    %swap3A_255 = arith.constant 0 : index
    %swap3A_256 = tpu.vector_load %arg9[%swap3A_255] {strides = array<i32>} : memref<128xi32, #tpu.memory_space<vmem>>, vector<16xi32>,
    %swap3A_257 = vector.shape_cast %swap3A_256 : vector<16xi32> to vector<16xi32>
    %swap3A_258 = vector.shape_cast %add3A_254 : vector<16xi32> to vector<16xi32>
    tpu.vector_store %arg9[%swap3A_255], %swap3A_258 {strides = array<i32>} : memref<128xi32, #tpu.memory_space<vmem>>, vector<16xi32>,
    %add3A_259 = vector.broadcast %mul3A_252 : i32 to vector<16xi32>
    %add3A_260 = arith.addi %get3A_7, %add3A_259 : vector<16xi32>
    %swap3A_261 = arith.constant 16 : index
    %swap3A_262 = tpu.vector_load %arg9[%swap3A_261] {strides = array<i32>} : memref<128xi32, #tpu.memory_space<vmem>>, vector<16xi32>,
    %swap3A_263 = vector.shape_cast %swap3A_262 : vector<16xi32> to vector<16xi32>
    %swap3A_264 = vector.shape_cast %add3A_260 : vector<16xi32> to vector<16xi32>
    tpu.vector_store %arg9[%swap3A_261], %swap3A_264 {strides = array<i32>} : memref<128xi32, #tpu.memory_space<vmem>>, vector<16xi32>,
    %add3A_265 = arith.constant 1 : i32
    %add3A_266 = arith.addi %mul3A_248, %add3A_265 : i32
    %mul3A_267 = arith.constant 1000 : i32
    %mul3A_268 = arith.muli %add3A_266, %mul3A_267 : i32
    %add3A_269 = vector.broadcast %mul3A_268 : i32 to vector<16xi32>
    %add3A_270 = arith.addi %get3A_4, %add3A_269 : vector<16xi32>
    %swap3A_271 = arith.constant 32 : index
    %swap3A_272 = tpu.vector_load %arg9[%swap3A_271] {strides = array<i32>} : memref<128xi32, #tpu.memory_space<vmem>>, vector<16xi32>,
    %swap3A_273 = vector.shape_cast %swap3A_272 : vector<16xi32> to vector<16xi32>
    %swap3A_274 = vector.shape_cast %add3A_270 : vector<16xi32> to vector<16xi32>
    tpu.vector_store %arg9[%swap3A_271], %swap3A_274 {strides = array<i32>} : memref<128xi32, #tpu.memory_space<vmem>>, vector<16xi32>,
    %add3A_275 = vector.broadcast %mul3A_268 : i32 to vector<16xi32>
    %add3A_276 = arith.addi %get3A_7, %add3A_275 : vector<16xi32>
    %swap3A_277 = arith.constant 48 : index
    %swap3A_278 = tpu.vector_load %arg9[%swap3A_277] {strides = array<i32>} : memref<128xi32, #tpu.memory_space<vmem>>, vector<16xi32>,
    %swap3A_279 = vector.shape_cast %swap3A_278 : vector<16xi32> to vector<16xi32>
    %swap3A_280 = vector.shape_cast %add3A_276 : vector<16xi32> to vector<16xi32>
    tpu.vector_store %arg9[%swap3A_277], %swap3A_280 {strides = array<i32>} : memref<128xi32, #tpu.memory_space<vmem>>, vector<16xi32>,
    %add3A_281 = arith.constant 2 : i32
    %add3A_282 = arith.addi %mul3A_248, %add3A_281 : i32
    %mul3A_283 = arith.constant 1000 : i32
    %mul3A_284 = arith.muli %add3A_282, %mul3A_283 : i32
    %add3A_285 = vector.broadcast %mul3A_284 : i32 to vector<16xi32>
    %add3A_286 = arith.addi %get3A_4, %add3A_285 : vector<16xi32>
    %swap3A_287 = arith.constant 64 : index
    %swap3A_288 = tpu.vector_load %arg9[%swap3A_287] {strides = array<i32>} : memref<128xi32, #tpu.memory_space<vmem>>, vector<16xi32>,
    %swap3A_289 = vector.shape_cast %swap3A_288 : vector<16xi32> to vector<16xi32>
    %swap3A_290 = vector.shape_cast %add3A_286 : vector<16xi32> to vector<16xi32>
    tpu.vector_store %arg9[%swap3A_287], %swap3A_290 {strides = array<i32>} : memref<128xi32, #tpu.memory_space<vmem>>, vector<16xi32>,
    %add3A_291 = vector.broadcast %mul3A_284 : i32 to vector<16xi32>
    %add3A_292 = arith.addi %get3A_7, %add3A_291 : vector<16xi32>
    %swap3A_293 = arith.constant 80 : index
    %swap3A_294 = tpu.vector_load %arg9[%swap3A_293] {strides = array<i32>} : memref<128xi32, #tpu.memory_space<vmem>>, vector<16xi32>,
    %swap3A_295 = vector.shape_cast %swap3A_294 : vector<16xi32> to vector<16xi32>
    %swap3A_296 = vector.shape_cast %add3A_292 : vector<16xi32> to vector<16xi32>
    tpu.vector_store %arg9[%swap3A_293], %swap3A_296 {strides = array<i32>} : memref<128xi32, #tpu.memory_space<vmem>>, vector<16xi32>,
    %add3A_297 = arith.constant 3 : i32
    %add3A_298 = arith.addi %mul3A_248, %add3A_297 : i32
    %mul3A_299 = arith.constant 1000 : i32
    %mul3A_300 = arith.muli %add3A_298, %mul3A_299 : i32
    %add3A_301 = vector.broadcast %mul3A_300 : i32 to vector<16xi32>
    %add3A_302 = arith.addi %get3A_4, %add3A_301 : vector<16xi32>
    %swap3A_303 = arith.constant 96 : index
    %swap3A_304 = tpu.vector_load %arg9[%swap3A_303] {strides = array<i32>} : memref<128xi32, #tpu.memory_space<vmem>>, vector<16xi32>,
    %swap3A_305 = vector.shape_cast %swap3A_304 : vector<16xi32> to vector<16xi32>
    %swap3A_306 = vector.shape_cast %add3A_302 : vector<16xi32> to vector<16xi32>
    tpu.vector_store %arg9[%swap3A_303], %swap3A_306 {strides = array<i32>} : memref<128xi32, #tpu.memory_space<vmem>>, vector<16xi32>,
    %add3A_307 = vector.broadcast %mul3A_300 : i32 to vector<16xi32>
    %add3A_308 = arith.addi %get3A_7, %add3A_307 : vector<16xi32>
    %swap3A_309 = arith.constant 112 : index
    %swap3A_310 = tpu.vector_load %arg9[%swap3A_309] {strides = array<i32>} : memref<128xi32, #tpu.memory_space<vmem>>, vector<16xi32>,
    %swap3A_311 = vector.shape_cast %swap3A_310 : vector<16xi32> to vector<16xi32>
    %swap3A_312 = vector.shape_cast %add3A_308 : vector<16xi32> to vector<16xi32>
    tpu.vector_store %arg9[%swap3A_309], %swap3A_312 {strides = array<i32>} : memref<128xi32, #tpu.memory_space<vmem>>, vector<16xi32>,
    %dma_start3A_313 = arith.constant 0 : i32
    %dma_start3A_314 = arith.constant 0 : i32
    %dma_start3A_315 = tpu.memref_slice %arg2[%dma_start3A_313, %dma_start3A_314] : memref<240000x128xf32, #tpu.memory_space<hbm>> -> memref<240000x128xf32, #tpu.memory_space<hbm>>
    tpu.enqueue_indirect_dma source(%dma_start3A_315 : memref<240000x128xf32, #tpu.memory_space<hbm>>) target(%arg15 : memref<128x128xf32, #tpu.memory_space<vmem>>) offsets(%arg9 : memref<128xi32, #tpu.memory_space<vmem>>) semaphore(%arg21 : memref<!tpu.dma_semaphore, #tpu.memory_space<semaphore_mem>>)
    %add3A_316 = arith.constant 4 : i32
    %add3A_317 = arith.addi %add3A_316, %select_n3A : i32
    %rem3A_318 = arith.constant 60 : i32
    %rem3A_319 = arith.remsi %add3A_317, %rem3A_318 : i32
    %mul3A_320 = arith.constant 4 : i32
    %mul3A_321 = arith.muli %rem3A_319, %mul3A_320 : i32
    %add3A_322 = arith.constant 0 : i32
    %add3A_323 = arith.addi %mul3A_321, %add3A_322 : i32
    %mul3A_324 = arith.constant 1000 : i32
    %mul3A_325 = arith.muli %add3A_323, %mul3A_324 : i32
    %add3A_326 = vector.broadcast %mul3A_325 : i32 to vector<16xi32>
    %add3A_327 = arith.addi %get3A_4, %add3A_326 : vector<16xi32>
    %swap3A_328 = arith.constant 0 : index
    %swap3A_329 = tpu.vector_load %arg10[%swap3A_328] {strides = array<i32>} : memref<128xi32, #tpu.memory_space<vmem>>, vector<16xi32>,
    %swap3A_330 = vector.shape_cast %swap3A_329 : vector<16xi32> to vector<16xi32>
    %swap3A_331 = vector.shape_cast %add3A_327 : vector<16xi32> to vector<16xi32>
    tpu.vector_store %arg10[%swap3A_328], %swap3A_331 {strides = array<i32>} : memref<128xi32, #tpu.memory_space<vmem>>, vector<16xi32>,
    %add3A_332 = vector.broadcast %mul3A_325 : i32 to vector<16xi32>
    %add3A_333 = arith.addi %get3A_7, %add3A_332 : vector<16xi32>
    %swap3A_334 = arith.constant 16 : index
    %swap3A_335 = tpu.vector_load %arg10[%swap3A_334] {strides = array<i32>} : memref<128xi32, #tpu.memory_space<vmem>>, vector<16xi32>,
    %swap3A_336 = vector.shape_cast %swap3A_335 : vector<16xi32> to vector<16xi32>
    %swap3A_337 = vector.shape_cast %add3A_333 : vector<16xi32> to vector<16xi32>
    tpu.vector_store %arg10[%swap3A_334], %swap3A_337 {strides = array<i32>} : memref<128xi32, #tpu.memory_space<vmem>>, vector<16xi32>,
    %add3A_338 = arith.constant 1 : i32
    %add3A_339 = arith.addi %mul3A_321, %add3A_338 : i32
    %mul3A_340 = arith.constant 1000 : i32
    %mul3A_341 = arith.muli %add3A_339, %mul3A_340 : i32
    %add3A_342 = vector.broadcast %mul3A_341 : i32 to vector<16xi32>
    %add3A_343 = arith.addi %get3A_4, %add3A_342 : vector<16xi32>
    %swap3A_344 = arith.constant 32 : index
    %swap3A_345 = tpu.vector_load %arg10[%swap3A_344] {strides = array<i32>} : memref<128xi32, #tpu.memory_space<vmem>>, vector<16xi32>,
    %swap3A_346 = vector.shape_cast %swap3A_345 : vector<16xi32> to vector<16xi32>
    %swap3A_347 = vector.shape_cast %add3A_343 : vector<16xi32> to vector<16xi32>
    tpu.vector_store %arg10[%swap3A_344], %swap3A_347 {strides = array<i32>} : memref<128xi32, #tpu.memory_space<vmem>>, vector<16xi32>,
    %add3A_348 = vector.broadcast %mul3A_341 : i32 to vector<16xi32>
    %add3A_349 = arith.addi %get3A_7, %add3A_348 : vector<16xi32>
    %swap3A_350 = arith.constant 48 : index
    %swap3A_351 = tpu.vector_load %arg10[%swap3A_350] {strides = array<i32>} : memref<128xi32, #tpu.memory_space<vmem>>, vector<16xi32>,
    %swap3A_352 = vector.shape_cast %swap3A_351 : vector<16xi32> to vector<16xi32>
    %swap3A_353 = vector.shape_cast %add3A_349 : vector<16xi32> to vector<16xi32>
    tpu.vector_store %arg10[%swap3A_350], %swap3A_353 {strides = array<i32>} : memref<128xi32, #tpu.memory_space<vmem>>, vector<16xi32>,
    %add3A_354 = arith.constant 2 : i32
    %add3A_355 = arith.addi %mul3A_321, %add3A_354 : i32
    %mul3A_356 = arith.constant 1000 : i32
    %mul3A_357 = arith.muli %add3A_355, %mul3A_356 : i32
    %add3A_358 = vector.broadcast %mul3A_357 : i32 to vector<16xi32>
    %add3A_359 = arith.addi %get3A_4, %add3A_358 : vector<16xi32>
    %swap3A_360 = arith.constant 64 : index
    %swap3A_361 = tpu.vector_load %arg10[%swap3A_360] {strides = array<i32>} : memref<128xi32, #tpu.memory_space<vmem>>, vector<16xi32>,
    %swap3A_362 = vector.shape_cast %swap3A_361 : vector<16xi32> to vector<16xi32>
    %swap3A_363 = vector.shape_cast %add3A_359 : vector<16xi32> to vector<16xi32>
    tpu.vector_store %arg10[%swap3A_360], %swap3A_363 {strides = array<i32>} : memref<128xi32, #tpu.memory_space<vmem>>, vector<16xi32>,
    %add3A_364 = vector.broadcast %mul3A_357 : i32 to vector<16xi32>
    %add3A_365 = arith.addi %get3A_7, %add3A_364 : vector<16xi32>
    %swap3A_366 = arith.constant 80 : index
    %swap3A_367 = tpu.vector_load %arg10[%swap3A_366] {strides = array<i32>} : memref<128xi32, #tpu.memory_space<vmem>>, vector<16xi32>,
    %swap3A_368 = vector.shape_cast %swap3A_367 : vector<16xi32> to vector<16xi32>
    %swap3A_369 = vector.shape_cast %add3A_365 : vector<16xi32> to vector<16xi32>
    tpu.vector_store %arg10[%swap3A_366], %swap3A_369 {strides = array<i32>} : memref<128xi32, #tpu.memory_space<vmem>>, vector<16xi32>,
    %add3A_370 = arith.constant 3 : i32
    %add3A_371 = arith.addi %mul3A_321, %add3A_370 : i32
    %mul3A_372 = arith.constant 1000 : i32
    %mul3A_373 = arith.muli %add3A_371, %mul3A_372 : i32
    %add3A_374 = vector.broadcast %mul3A_373 : i32 to vector<16xi32>
    %add3A_375 = arith.addi %get3A_4, %add3A_374 : vector<16xi32>
    %swap3A_376 = arith.constant 96 : index
    %swap3A_377 = tpu.vector_load %arg10[%swap3A_376] {strides = array<i32>} : memref<128xi32, #tpu.memory_space<vmem>>, vector<16xi32>,
    %swap3A_378 = vector.shape_cast %swap3A_377 : vector<16xi32> to vector<16xi32>
    %swap3A_379 = vector.shape_cast %add3A_375 : vector<16xi32> to vector<16xi32>
    tpu.vector_store %arg10[%swap3A_376], %swap3A_379 {strides = array<i32>} : memref<128xi32, #tpu.memory_space<vmem>>, vector<16xi32>,
    %add3A_380 = vector.broadcast %mul3A_373 : i32 to vector<16xi32>
    %add3A_381 = arith.addi %get3A_7, %add3A_380 : vector<16xi32>
    %swap3A_382 = arith.constant 112 : index
    %swap3A_383 = tpu.vector_load %arg10[%swap3A_382] {strides = array<i32>} : memref<128xi32, #tpu.memory_space<vmem>>, vector<16xi32>,
    %swap3A_384 = vector.shape_cast %swap3A_383 : vector<16xi32> to vector<16xi32>
    %swap3A_385 = vector.shape_cast %add3A_381 : vector<16xi32> to vector<16xi32>
    tpu.vector_store %arg10[%swap3A_382], %swap3A_385 {strides = array<i32>} : memref<128xi32, #tpu.memory_space<vmem>>, vector<16xi32>,
    %dma_start3A_386 = arith.constant 0 : i32
    %dma_start3A_387 = arith.constant 0 : i32
    %dma_start3A_388 = tpu.memref_slice %arg2[%dma_start3A_386, %dma_start3A_387] : memref<240000x128xf32, #tpu.memory_space<hbm>> -> memref<240000x128xf32, #tpu.memory_space<hbm>>
    tpu.enqueue_indirect_dma source(%dma_start3A_388 : memref<240000x128xf32, #tpu.memory_space<hbm>>) target(%arg16 : memref<128x128xf32, #tpu.memory_space<vmem>>) offsets(%arg10 : memref<128xi32, #tpu.memory_space<vmem>>) semaphore(%arg22 : memref<!tpu.dma_semaphore, #tpu.memory_space<semaphore_mem>>)
    %scan3A = arith.constant 0 : i32
    %scan3A_389 = arith.constant 0 : i32
    %scan3A_390 = arith.constant 10 : i32
    %scan3A_391 = arith.addi %scan3A_389, %scan3A_390 : i32
    %scan3A_392 = arith.constant 1 : i32
    scf.for %scan3A_681 = %scan3A_389 to %scan3A_391 step %scan3A_392  : i32 {
      %mul3A_682 = arith.constant 6 : i32
      %mul3A_683 = arith.muli %mul3A_682, %scan3A_681 : i32
      %add3A_684 = arith.constant 0 : i32
      %add3A_685 = arith.addi %mul3A_683, %add3A_684 : i32
      %gt3A = arith.constant 0 : i32
      %gt3A_686 = arith.cmpi sgt, %scan3A_681, %gt3A : i32
      %convert_element_type3A = arith.extui %gt3A_686 : i1 to i32
      %cond3A = arith.constant 0 : i32
      %cond3A_687 = arith.cmpi ne, %convert_element_type3A, %cond3A : i32
      scf.if %cond3A_687 {
        %dma_wait3A_1216 = arith.constant 0 : i32
        %dma_wait3A_1217 = arith.constant 0 : i32
        %dma_wait3A_1218 = tpu.memref_slice %arg17[%dma_wait3A_1216, %dma_wait3A_1217] : memref<128x128xf32, #tpu.memory_space<vmem>> -> memref<32x128xf32, #tpu.memory_space<vmem>>
        %dma_wait3A_1219 = arith.constant 0 : i32
        %dma_wait3A_1220 = arith.constant 0 : i32
        %dma_wait3A_1221 = tpu.memref_slice %arg4[%dma_wait3A_1219, %dma_wait3A_1220] : memref<245760x128xf32, #tpu.memory_space<hbm>> -> memref<32x128xf32, #tpu.memory_space<hbm>>
        %dma_wait3A_1222 = arith.constant 0 : i32
        %dma_wait3A_1223 = arith.constant 0 : i32
        %dma_wait3A_1224 = tpu.memref_slice %arg4[%dma_wait3A_1222, %dma_wait3A_1223] : memref<245760x128xf32, #tpu.memory_space<hbm>> -> memref<32x128xf32, #tpu.memory_space<hbm>>
        %dma_wait3A_1225 = arith.constant 0 : i32
        %dma_wait3A_1226 = arith.constant 0 : i32
        %dma_wait3A_1227 = tpu.memref_slice %arg17[%dma_wait3A_1225, %dma_wait3A_1226] : memref<128x128xf32, #tpu.memory_space<vmem>> -> memref<32x128xf32, #tpu.memory_space<vmem>>
        tpu.wait_dma2 semaphore(%arg29 : memref<!tpu.dma_semaphore, #tpu.memory_space<semaphore_mem>>) src(%dma_wait3A_1227 : memref<32x128xf32, #tpu.memory_space<vmem>>) dst(%dma_wait3A_1224 : memref<32x128xf32, #tpu.memory_space<hbm>>)
        %dma_wait3A_1228 = arith.constant 0 : i32
        %dma_wait3A_1229 = arith.constant 0 : i32
        %dma_wait3A_1230 = tpu.memref_slice %arg17[%dma_wait3A_1228, %dma_wait3A_1229] : memref<128x128xf32, #tpu.memory_space<vmem>> -> memref<32x128xf32, #tpu.memory_space<vmem>>
        %dma_wait3A_1231 = arith.constant 0 : i32
        %dma_wait3A_1232 = arith.constant 0 : i32
        %dma_wait3A_1233 = tpu.memref_slice %arg4[%dma_wait3A_1231, %dma_wait3A_1232] : memref<245760x128xf32, #tpu.memory_space<hbm>> -> memref<32x128xf32, #tpu.memory_space<hbm>>
        %dma_wait3A_1234 = arith.constant 0 : i32
        %dma_wait3A_1235 = arith.constant 0 : i32
        %dma_wait3A_1236 = tpu.memref_slice %arg4[%dma_wait3A_1234, %dma_wait3A_1235] : memref<245760x128xf32, #tpu.memory_space<hbm>> -> memref<32x128xf32, #tpu.memory_space<hbm>>
        %dma_wait3A_1237 = arith.constant 0 : i32
        %dma_wait3A_1238 = arith.constant 0 : i32
        %dma_wait3A_1239 = tpu.memref_slice %arg17[%dma_wait3A_1237, %dma_wait3A_1238] : memref<128x128xf32, #tpu.memory_space<vmem>> -> memref<32x128xf32, #tpu.memory_space<vmem>>
        tpu.wait_dma2 semaphore(%arg29 : memref<!tpu.dma_semaphore, #tpu.memory_space<semaphore_mem>>) src(%dma_wait3A_1239 : memref<32x128xf32, #tpu.memory_space<vmem>>) dst(%dma_wait3A_1236 : memref<32x128xf32, #tpu.memory_space<hbm>>)
        %dma_wait3A_1240 = arith.constant 0 : i32
        %dma_wait3A_1241 = arith.constant 0 : i32
        %dma_wait3A_1242 = tpu.memref_slice %arg17[%dma_wait3A_1240, %dma_wait3A_1241] : memref<128x128xf32, #tpu.memory_space<vmem>> -> memref<32x128xf32, #tpu.memory_space<vmem>>
        %dma_wait3A_1243 = arith.constant 0 : i32
        %dma_wait3A_1244 = arith.constant 0 : i32
        %dma_wait3A_1245 = tpu.memref_slice %arg4[%dma_wait3A_1243, %dma_wait3A_1244] : memref<245760x128xf32, #tpu.memory_space<hbm>> -> memref<32x128xf32, #tpu.memory_space<hbm>>
        %dma_wait3A_1246 = arith.constant 0 : i32
        %dma_wait3A_1247 = arith.constant 0 : i32
        %dma_wait3A_1248 = tpu.memref_slice %arg4[%dma_wait3A_1246, %dma_wait3A_1247] : memref<245760x128xf32, #tpu.memory_space<hbm>> -> memref<32x128xf32, #tpu.memory_space<hbm>>
        %dma_wait3A_1249 = arith.constant 0 : i32
        %dma_wait3A_1250 = arith.constant 0 : i32
        %dma_wait3A_1251 = tpu.memref_slice %arg17[%dma_wait3A_1249, %dma_wait3A_1250] : memref<128x128xf32, #tpu.memory_space<vmem>> -> memref<32x128xf32, #tpu.memory_space<vmem>>
        tpu.wait_dma2 semaphore(%arg29 : memref<!tpu.dma_semaphore, #tpu.memory_space<semaphore_mem>>) src(%dma_wait3A_1251 : memref<32x128xf32, #tpu.memory_space<vmem>>) dst(%dma_wait3A_1248 : memref<32x128xf32, #tpu.memory_space<hbm>>)
        %dma_wait3A_1252 = arith.constant 0 : i32
        %dma_wait3A_1253 = arith.constant 0 : i32
        %dma_wait3A_1254 = tpu.memref_slice %arg17[%dma_wait3A_1252, %dma_wait3A_1253] : memref<128x128xf32, #tpu.memory_space<vmem>> -> memref<32x128xf32, #tpu.memory_space<vmem>>
        %dma_wait3A_1255 = arith.constant 0 : i32
        %dma_wait3A_1256 = arith.constant 0 : i32
        %dma_wait3A_1257 = tpu.memref_slice %arg4[%dma_wait3A_1255, %dma_wait3A_1256] : memref<245760x128xf32, #tpu.memory_space<hbm>> -> memref<32x128xf32, #tpu.memory_space<hbm>>
        %dma_wait3A_1258 = arith.constant 0 : i32
        %dma_wait3A_1259 = arith.constant 0 : i32
        %dma_wait3A_1260 = tpu.memref_slice %arg4[%dma_wait3A_1258, %dma_wait3A_1259] : memref<245760x128xf32, #tpu.memory_space<hbm>> -> memref<32x128xf32, #tpu.memory_space<hbm>>
        %dma_wait3A_1261 = arith.constant 0 : i32
        %dma_wait3A_1262 = arith.constant 0 : i32
        %dma_wait3A_1263 = tpu.memref_slice %arg17[%dma_wait3A_1261, %dma_wait3A_1262] : memref<128x128xf32, #tpu.memory_space<vmem>> -> memref<32x128xf32, #tpu.memory_space<vmem>>
        tpu.wait_dma2 semaphore(%arg29 : memref<!tpu.dma_semaphore, #tpu.memory_space<semaphore_mem>>) src(%dma_wait3A_1263 : memref<32x128xf32, #tpu.memory_space<vmem>>) dst(%dma_wait3A_1260 : memref<32x128xf32, #tpu.memory_space<hbm>>)
      } else {
      }
      %add3A_688 = arith.constant 6 : i32
      %add3A_689 = arith.addi %add3A_685, %add3A_688 : i32
      %sub3A_690 = arith.constant 1 : i32
      %sub3A_691 = arith.subi %add3A_689, %sub3A_690 : i32
      %add3A_692 = arith.addi %sub3A_691, %select_n3A : i32
      %rem3A_693 = arith.constant 60 : i32
      %rem3A_694 = arith.remsi %add3A_692, %rem3A_693 : i32
      %mul3A_695 = arith.constant 4 : i32
      %mul3A_696 = arith.muli %rem3A_694, %mul3A_695 : i32
      %add3A_697 = arith.constant 0 : i32
      %add3A_698 = arith.addi %mul3A_696, %add3A_697 : i32
      %mul3A_699 = arith.constant 1000 : i32
      %mul3A_700 = arith.muli %add3A_698, %mul3A_699 : i32
      %add3A_701 = vector.broadcast %mul3A_700 : i32 to vector<16xi32>
      %add3A_702 = arith.addi %get3A_4, %add3A_701 : vector<16xi32>
      %swap3A_703 = arith.constant 0 : index
      %swap3A_704 = tpu.vector_load %arg11[%swap3A_703] {strides = array<i32>} : memref<128xi32, #tpu.memory_space<vmem>>, vector<16xi32>,
      %swap3A_705 = vector.shape_cast %swap3A_704 : vector<16xi32> to vector<16xi32>
      %swap3A_706 = vector.shape_cast %add3A_702 : vector<16xi32> to vector<16xi32>
      tpu.vector_store %arg11[%swap3A_703], %swap3A_706 {strides = array<i32>} : memref<128xi32, #tpu.memory_space<vmem>>, vector<16xi32>,
      %add3A_707 = vector.broadcast %mul3A_700 : i32 to vector<16xi32>
      %add3A_708 = arith.addi %get3A_7, %add3A_707 : vector<16xi32>
      %swap3A_709 = arith.constant 16 : index
      %swap3A_710 = tpu.vector_load %arg11[%swap3A_709] {strides = array<i32>} : memref<128xi32, #tpu.memory_space<vmem>>, vector<16xi32>,
      %swap3A_711 = vector.shape_cast %swap3A_710 : vector<16xi32> to vector<16xi32>
      %swap3A_712 = vector.shape_cast %add3A_708 : vector<16xi32> to vector<16xi32>
      tpu.vector_store %arg11[%swap3A_709], %swap3A_712 {strides = array<i32>} : memref<128xi32, #tpu.memory_space<vmem>>, vector<16xi32>,
      %add3A_713 = arith.constant 1 : i32
      %add3A_714 = arith.addi %mul3A_696, %add3A_713 : i32
      %mul3A_715 = arith.constant 1000 : i32
      %mul3A_716 = arith.muli %add3A_714, %mul3A_715 : i32
      %add3A_717 = vector.broadcast %mul3A_716 : i32 to vector<16xi32>
      %add3A_718 = arith.addi %get3A_4, %add3A_717 : vector<16xi32>
      %swap3A_719 = arith.constant 32 : index
      %swap3A_720 = tpu.vector_load %arg11[%swap3A_719] {strides = array<i32>} : memref<128xi32, #tpu.memory_space<vmem>>, vector<16xi32>,
      %swap3A_721 = vector.shape_cast %swap3A_720 : vector<16xi32> to vector<16xi32>
      %swap3A_722 = vector.shape_cast %add3A_718 : vector<16xi32> to vector<16xi32>
      tpu.vector_store %arg11[%swap3A_719], %swap3A_722 {strides = array<i32>} : memref<128xi32, #tpu.memory_space<vmem>>, vector<16xi32>,
      %add3A_723 = vector.broadcast %mul3A_716 : i32 to vector<16xi32>
      %add3A_724 = arith.addi %get3A_7, %add3A_723 : vector<16xi32>
      %swap3A_725 = arith.constant 48 : index
      %swap3A_726 = tpu.vector_load %arg11[%swap3A_725] {strides = array<i32>} : memref<128xi32, #tpu.memory_space<vmem>>, vector<16xi32>,
      %swap3A_727 = vector.shape_cast %swap3A_726 : vector<16xi32> to vector<16xi32>
      %swap3A_728 = vector.shape_cast %add3A_724 : vector<16xi32> to vector<16xi32>
      tpu.vector_store %arg11[%swap3A_725], %swap3A_728 {strides = array<i32>} : memref<128xi32, #tpu.memory_space<vmem>>, vector<16xi32>,
      %add3A_729 = arith.constant 2 : i32
      %add3A_730 = arith.addi %mul3A_696, %add3A_729 : i32
      %mul3A_731 = arith.constant 1000 : i32
      %mul3A_732 = arith.muli %add3A_730, %mul3A_731 : i32
      %add3A_733 = vector.broadcast %mul3A_732 : i32 to vector<16xi32>
      %add3A_734 = arith.addi %get3A_4, %add3A_733 : vector<16xi32>
      %swap3A_735 = arith.constant 64 : index
      %swap3A_736 = tpu.vector_load %arg11[%swap3A_735] {strides = array<i32>} : memref<128xi32, #tpu.memory_space<vmem>>, vector<16xi32>,
      %swap3A_737 = vector.shape_cast %swap3A_736 : vector<16xi32> to vector<16xi32>
      %swap3A_738 = vector.shape_cast %add3A_734 : vector<16xi32> to vector<16xi32>
      tpu.vector_store %arg11[%swap3A_735], %swap3A_738 {strides = array<i32>} : memref<128xi32, #tpu.memory_space<vmem>>, vector<16xi32>,
      %add3A_739 = vector.broadcast %mul3A_732 : i32 to vector<16xi32>
      %add3A_740 = arith.addi %get3A_7, %add3A_739 : vector<16xi32>
      %swap3A_741 = arith.constant 80 : index
      %swap3A_742 = tpu.vector_load %arg11[%swap3A_741] {strides = array<i32>} : memref<128xi32, #tpu.memory_space<vmem>>, vector<16xi32>,
      %swap3A_743 = vector.shape_cast %swap3A_742 : vector<16xi32> to vector<16xi32>
      %swap3A_744 = vector.shape_cast %add3A_740 : vector<16xi32> to vector<16xi32>
      tpu.vector_store %arg11[%swap3A_741], %swap3A_744 {strides = array<i32>} : memref<128xi32, #tpu.memory_space<vmem>>, vector<16xi32>,
      %add3A_745 = arith.constant 3 : i32
      %add3A_746 = arith.addi %mul3A_696, %add3A_745 : i32
      %mul3A_747 = arith.constant 1000 : i32
      %mul3A_748 = arith.muli %add3A_746, %mul3A_747 : i32
      %add3A_749 = vector.broadcast %mul3A_748 : i32 to vector<16xi32>
      %add3A_750 = arith.addi %get3A_4, %add3A_749 : vector<16xi32>
      %swap3A_751 = arith.constant 96 : index
      %swap3A_752 = tpu.vector_load %arg11[%swap3A_751] {strides = array<i32>} : memref<128xi32, #tpu.memory_space<vmem>>, vector<16xi32>,
      %swap3A_753 = vector.shape_cast %swap3A_752 : vector<16xi32> to vector<16xi32>
      %swap3A_754 = vector.shape_cast %add3A_750 : vector<16xi32> to vector<16xi32>
      tpu.vector_store %arg11[%swap3A_751], %swap3A_754 {strides = array<i32>} : memref<128xi32, #tpu.memory_space<vmem>>, vector<16xi32>,
      %add3A_755 = vector.broadcast %mul3A_748 : i32 to vector<16xi32>
      %add3A_756 = arith.addi %get3A_7, %add3A_755 : vector<16xi32>
      %swap3A_757 = arith.constant 112 : index
      %swap3A_758 = tpu.vector_load %arg11[%swap3A_757] {strides = array<i32>} : memref<128xi32, #tpu.memory_space<vmem>>, vector<16xi32>,
      %swap3A_759 = vector.shape_cast %swap3A_758 : vector<16xi32> to vector<16xi32>
      %swap3A_760 = vector.shape_cast %add3A_756 : vector<16xi32> to vector<16xi32>
      tpu.vector_store %arg11[%swap3A_757], %swap3A_760 {strides = array<i32>} : memref<128xi32, #tpu.memory_space<vmem>>, vector<16xi32>,
      %dma_start3A_761 = arith.constant 0 : i32
      %dma_start3A_762 = arith.constant 0 : i32
      %dma_start3A_763 = tpu.memref_slice %arg2[%dma_start3A_761, %dma_start3A_762] : memref<240000x128xf32, #tpu.memory_space<hbm>> -> memref<240000x128xf32, #tpu.memory_space<hbm>>
      tpu.enqueue_indirect_dma source(%dma_start3A_763 : memref<240000x128xf32, #tpu.memory_space<hbm>>) target(%arg17 : memref<128x128xf32, #tpu.memory_space<vmem>>) offsets(%arg11 : memref<128xi32, #tpu.memory_space<vmem>>) semaphore(%arg23 : memref<!tpu.dma_semaphore, #tpu.memory_space<semaphore_mem>>)
      %dma_wait3A_764 = arith.constant 0 : i32
      %dma_wait3A_765 = arith.constant 0 : i32
      %dma_wait3A_766 = tpu.memref_slice %arg2[%dma_wait3A_764, %dma_wait3A_765] : memref<240000x128xf32, #tpu.memory_space<hbm>> -> memref<240000x128xf32, #tpu.memory_space<hbm>>
      tpu.wait_indirect_dma semaphore(%arg18 : memref<!tpu.dma_semaphore, #tpu.memory_space<semaphore_mem>>) src(%dma_wait3A_766 : memref<240000x128xf32, #tpu.memory_space<hbm>>) dst(%arg12 : memref<128x128xf32, #tpu.memory_space<vmem>>)
      %add3A_767 = arith.addi %add3A_685, %select_n3A : i32
      %rem3A_768 = arith.constant 60 : i32
      %rem3A_769 = arith.remsi %add3A_767, %rem3A_768 : i32
      %mul3A_770 = arith.constant 4 : i32
      %mul3A_771 = arith.muli %rem3A_769, %mul3A_770 : i32
      %add3A_772 = arith.constant 0 : i32
      %add3A_773 = arith.addi %mul3A_771, %add3A_772 : i32
      %mul3A_774 = arith.constant 1024 : i32
      %mul3A_775 = arith.muli %add3A_773, %mul3A_774 : i32
      %add3A_776 = arith.addi %mul3A_775, %mul3A_2 : i32
      %dma_start3A_777 = arith.constant 0 : i32
      %dma_start3A_778 = arith.constant 0 : i32
      %dma_start3A_779 = tpu.memref_slice %arg12[%dma_start3A_777, %dma_start3A_778] : memref<128x128xf32, #tpu.memory_space<vmem>> -> memref<32x128xf32, #tpu.memory_space<vmem>>
      %dma_start3A_780 = arith.constant 0 : i32
      %dma_start3A_781 = tpu.memref_slice %arg4[%add3A_776, %dma_start3A_780] : memref<245760x128xf32, #tpu.memory_space<hbm>> -> memref<32x128xf32, #tpu.memory_space<hbm>>
      %dma_start3A_782 = arith.constant 0 : i32
      %dma_start3A_783 = tpu.memref_slice %arg4[%add3A_776, %dma_start3A_782] : memref<245760x128xf32, #tpu.memory_space<hbm>> -> memref<32x128xf32, #tpu.memory_space<hbm>>
      %dma_start3A_784 = arith.constant 0 : i32
      %dma_start3A_785 = arith.constant 0 : i32
      %dma_start3A_786 = tpu.memref_slice %arg12[%dma_start3A_784, %dma_start3A_785] : memref<128x128xf32, #tpu.memory_space<vmem>> -> memref<32x128xf32, #tpu.memory_space<vmem>>
      tpu.enqueue_dma source(%dma_start3A_786 : memref<32x128xf32, #tpu.memory_space<vmem>>) target(%dma_start3A_783 : memref<32x128xf32, #tpu.memory_space<hbm>>) target_semaphore(%arg24 : memref<!tpu.dma_semaphore, #tpu.memory_space<semaphore_mem>>)
      %add3A_787 = arith.constant 1 : i32
      %add3A_788 = arith.addi %mul3A_771, %add3A_787 : i32
      %mul3A_789 = arith.constant 1024 : i32
      %mul3A_790 = arith.muli %add3A_788, %mul3A_789 : i32
      %add3A_791 = arith.addi %mul3A_790, %mul3A_2 : i32
      %dma_start3A_792 = arith.constant 32 : i32
      %dma_start3A_793 = arith.constant 0 : i32
      %dma_start3A_794 = tpu.memref_slice %arg12[%dma_start3A_792, %dma_start3A_793] : memref<128x128xf32, #tpu.memory_space<vmem>> -> memref<32x128xf32, #tpu.memory_space<vmem>>
      %dma_start3A_795 = arith.constant 0 : i32
      %dma_start3A_796 = tpu.memref_slice %arg4[%add3A_791, %dma_start3A_795] : memref<245760x128xf32, #tpu.memory_space<hbm>> -> memref<32x128xf32, #tpu.memory_space<hbm>>
      %dma_start3A_797 = arith.constant 0 : i32
      %dma_start3A_798 = tpu.memref_slice %arg4[%add3A_791, %dma_start3A_797] : memref<245760x128xf32, #tpu.memory_space<hbm>> -> memref<32x128xf32, #tpu.memory_space<hbm>>
      %dma_start3A_799 = arith.constant 32 : i32
      %dma_start3A_800 = arith.constant 0 : i32
      %dma_start3A_801 = tpu.memref_slice %arg12[%dma_start3A_799, %dma_start3A_800] : memref<128x128xf32, #tpu.memory_space<vmem>> -> memref<32x128xf32, #tpu.memory_space<vmem>>
      tpu.enqueue_dma source(%dma_start3A_801 : memref<32x128xf32, #tpu.memory_space<vmem>>) target(%dma_start3A_798 : memref<32x128xf32, #tpu.memory_space<hbm>>) target_semaphore(%arg24 : memref<!tpu.dma_semaphore, #tpu.memory_space<semaphore_mem>>)
      %add3A_802 = arith.constant 2 : i32
      %add3A_803 = arith.addi %mul3A_771, %add3A_802 : i32
      %mul3A_804 = arith.constant 1024 : i32
      %mul3A_805 = arith.muli %add3A_803, %mul3A_804 : i32
      %add3A_806 = arith.addi %mul3A_805, %mul3A_2 : i32
      %dma_start3A_807 = arith.constant 64 : i32
      %dma_start3A_808 = arith.constant 0 : i32
      %dma_start3A_809 = tpu.memref_slice %arg12[%dma_start3A_807, %dma_start3A_808] : memref<128x128xf32, #tpu.memory_space<vmem>> -> memref<32x128xf32, #tpu.memory_space<vmem>>
      %dma_start3A_810 = arith.constant 0 : i32
      %dma_start3A_811 = tpu.memref_slice %arg4[%add3A_806, %dma_start3A_810] : memref<245760x128xf32, #tpu.memory_space<hbm>> -> memref<32x128xf32, #tpu.memory_space<hbm>>
      %dma_start3A_812 = arith.constant 0 : i32
      %dma_start3A_813 = tpu.memref_slice %arg4[%add3A_806, %dma_start3A_812] : memref<245760x128xf32, #tpu.memory_space<hbm>> -> memref<32x128xf32, #tpu.memory_space<hbm>>
      %dma_start3A_814 = arith.constant 64 : i32
      %dma_start3A_815 = arith.constant 0 : i32
      %dma_start3A_816 = tpu.memref_slice %arg12[%dma_start3A_814, %dma_start3A_815] : memref<128x128xf32, #tpu.memory_space<vmem>> -> memref<32x128xf32, #tpu.memory_space<vmem>>
      tpu.enqueue_dma source(%dma_start3A_816 : memref<32x128xf32, #tpu.memory_space<vmem>>) target(%dma_start3A_813 : memref<32x128xf32, #tpu.memory_space<hbm>>) target_semaphore(%arg24 : memref<!tpu.dma_semaphore, #tpu.memory_space<semaphore_mem>>)
      %add3A_817 = arith.constant 3 : i32
      %add3A_818 = arith.addi %mul3A_771, %add3A_817 : i32
      %mul3A_819 = arith.constant 1024 : i32
      %mul3A_820 = arith.muli %add3A_818, %mul3A_819 : i32
      %add3A_821 = arith.addi %mul3A_820, %mul3A_2 : i32
      %dma_start3A_822 = arith.constant 96 : i32
      %dma_start3A_823 = arith.constant 0 : i32
      %dma_start3A_824 = tpu.memref_slice %arg12[%dma_start3A_822, %dma_start3A_823] : memref<128x128xf32, #tpu.memory_space<vmem>> -> memref<32x128xf32, #tpu.memory_space<vmem>>
      %dma_start3A_825 = arith.constant 0 : i32
      %dma_start3A_826 = tpu.memref_slice %arg4[%add3A_821, %dma_start3A_825] : memref<245760x128xf32, #tpu.memory_space<hbm>> -> memref<32x128xf32, #tpu.memory_space<hbm>>
      %dma_start3A_827 = arith.constant 0 : i32
      %dma_start3A_828 = tpu.memref_slice %arg4[%add3A_821, %dma_start3A_827] : memref<245760x128xf32, #tpu.memory_space<hbm>> -> memref<32x128xf32, #tpu.memory_space<hbm>>
      %dma_start3A_829 = arith.constant 96 : i32
      %dma_start3A_830 = arith.constant 0 : i32
      %dma_start3A_831 = tpu.memref_slice %arg12[%dma_start3A_829, %dma_start3A_830] : memref<128x128xf32, #tpu.memory_space<vmem>> -> memref<32x128xf32, #tpu.memory_space<vmem>>
      tpu.enqueue_dma source(%dma_start3A_831 : memref<32x128xf32, #tpu.memory_space<vmem>>) target(%dma_start3A_828 : memref<32x128xf32, #tpu.memory_space<hbm>>) target_semaphore(%arg24 : memref<!tpu.dma_semaphore, #tpu.memory_space<semaphore_mem>>)
      %mul3A_832 = arith.constant 6 : i32
      %mul3A_833 = arith.muli %mul3A_832, %scan3A_681 : i32
      %add3A_834 = arith.constant 1 : i32
      %add3A_835 = arith.addi %mul3A_833, %add3A_834 : i32
      %lt3A = arith.constant 9 : i32
      %lt3A_836 = arith.cmpi slt, %scan3A_681, %lt3A : i32
      %convert_element_type3A_837 = arith.extui %lt3A_836 : i1 to i32
      %cond3A_838 = arith.constant 0 : i32
      %cond3A_839 = arith.cmpi ne, %convert_element_type3A_837, %cond3A_838 : i32
      scf.if %cond3A_839 {
        %dma_wait3A_1216 = arith.constant 0 : i32
        %dma_wait3A_1217 = arith.constant 0 : i32
        %dma_wait3A_1218 = tpu.memref_slice %arg12[%dma_wait3A_1216, %dma_wait3A_1217] : memref<128x128xf32, #tpu.memory_space<vmem>> -> memref<32x128xf32, #tpu.memory_space<vmem>>
        %dma_wait3A_1219 = arith.constant 0 : i32
        %dma_wait3A_1220 = arith.constant 0 : i32
        %dma_wait3A_1221 = tpu.memref_slice %arg4[%dma_wait3A_1219, %dma_wait3A_1220] : memref<245760x128xf32, #tpu.memory_space<hbm>> -> memref<32x128xf32, #tpu.memory_space<hbm>>
        %dma_wait3A_1222 = arith.constant 0 : i32
        %dma_wait3A_1223 = arith.constant 0 : i32
        %dma_wait3A_1224 = tpu.memref_slice %arg4[%dma_wait3A_1222, %dma_wait3A_1223] : memref<245760x128xf32, #tpu.memory_space<hbm>> -> memref<32x128xf32, #tpu.memory_space<hbm>>
        %dma_wait3A_1225 = arith.constant 0 : i32
        %dma_wait3A_1226 = arith.constant 0 : i32
        %dma_wait3A_1227 = tpu.memref_slice %arg12[%dma_wait3A_1225, %dma_wait3A_1226] : memref<128x128xf32, #tpu.memory_space<vmem>> -> memref<32x128xf32, #tpu.memory_space<vmem>>
        tpu.wait_dma2 semaphore(%arg24 : memref<!tpu.dma_semaphore, #tpu.memory_space<semaphore_mem>>) src(%dma_wait3A_1227 : memref<32x128xf32, #tpu.memory_space<vmem>>) dst(%dma_wait3A_1224 : memref<32x128xf32, #tpu.memory_space<hbm>>)
        %dma_wait3A_1228 = arith.constant 0 : i32
        %dma_wait3A_1229 = arith.constant 0 : i32
        %dma_wait3A_1230 = tpu.memref_slice %arg12[%dma_wait3A_1228, %dma_wait3A_1229] : memref<128x128xf32, #tpu.memory_space<vmem>> -> memref<32x128xf32, #tpu.memory_space<vmem>>
        %dma_wait3A_1231 = arith.constant 0 : i32
        %dma_wait3A_1232 = arith.constant 0 : i32
        %dma_wait3A_1233 = tpu.memref_slice %arg4[%dma_wait3A_1231, %dma_wait3A_1232] : memref<245760x128xf32, #tpu.memory_space<hbm>> -> memref<32x128xf32, #tpu.memory_space<hbm>>
        %dma_wait3A_1234 = arith.constant 0 : i32
        %dma_wait3A_1235 = arith.constant 0 : i32
        %dma_wait3A_1236 = tpu.memref_slice %arg4[%dma_wait3A_1234, %dma_wait3A_1235] : memref<245760x128xf32, #tpu.memory_space<hbm>> -> memref<32x128xf32, #tpu.memory_space<hbm>>
        %dma_wait3A_1237 = arith.constant 0 : i32
        %dma_wait3A_1238 = arith.constant 0 : i32
        %dma_wait3A_1239 = tpu.memref_slice %arg12[%dma_wait3A_1237, %dma_wait3A_1238] : memref<128x128xf32, #tpu.memory_space<vmem>> -> memref<32x128xf32, #tpu.memory_space<vmem>>
        tpu.wait_dma2 semaphore(%arg24 : memref<!tpu.dma_semaphore, #tpu.memory_space<semaphore_mem>>) src(%dma_wait3A_1239 : memref<32x128xf32, #tpu.memory_space<vmem>>) dst(%dma_wait3A_1236 : memref<32x128xf32, #tpu.memory_space<hbm>>)
        %dma_wait3A_1240 = arith.constant 0 : i32
        %dma_wait3A_1241 = arith.constant 0 : i32
        %dma_wait3A_1242 = tpu.memref_slice %arg12[%dma_wait3A_1240, %dma_wait3A_1241] : memref<128x128xf32, #tpu.memory_space<vmem>> -> memref<32x128xf32, #tpu.memory_space<vmem>>
        %dma_wait3A_1243 = arith.constant 0 : i32
        %dma_wait3A_1244 = arith.constant 0 : i32
        %dma_wait3A_1245 = tpu.memref_slice %arg4[%dma_wait3A_1243, %dma_wait3A_1244] : memref<245760x128xf32, #tpu.memory_space<hbm>> -> memref<32x128xf32, #tpu.memory_space<hbm>>
        %dma_wait3A_1246 = arith.constant 0 : i32
        %dma_wait3A_1247 = arith.constant 0 : i32
        %dma_wait3A_1248 = tpu.memref_slice %arg4[%dma_wait3A_1246, %dma_wait3A_1247] : memref<245760x128xf32, #tpu.memory_space<hbm>> -> memref<32x128xf32, #tpu.memory_space<hbm>>
        %dma_wait3A_1249 = arith.constant 0 : i32
        %dma_wait3A_1250 = arith.constant 0 : i32
        %dma_wait3A_1251 = tpu.memref_slice %arg12[%dma_wait3A_1249, %dma_wait3A_1250] : memref<128x128xf32, #tpu.memory_space<vmem>> -> memref<32x128xf32, #tpu.memory_space<vmem>>
        tpu.wait_dma2 semaphore(%arg24 : memref<!tpu.dma_semaphore, #tpu.memory_space<semaphore_mem>>) src(%dma_wait3A_1251 : memref<32x128xf32, #tpu.memory_space<vmem>>) dst(%dma_wait3A_1248 : memref<32x128xf32, #tpu.memory_space<hbm>>)
        %dma_wait3A_1252 = arith.constant 0 : i32
        %dma_wait3A_1253 = arith.constant 0 : i32
        %dma_wait3A_1254 = tpu.memref_slice %arg12[%dma_wait3A_1252, %dma_wait3A_1253] : memref<128x128xf32, #tpu.memory_space<vmem>> -> memref<32x128xf32, #tpu.memory_space<vmem>>
        %dma_wait3A_1255 = arith.constant 0 : i32
        %dma_wait3A_1256 = arith.constant 0 : i32
        %dma_wait3A_1257 = tpu.memref_slice %arg4[%dma_wait3A_1255, %dma_wait3A_1256] : memref<245760x128xf32, #tpu.memory_space<hbm>> -> memref<32x128xf32, #tpu.memory_space<hbm>>
        %dma_wait3A_1258 = arith.constant 0 : i32
        %dma_wait3A_1259 = arith.constant 0 : i32
        %dma_wait3A_1260 = tpu.memref_slice %arg4[%dma_wait3A_1258, %dma_wait3A_1259] : memref<245760x128xf32, #tpu.memory_space<hbm>> -> memref<32x128xf32, #tpu.memory_space<hbm>>
        %dma_wait3A_1261 = arith.constant 0 : i32
        %dma_wait3A_1262 = arith.constant 0 : i32
        %dma_wait3A_1263 = tpu.memref_slice %arg12[%dma_wait3A_1261, %dma_wait3A_1262] : memref<128x128xf32, #tpu.memory_space<vmem>> -> memref<32x128xf32, #tpu.memory_space<vmem>>
        tpu.wait_dma2 semaphore(%arg24 : memref<!tpu.dma_semaphore, #tpu.memory_space<semaphore_mem>>) src(%dma_wait3A_1263 : memref<32x128xf32, #tpu.memory_space<vmem>>) dst(%dma_wait3A_1260 : memref<32x128xf32, #tpu.memory_space<hbm>>)
        %add3A_1264 = arith.constant 6 : i32
        %add3A_1265 = arith.addi %add3A_835, %add3A_1264 : i32
        %sub3A_1266 = arith.constant 1 : i32
        %sub3A_1267 = arith.subi %add3A_1265, %sub3A_1266 : i32
        %add3A_1268 = arith.addi %sub3A_1267, %select_n3A : i32
        %rem3A_1269 = arith.constant 60 : i32
        %rem3A_1270 = arith.remsi %add3A_1268, %rem3A_1269 : i32
        %mul3A_1271 = arith.constant 4 : i32
        %mul3A_1272 = arith.muli %rem3A_1270, %mul3A_1271 : i32
        %add3A_1273 = arith.constant 0 : i32
        %add3A_1274 = arith.addi %mul3A_1272, %add3A_1273 : i32
        %mul3A_1275 = arith.constant 1000 : i32
        %mul3A_1276 = arith.muli %add3A_1274, %mul3A_1275 : i32
        %add3A_1277 = vector.broadcast %mul3A_1276 : i32 to vector<16xi32>
        %add3A_1278 = arith.addi %get3A_4, %add3A_1277 : vector<16xi32>
        %swap3A_1279 = arith.constant 0 : index
        %swap3A_1280 = tpu.vector_load %arg6[%swap3A_1279] {strides = array<i32>} : memref<128xi32, #tpu.memory_space<vmem>>, vector<16xi32>,
        %swap3A_1281 = vector.shape_cast %swap3A_1280 : vector<16xi32> to vector<16xi32>
        %swap3A_1282 = vector.shape_cast %add3A_1278 : vector<16xi32> to vector<16xi32>
        tpu.vector_store %arg6[%swap3A_1279], %swap3A_1282 {strides = array<i32>} : memref<128xi32, #tpu.memory_space<vmem>>, vector<16xi32>,
        %add3A_1283 = vector.broadcast %mul3A_1276 : i32 to vector<16xi32>
        %add3A_1284 = arith.addi %get3A_7, %add3A_1283 : vector<16xi32>
        %swap3A_1285 = arith.constant 16 : index
        %swap3A_1286 = tpu.vector_load %arg6[%swap3A_1285] {strides = array<i32>} : memref<128xi32, #tpu.memory_space<vmem>>, vector<16xi32>,
        %swap3A_1287 = vector.shape_cast %swap3A_1286 : vector<16xi32> to vector<16xi32>
        %swap3A_1288 = vector.shape_cast %add3A_1284 : vector<16xi32> to vector<16xi32>
        tpu.vector_store %arg6[%swap3A_1285], %swap3A_1288 {strides = array<i32>} : memref<128xi32, #tpu.memory_space<vmem>>, vector<16xi32>,
        %add3A_1289 = arith.constant 1 : i32
        %add3A_1290 = arith.addi %mul3A_1272, %add3A_1289 : i32
        %mul3A_1291 = arith.constant 1000 : i32
        %mul3A_1292 = arith.muli %add3A_1290, %mul3A_1291 : i32
        %add3A_1293 = vector.broadcast %mul3A_1292 : i32 to vector<16xi32>
        %add3A_1294 = arith.addi %get3A_4, %add3A_1293 : vector<16xi32>
        %swap3A_1295 = arith.constant 32 : index
        %swap3A_1296 = tpu.vector_load %arg6[%swap3A_1295] {strides = array<i32>} : memref<128xi32, #tpu.memory_space<vmem>>, vector<16xi32>,
        %swap3A_1297 = vector.shape_cast %swap3A_1296 : vector<16xi32> to vector<16xi32>
        %swap3A_1298 = vector.shape_cast %add3A_1294 : vector<16xi32> to vector<16xi32>
        tpu.vector_store %arg6[%swap3A_1295], %swap3A_1298 {strides = array<i32>} : memref<128xi32, #tpu.memory_space<vmem>>, vector<16xi32>,
        %add3A_1299 = vector.broadcast %mul3A_1292 : i32 to vector<16xi32>
        %add3A_1300 = arith.addi %get3A_7, %add3A_1299 : vector<16xi32>
        %swap3A_1301 = arith.constant 48 : index
        %swap3A_1302 = tpu.vector_load %arg6[%swap3A_1301] {strides = array<i32>} : memref<128xi32, #tpu.memory_space<vmem>>, vector<16xi32>,
        %swap3A_1303 = vector.shape_cast %swap3A_1302 : vector<16xi32> to vector<16xi32>
        %swap3A_1304 = vector.shape_cast %add3A_1300 : vector<16xi32> to vector<16xi32>
        tpu.vector_store %arg6[%swap3A_1301], %swap3A_1304 {strides = array<i32>} : memref<128xi32, #tpu.memory_space<vmem>>, vector<16xi32>,
        %add3A_1305 = arith.constant 2 : i32
        %add3A_1306 = arith.addi %mul3A_1272, %add3A_1305 : i32
        %mul3A_1307 = arith.constant 1000 : i32
        %mul3A_1308 = arith.muli %add3A_1306, %mul3A_1307 : i32
        %add3A_1309 = vector.broadcast %mul3A_1308 : i32 to vector<16xi32>
        %add3A_1310 = arith.addi %get3A_4, %add3A_1309 : vector<16xi32>
        %swap3A_1311 = arith.constant 64 : index
        %swap3A_1312 = tpu.vector_load %arg6[%swap3A_1311] {strides = array<i32>} : memref<128xi32, #tpu.memory_space<vmem>>, vector<16xi32>,
        %swap3A_1313 = vector.shape_cast %swap3A_1312 : vector<16xi32> to vector<16xi32>
        %swap3A_1314 = vector.shape_cast %add3A_1310 : vector<16xi32> to vector<16xi32>
        tpu.vector_store %arg6[%swap3A_1311], %swap3A_1314 {strides = array<i32>} : memref<128xi32, #tpu.memory_space<vmem>>, vector<16xi32>,
        %add3A_1315 = vector.broadcast %mul3A_1308 : i32 to vector<16xi32>
        %add3A_1316 = arith.addi %get3A_7, %add3A_1315 : vector<16xi32>
        %swap3A_1317 = arith.constant 80 : index
        %swap3A_1318 = tpu.vector_load %arg6[%swap3A_1317] {strides = array<i32>} : memref<128xi32, #tpu.memory_space<vmem>>, vector<16xi32>,
        %swap3A_1319 = vector.shape_cast %swap3A_1318 : vector<16xi32> to vector<16xi32>
        %swap3A_1320 = vector.shape_cast %add3A_1316 : vector<16xi32> to vector<16xi32>
        tpu.vector_store %arg6[%swap3A_1317], %swap3A_1320 {strides = array<i32>} : memref<128xi32, #tpu.memory_space<vmem>>, vector<16xi32>,
        %add3A_1321 = arith.constant 3 : i32
        %add3A_1322 = arith.addi %mul3A_1272, %add3A_1321 : i32
        %mul3A_1323 = arith.constant 1000 : i32
        %mul3A_1324 = arith.muli %add3A_1322, %mul3A_1323 : i32
        %add3A_1325 = vector.broadcast %mul3A_1324 : i32 to vector<16xi32>
        %add3A_1326 = arith.addi %get3A_4, %add3A_1325 : vector<16xi32>
        %swap3A_1327 = arith.constant 96 : index
        %swap3A_1328 = tpu.vector_load %arg6[%swap3A_1327] {strides = array<i32>} : memref<128xi32, #tpu.memory_space<vmem>>, vector<16xi32>,
        %swap3A_1329 = vector.shape_cast %swap3A_1328 : vector<16xi32> to vector<16xi32>
        %swap3A_1330 = vector.shape_cast %add3A_1326 : vector<16xi32> to vector<16xi32>
        tpu.vector_store %arg6[%swap3A_1327], %swap3A_1330 {strides = array<i32>} : memref<128xi32, #tpu.memory_space<vmem>>, vector<16xi32>,
        %add3A_1331 = vector.broadcast %mul3A_1324 : i32 to vector<16xi32>
        %add3A_1332 = arith.addi %get3A_7, %add3A_1331 : vector<16xi32>
        %swap3A_1333 = arith.constant 112 : index
        %swap3A_1334 = tpu.vector_load %arg6[%swap3A_1333] {strides = array<i32>} : memref<128xi32, #tpu.memory_space<vmem>>, vector<16xi32>,
        %swap3A_1335 = vector.shape_cast %swap3A_1334 : vector<16xi32> to vector<16xi32>
        %swap3A_1336 = vector.shape_cast %add3A_1332 : vector<16xi32> to vector<16xi32>
        tpu.vector_store %arg6[%swap3A_1333], %swap3A_1336 {strides = array<i32>} : memref<128xi32, #tpu.memory_space<vmem>>, vector<16xi32>,
        %dma_start3A_1337 = arith.constant 0 : i32
        %dma_start3A_1338 = arith.constant 0 : i32
        %dma_start3A_1339 = tpu.memref_slice %arg2[%dma_start3A_1337, %dma_start3A_1338] : memref<240000x128xf32, #tpu.memory_space<hbm>> -> memref<240000x128xf32, #tpu.memory_space<hbm>>
        tpu.enqueue_indirect_dma source(%dma_start3A_1339 : memref<240000x128xf32, #tpu.memory_space<hbm>>) target(%arg12 : memref<128x128xf32, #tpu.memory_space<vmem>>) offsets(%arg6 : memref<128xi32, #tpu.memory_space<vmem>>) semaphore(%arg18 : memref<!tpu.dma_semaphore, #tpu.memory_space<semaphore_mem>>)
      } else {
      }
      %dma_wait3A_840 = arith.constant 0 : i32
      %dma_wait3A_841 = arith.constant 0 : i32
      %dma_wait3A_842 = tpu.memref_slice %arg2[%dma_wait3A_840, %dma_wait3A_841] : memref<240000x128xf32, #tpu.memory_space<hbm>> -> memref<240000x128xf32, #tpu.memory_space<hbm>>
      tpu.wait_indirect_dma semaphore(%arg19 : memref<!tpu.dma_semaphore, #tpu.memory_space<semaphore_mem>>) src(%dma_wait3A_842 : memref<240000x128xf32, #tpu.memory_space<hbm>>) dst(%arg13 : memref<128x128xf32, #tpu.memory_space<vmem>>)
      %add3A_843 = arith.addi %add3A_835, %select_n3A : i32
      %rem3A_844 = arith.constant 60 : i32
      %rem3A_845 = arith.remsi %add3A_843, %rem3A_844 : i32
      %mul3A_846 = arith.constant 4 : i32
      %mul3A_847 = arith.muli %rem3A_845, %mul3A_846 : i32
      %add3A_848 = arith.constant 0 : i32
      %add3A_849 = arith.addi %mul3A_847, %add3A_848 : i32
      %mul3A_850 = arith.constant 1024 : i32
      %mul3A_851 = arith.muli %add3A_849, %mul3A_850 : i32
      %add3A_852 = arith.addi %mul3A_851, %mul3A_2 : i32
      %dma_start3A_853 = arith.constant 0 : i32
      %dma_start3A_854 = arith.constant 0 : i32
      %dma_start3A_855 = tpu.memref_slice %arg13[%dma_start3A_853, %dma_start3A_854] : memref<128x128xf32, #tpu.memory_space<vmem>> -> memref<32x128xf32, #tpu.memory_space<vmem>>
      %dma_start3A_856 = arith.constant 0 : i32
      %dma_start3A_857 = tpu.memref_slice %arg4[%add3A_852, %dma_start3A_856] : memref<245760x128xf32, #tpu.memory_space<hbm>> -> memref<32x128xf32, #tpu.memory_space<hbm>>
      %dma_start3A_858 = arith.constant 0 : i32
      %dma_start3A_859 = tpu.memref_slice %arg4[%add3A_852, %dma_start3A_858] : memref<245760x128xf32, #tpu.memory_space<hbm>> -> memref<32x128xf32, #tpu.memory_space<hbm>>
      %dma_start3A_860 = arith.constant 0 : i32
      %dma_start3A_861 = arith.constant 0 : i32
      %dma_start3A_862 = tpu.memref_slice %arg13[%dma_start3A_860, %dma_start3A_861] : memref<128x128xf32, #tpu.memory_space<vmem>> -> memref<32x128xf32, #tpu.memory_space<vmem>>
      tpu.enqueue_dma source(%dma_start3A_862 : memref<32x128xf32, #tpu.memory_space<vmem>>) target(%dma_start3A_859 : memref<32x128xf32, #tpu.memory_space<hbm>>) target_semaphore(%arg25 : memref<!tpu.dma_semaphore, #tpu.memory_space<semaphore_mem>>)
      %add3A_863 = arith.constant 1 : i32
      %add3A_864 = arith.addi %mul3A_847, %add3A_863 : i32
      %mul3A_865 = arith.constant 1024 : i32
      %mul3A_866 = arith.muli %add3A_864, %mul3A_865 : i32
      %add3A_867 = arith.addi %mul3A_866, %mul3A_2 : i32
      %dma_start3A_868 = arith.constant 32 : i32
      %dma_start3A_869 = arith.constant 0 : i32
      %dma_start3A_870 = tpu.memref_slice %arg13[%dma_start3A_868, %dma_start3A_869] : memref<128x128xf32, #tpu.memory_space<vmem>> -> memref<32x128xf32, #tpu.memory_space<vmem>>
      %dma_start3A_871 = arith.constant 0 : i32
      %dma_start3A_872 = tpu.memref_slice %arg4[%add3A_867, %dma_start3A_871] : memref<245760x128xf32, #tpu.memory_space<hbm>> -> memref<32x128xf32, #tpu.memory_space<hbm>>
      %dma_start3A_873 = arith.constant 0 : i32
      %dma_start3A_874 = tpu.memref_slice %arg4[%add3A_867, %dma_start3A_873] : memref<245760x128xf32, #tpu.memory_space<hbm>> -> memref<32x128xf32, #tpu.memory_space<hbm>>
      %dma_start3A_875 = arith.constant 32 : i32
      %dma_start3A_876 = arith.constant 0 : i32
      %dma_start3A_877 = tpu.memref_slice %arg13[%dma_start3A_875, %dma_start3A_876] : memref<128x128xf32, #tpu.memory_space<vmem>> -> memref<32x128xf32, #tpu.memory_space<vmem>>
      tpu.enqueue_dma source(%dma_start3A_877 : memref<32x128xf32, #tpu.memory_space<vmem>>) target(%dma_start3A_874 : memref<32x128xf32, #tpu.memory_space<hbm>>) target_semaphore(%arg25 : memref<!tpu.dma_semaphore, #tpu.memory_space<semaphore_mem>>)
      %add3A_878 = arith.constant 2 : i32
      %add3A_879 = arith.addi %mul3A_847, %add3A_878 : i32
      %mul3A_880 = arith.constant 1024 : i32
      %mul3A_881 = arith.muli %add3A_879, %mul3A_880 : i32
      %add3A_882 = arith.addi %mul3A_881, %mul3A_2 : i32
      %dma_start3A_883 = arith.constant 64 : i32
      %dma_start3A_884 = arith.constant 0 : i32
      %dma_start3A_885 = tpu.memref_slice %arg13[%dma_start3A_883, %dma_start3A_884] : memref<128x128xf32, #tpu.memory_space<vmem>> -> memref<32x128xf32, #tpu.memory_space<vmem>>
      %dma_start3A_886 = arith.constant 0 : i32
      %dma_start3A_887 = tpu.memref_slice %arg4[%add3A_882, %dma_start3A_886] : memref<245760x128xf32, #tpu.memory_space<hbm>> -> memref<32x128xf32, #tpu.memory_space<hbm>>
      %dma_start3A_888 = arith.constant 0 : i32
      %dma_start3A_889 = tpu.memref_slice %arg4[%add3A_882, %dma_start3A_888] : memref<245760x128xf32, #tpu.memory_space<hbm>> -> memref<32x128xf32, #tpu.memory_space<hbm>>
      %dma_start3A_890 = arith.constant 64 : i32
      %dma_start3A_891 = arith.constant 0 : i32
      %dma_start3A_892 = tpu.memref_slice %arg13[%dma_start3A_890, %dma_start3A_891] : memref<128x128xf32, #tpu.memory_space<vmem>> -> memref<32x128xf32, #tpu.memory_space<vmem>>
      tpu.enqueue_dma source(%dma_start3A_892 : memref<32x128xf32, #tpu.memory_space<vmem>>) target(%dma_start3A_889 : memref<32x128xf32, #tpu.memory_space<hbm>>) target_semaphore(%arg25 : memref<!tpu.dma_semaphore, #tpu.memory_space<semaphore_mem>>)
      %add3A_893 = arith.constant 3 : i32
      %add3A_894 = arith.addi %mul3A_847, %add3A_893 : i32
      %mul3A_895 = arith.constant 1024 : i32
      %mul3A_896 = arith.muli %add3A_894, %mul3A_895 : i32
      %add3A_897 = arith.addi %mul3A_896, %mul3A_2 : i32
      %dma_start3A_898 = arith.constant 96 : i32
      %dma_start3A_899 = arith.constant 0 : i32
      %dma_start3A_900 = tpu.memref_slice %arg13[%dma_start3A_898, %dma_start3A_899] : memref<128x128xf32, #tpu.memory_space<vmem>> -> memref<32x128xf32, #tpu.memory_space<vmem>>
      %dma_start3A_901 = arith.constant 0 : i32
      %dma_start3A_902 = tpu.memref_slice %arg4[%add3A_897, %dma_start3A_901] : memref<245760x128xf32, #tpu.memory_space<hbm>> -> memref<32x128xf32, #tpu.memory_space<hbm>>
      %dma_start3A_903 = arith.constant 0 : i32
      %dma_start3A_904 = tpu.memref_slice %arg4[%add3A_897, %dma_start3A_903] : memref<245760x128xf32, #tpu.memory_space<hbm>> -> memref<32x128xf32, #tpu.memory_space<hbm>>
      %dma_start3A_905 = arith.constant 96 : i32
      %dma_start3A_906 = arith.constant 0 : i32
      %dma_start3A_907 = tpu.memref_slice %arg13[%dma_start3A_905, %dma_start3A_906] : memref<128x128xf32, #tpu.memory_space<vmem>> -> memref<32x128xf32, #tpu.memory_space<vmem>>
      tpu.enqueue_dma source(%dma_start3A_907 : memref<32x128xf32, #tpu.memory_space<vmem>>) target(%dma_start3A_904 : memref<32x128xf32, #tpu.memory_space<hbm>>) target_semaphore(%arg25 : memref<!tpu.dma_semaphore, #tpu.memory_space<semaphore_mem>>)
      %mul3A_908 = arith.constant 6 : i32
      %mul3A_909 = arith.muli %mul3A_908, %scan3A_681 : i32
      %add3A_910 = arith.constant 2 : i32
      %add3A_911 = arith.addi %mul3A_909, %add3A_910 : i32
      %lt3A_912 = arith.constant 9 : i32
      %lt3A_913 = arith.cmpi slt, %scan3A_681, %lt3A_912 : i32
      %convert_element_type3A_914 = arith.extui %lt3A_913 : i1 to i32
      %cond3A_915 = arith.constant 0 : i32
      %cond3A_916 = arith.cmpi ne, %convert_element_type3A_914, %cond3A_915 : i32
      scf.if %cond3A_916 {
        %dma_wait3A_1216 = arith.constant 0 : i32
        %dma_wait3A_1217 = arith.constant 0 : i32
        %dma_wait3A_1218 = tpu.memref_slice %arg13[%dma_wait3A_1216, %dma_wait3A_1217] : memref<128x128xf32, #tpu.memory_space<vmem>> -> memref<32x128xf32, #tpu.memory_space<vmem>>
        %dma_wait3A_1219 = arith.constant 0 : i32
        %dma_wait3A_1220 = arith.constant 0 : i32
        %dma_wait3A_1221 = tpu.memref_slice %arg4[%dma_wait3A_1219, %dma_wait3A_1220] : memref<245760x128xf32, #tpu.memory_space<hbm>> -> memref<32x128xf32, #tpu.memory_space<hbm>>
        %dma_wait3A_1222 = arith.constant 0 : i32
        %dma_wait3A_1223 = arith.constant 0 : i32
        %dma_wait3A_1224 = tpu.memref_slice %arg4[%dma_wait3A_1222, %dma_wait3A_1223] : memref<245760x128xf32, #tpu.memory_space<hbm>> -> memref<32x128xf32, #tpu.memory_space<hbm>>
        %dma_wait3A_1225 = arith.constant 0 : i32
        %dma_wait3A_1226 = arith.constant 0 : i32
        %dma_wait3A_1227 = tpu.memref_slice %arg13[%dma_wait3A_1225, %dma_wait3A_1226] : memref<128x128xf32, #tpu.memory_space<vmem>> -> memref<32x128xf32, #tpu.memory_space<vmem>>
        tpu.wait_dma2 semaphore(%arg25 : memref<!tpu.dma_semaphore, #tpu.memory_space<semaphore_mem>>) src(%dma_wait3A_1227 : memref<32x128xf32, #tpu.memory_space<vmem>>) dst(%dma_wait3A_1224 : memref<32x128xf32, #tpu.memory_space<hbm>>)
        %dma_wait3A_1228 = arith.constant 0 : i32
        %dma_wait3A_1229 = arith.constant 0 : i32
        %dma_wait3A_1230 = tpu.memref_slice %arg13[%dma_wait3A_1228, %dma_wait3A_1229] : memref<128x128xf32, #tpu.memory_space<vmem>> -> memref<32x128xf32, #tpu.memory_space<vmem>>
        %dma_wait3A_1231 = arith.constant 0 : i32
        %dma_wait3A_1232 = arith.constant 0 : i32
        %dma_wait3A_1233 = tpu.memref_slice %arg4[%dma_wait3A_1231, %dma_wait3A_1232] : memref<245760x128xf32, #tpu.memory_space<hbm>> -> memref<32x128xf32, #tpu.memory_space<hbm>>
        %dma_wait3A_1234 = arith.constant 0 : i32
        %dma_wait3A_1235 = arith.constant 0 : i32
        %dma_wait3A_1236 = tpu.memref_slice %arg4[%dma_wait3A_1234, %dma_wait3A_1235] : memref<245760x128xf32, #tpu.memory_space<hbm>> -> memref<32x128xf32, #tpu.memory_space<hbm>>
        %dma_wait3A_1237 = arith.constant 0 : i32
        %dma_wait3A_1238 = arith.constant 0 : i32
        %dma_wait3A_1239 = tpu.memref_slice %arg13[%dma_wait3A_1237, %dma_wait3A_1238] : memref<128x128xf32, #tpu.memory_space<vmem>> -> memref<32x128xf32, #tpu.memory_space<vmem>>
        tpu.wait_dma2 semaphore(%arg25 : memref<!tpu.dma_semaphore, #tpu.memory_space<semaphore_mem>>) src(%dma_wait3A_1239 : memref<32x128xf32, #tpu.memory_space<vmem>>) dst(%dma_wait3A_1236 : memref<32x128xf32, #tpu.memory_space<hbm>>)
        %dma_wait3A_1240 = arith.constant 0 : i32
        %dma_wait3A_1241 = arith.constant 0 : i32
        %dma_wait3A_1242 = tpu.memref_slice %arg13[%dma_wait3A_1240, %dma_wait3A_1241] : memref<128x128xf32, #tpu.memory_space<vmem>> -> memref<32x128xf32, #tpu.memory_space<vmem>>
        %dma_wait3A_1243 = arith.constant 0 : i32
        %dma_wait3A_1244 = arith.constant 0 : i32
        %dma_wait3A_1245 = tpu.memref_slice %arg4[%dma_wait3A_1243, %dma_wait3A_1244] : memref<245760x128xf32, #tpu.memory_space<hbm>> -> memref<32x128xf32, #tpu.memory_space<hbm>>
        %dma_wait3A_1246 = arith.constant 0 : i32
        %dma_wait3A_1247 = arith.constant 0 : i32
        %dma_wait3A_1248 = tpu.memref_slice %arg4[%dma_wait3A_1246, %dma_wait3A_1247] : memref<245760x128xf32, #tpu.memory_space<hbm>> -> memref<32x128xf32, #tpu.memory_space<hbm>>
        %dma_wait3A_1249 = arith.constant 0 : i32
        %dma_wait3A_1250 = arith.constant 0 : i32
        %dma_wait3A_1251 = tpu.memref_slice %arg13[%dma_wait3A_1249, %dma_wait3A_1250] : memref<128x128xf32, #tpu.memory_space<vmem>> -> memref<32x128xf32, #tpu.memory_space<vmem>>
        tpu.wait_dma2 semaphore(%arg25 : memref<!tpu.dma_semaphore, #tpu.memory_space<semaphore_mem>>) src(%dma_wait3A_1251 : memref<32x128xf32, #tpu.memory_space<vmem>>) dst(%dma_wait3A_1248 : memref<32x128xf32, #tpu.memory_space<hbm>>)
        %dma_wait3A_1252 = arith.constant 0 : i32
        %dma_wait3A_1253 = arith.constant 0 : i32
        %dma_wait3A_1254 = tpu.memref_slice %arg13[%dma_wait3A_1252, %dma_wait3A_1253] : memref<128x128xf32, #tpu.memory_space<vmem>> -> memref<32x128xf32, #tpu.memory_space<vmem>>
        %dma_wait3A_1255 = arith.constant 0 : i32
        %dma_wait3A_1256 = arith.constant 0 : i32
        %dma_wait3A_1257 = tpu.memref_slice %arg4[%dma_wait3A_1255, %dma_wait3A_1256] : memref<245760x128xf32, #tpu.memory_space<hbm>> -> memref<32x128xf32, #tpu.memory_space<hbm>>
        %dma_wait3A_1258 = arith.constant 0 : i32
        %dma_wait3A_1259 = arith.constant 0 : i32
        %dma_wait3A_1260 = tpu.memref_slice %arg4[%dma_wait3A_1258, %dma_wait3A_1259] : memref<245760x128xf32, #tpu.memory_space<hbm>> -> memref<32x128xf32, #tpu.memory_space<hbm>>
        %dma_wait3A_1261 = arith.constant 0 : i32
        %dma_wait3A_1262 = arith.constant 0 : i32
        %dma_wait3A_1263 = tpu.memref_slice %arg13[%dma_wait3A_1261, %dma_wait3A_1262] : memref<128x128xf32, #tpu.memory_space<vmem>> -> memref<32x128xf32, #tpu.memory_space<vmem>>
        tpu.wait_dma2 semaphore(%arg25 : memref<!tpu.dma_semaphore, #tpu.memory_space<semaphore_mem>>) src(%dma_wait3A_1263 : memref<32x128xf32, #tpu.memory_space<vmem>>) dst(%dma_wait3A_1260 : memref<32x128xf32, #tpu.memory_space<hbm>>)
        %add3A_1264 = arith.constant 6 : i32
        %add3A_1265 = arith.addi %add3A_911, %add3A_1264 : i32
        %sub3A_1266 = arith.constant 1 : i32
        %sub3A_1267 = arith.subi %add3A_1265, %sub3A_1266 : i32
        %add3A_1268 = arith.addi %sub3A_1267, %select_n3A : i32
        %rem3A_1269 = arith.constant 60 : i32
        %rem3A_1270 = arith.remsi %add3A_1268, %rem3A_1269 : i32
        %mul3A_1271 = arith.constant 4 : i32
        %mul3A_1272 = arith.muli %rem3A_1270, %mul3A_1271 : i32
        %add3A_1273 = arith.constant 0 : i32
        %add3A_1274 = arith.addi %mul3A_1272, %add3A_1273 : i32
        %mul3A_1275 = arith.constant 1000 : i32
        %mul3A_1276 = arith.muli %add3A_1274, %mul3A_1275 : i32
        %add3A_1277 = vector.broadcast %mul3A_1276 : i32 to vector<16xi32>
        %add3A_1278 = arith.addi %get3A_4, %add3A_1277 : vector<16xi32>
        %swap3A_1279 = arith.constant 0 : index
        %swap3A_1280 = tpu.vector_load %arg7[%swap3A_1279] {strides = array<i32>} : memref<128xi32, #tpu.memory_space<vmem>>, vector<16xi32>,
        %swap3A_1281 = vector.shape_cast %swap3A_1280 : vector<16xi32> to vector<16xi32>
        %swap3A_1282 = vector.shape_cast %add3A_1278 : vector<16xi32> to vector<16xi32>
        tpu.vector_store %arg7[%swap3A_1279], %swap3A_1282 {strides = array<i32>} : memref<128xi32, #tpu.memory_space<vmem>>, vector<16xi32>,
        %add3A_1283 = vector.broadcast %mul3A_1276 : i32 to vector<16xi32>
        %add3A_1284 = arith.addi %get3A_7, %add3A_1283 : vector<16xi32>
        %swap3A_1285 = arith.constant 16 : index
        %swap3A_1286 = tpu.vector_load %arg7[%swap3A_1285] {strides = array<i32>} : memref<128xi32, #tpu.memory_space<vmem>>, vector<16xi32>,
        %swap3A_1287 = vector.shape_cast %swap3A_1286 : vector<16xi32> to vector<16xi32>
        %swap3A_1288 = vector.shape_cast %add3A_1284 : vector<16xi32> to vector<16xi32>
        tpu.vector_store %arg7[%swap3A_1285], %swap3A_1288 {strides = array<i32>} : memref<128xi32, #tpu.memory_space<vmem>>, vector<16xi32>,
        %add3A_1289 = arith.constant 1 : i32
        %add3A_1290 = arith.addi %mul3A_1272, %add3A_1289 : i32
        %mul3A_1291 = arith.constant 1000 : i32
        %mul3A_1292 = arith.muli %add3A_1290, %mul3A_1291 : i32
        %add3A_1293 = vector.broadcast %mul3A_1292 : i32 to vector<16xi32>
        %add3A_1294 = arith.addi %get3A_4, %add3A_1293 : vector<16xi32>
        %swap3A_1295 = arith.constant 32 : index
        %swap3A_1296 = tpu.vector_load %arg7[%swap3A_1295] {strides = array<i32>} : memref<128xi32, #tpu.memory_space<vmem>>, vector<16xi32>,
        %swap3A_1297 = vector.shape_cast %swap3A_1296 : vector<16xi32> to vector<16xi32>
        %swap3A_1298 = vector.shape_cast %add3A_1294 : vector<16xi32> to vector<16xi32>
        tpu.vector_store %arg7[%swap3A_1295], %swap3A_1298 {strides = array<i32>} : memref<128xi32, #tpu.memory_space<vmem>>, vector<16xi32>,
        %add3A_1299 = vector.broadcast %mul3A_1292 : i32 to vector<16xi32>
        %add3A_1300 = arith.addi %get3A_7, %add3A_1299 : vector<16xi32>
        %swap3A_1301 = arith.constant 48 : index
        %swap3A_1302 = tpu.vector_load %arg7[%swap3A_1301] {strides = array<i32>} : memref<128xi32, #tpu.memory_space<vmem>>, vector<16xi32>,
        %swap3A_1303 = vector.shape_cast %swap3A_1302 : vector<16xi32> to vector<16xi32>
        %swap3A_1304 = vector.shape_cast %add3A_1300 : vector<16xi32> to vector<16xi32>
        tpu.vector_store %arg7[%swap3A_1301], %swap3A_1304 {strides = array<i32>} : memref<128xi32, #tpu.memory_space<vmem>>, vector<16xi32>,
        %add3A_1305 = arith.constant 2 : i32
        %add3A_1306 = arith.addi %mul3A_1272, %add3A_1305 : i32
        %mul3A_1307 = arith.constant 1000 : i32
        %mul3A_1308 = arith.muli %add3A_1306, %mul3A_1307 : i32
        %add3A_1309 = vector.broadcast %mul3A_1308 : i32 to vector<16xi32>
        %add3A_1310 = arith.addi %get3A_4, %add3A_1309 : vector<16xi32>
        %swap3A_1311 = arith.constant 64 : index
        %swap3A_1312 = tpu.vector_load %arg7[%swap3A_1311] {strides = array<i32>} : memref<128xi32, #tpu.memory_space<vmem>>, vector<16xi32>,
        %swap3A_1313 = vector.shape_cast %swap3A_1312 : vector<16xi32> to vector<16xi32>
        %swap3A_1314 = vector.shape_cast %add3A_1310 : vector<16xi32> to vector<16xi32>
        tpu.vector_store %arg7[%swap3A_1311], %swap3A_1314 {strides = array<i32>} : memref<128xi32, #tpu.memory_space<vmem>>, vector<16xi32>,
        %add3A_1315 = vector.broadcast %mul3A_1308 : i32 to vector<16xi32>
        %add3A_1316 = arith.addi %get3A_7, %add3A_1315 : vector<16xi32>
        %swap3A_1317 = arith.constant 80 : index
        %swap3A_1318 = tpu.vector_load %arg7[%swap3A_1317] {strides = array<i32>} : memref<128xi32, #tpu.memory_space<vmem>>, vector<16xi32>,
        %swap3A_1319 = vector.shape_cast %swap3A_1318 : vector<16xi32> to vector<16xi32>
        %swap3A_1320 = vector.shape_cast %add3A_1316 : vector<16xi32> to vector<16xi32>
        tpu.vector_store %arg7[%swap3A_1317], %swap3A_1320 {strides = array<i32>} : memref<128xi32, #tpu.memory_space<vmem>>, vector<16xi32>,
        %add3A_1321 = arith.constant 3 : i32
        %add3A_1322 = arith.addi %mul3A_1272, %add3A_1321 : i32
        %mul3A_1323 = arith.constant 1000 : i32
        %mul3A_1324 = arith.muli %add3A_1322, %mul3A_1323 : i32
        %add3A_1325 = vector.broadcast %mul3A_1324 : i32 to vector<16xi32>
        %add3A_1326 = arith.addi %get3A_4, %add3A_1325 : vector<16xi32>
        %swap3A_1327 = arith.constant 96 : index
        %swap3A_1328 = tpu.vector_load %arg7[%swap3A_1327] {strides = array<i32>} : memref<128xi32, #tpu.memory_space<vmem>>, vector<16xi32>,
        %swap3A_1329 = vector.shape_cast %swap3A_1328 : vector<16xi32> to vector<16xi32>
        %swap3A_1330 = vector.shape_cast %add3A_1326 : vector<16xi32> to vector<16xi32>
        tpu.vector_store %arg7[%swap3A_1327], %swap3A_1330 {strides = array<i32>} : memref<128xi32, #tpu.memory_space<vmem>>, vector<16xi32>,
        %add3A_1331 = vector.broadcast %mul3A_1324 : i32 to vector<16xi32>
        %add3A_1332 = arith.addi %get3A_7, %add3A_1331 : vector<16xi32>
        %swap3A_1333 = arith.constant 112 : index
        %swap3A_1334 = tpu.vector_load %arg7[%swap3A_1333] {strides = array<i32>} : memref<128xi32, #tpu.memory_space<vmem>>, vector<16xi32>,
        %swap3A_1335 = vector.shape_cast %swap3A_1334 : vector<16xi32> to vector<16xi32>
        %swap3A_1336 = vector.shape_cast %add3A_1332 : vector<16xi32> to vector<16xi32>
        tpu.vector_store %arg7[%swap3A_1333], %swap3A_1336 {strides = array<i32>} : memref<128xi32, #tpu.memory_space<vmem>>, vector<16xi32>,
        %dma_start3A_1337 = arith.constant 0 : i32
        %dma_start3A_1338 = arith.constant 0 : i32
        %dma_start3A_1339 = tpu.memref_slice %arg2[%dma_start3A_1337, %dma_start3A_1338] : memref<240000x128xf32, #tpu.memory_space<hbm>> -> memref<240000x128xf32, #tpu.memory_space<hbm>>
        tpu.enqueue_indirect_dma source(%dma_start3A_1339 : memref<240000x128xf32, #tpu.memory_space<hbm>>) target(%arg13 : memref<128x128xf32, #tpu.memory_space<vmem>>) offsets(%arg7 : memref<128xi32, #tpu.memory_space<vmem>>) semaphore(%arg19 : memref<!tpu.dma_semaphore, #tpu.memory_space<semaphore_mem>>)
      } else {
      }
      %dma_wait3A_917 = arith.constant 0 : i32
      %dma_wait3A_918 = arith.constant 0 : i32
      %dma_wait3A_919 = tpu.memref_slice %arg2[%dma_wait3A_917, %dma_wait3A_918] : memref<240000x128xf32, #tpu.memory_space<hbm>> -> memref<240000x128xf32, #tpu.memory_space<hbm>>
      tpu.wait_indirect_dma semaphore(%arg20 : memref<!tpu.dma_semaphore, #tpu.memory_space<semaphore_mem>>) src(%dma_wait3A_919 : memref<240000x128xf32, #tpu.memory_space<hbm>>) dst(%arg14 : memref<128x128xf32, #tpu.memory_space<vmem>>)
      %add3A_920 = arith.addi %add3A_911, %select_n3A : i32
      %rem3A_921 = arith.constant 60 : i32
      %rem3A_922 = arith.remsi %add3A_920, %rem3A_921 : i32
      %mul3A_923 = arith.constant 4 : i32
      %mul3A_924 = arith.muli %rem3A_922, %mul3A_923 : i32
      %add3A_925 = arith.constant 0 : i32
      %add3A_926 = arith.addi %mul3A_924, %add3A_925 : i32
      %mul3A_927 = arith.constant 1024 : i32
      %mul3A_928 = arith.muli %add3A_926, %mul3A_927 : i32
      %add3A_929 = arith.addi %mul3A_928, %mul3A_2 : i32
      %dma_start3A_930 = arith.constant 0 : i32
      %dma_start3A_931 = arith.constant 0 : i32
      %dma_start3A_932 = tpu.memref_slice %arg14[%dma_start3A_930, %dma_start3A_931] : memref<128x128xf32, #tpu.memory_space<vmem>> -> memref<32x128xf32, #tpu.memory_space<vmem>>
      %dma_start3A_933 = arith.constant 0 : i32
      %dma_start3A_934 = tpu.memref_slice %arg4[%add3A_929, %dma_start3A_933] : memref<245760x128xf32, #tpu.memory_space<hbm>> -> memref<32x128xf32, #tpu.memory_space<hbm>>
      %dma_start3A_935 = arith.constant 0 : i32
      %dma_start3A_936 = tpu.memref_slice %arg4[%add3A_929, %dma_start3A_935] : memref<245760x128xf32, #tpu.memory_space<hbm>> -> memref<32x128xf32, #tpu.memory_space<hbm>>
      %dma_start3A_937 = arith.constant 0 : i32
      %dma_start3A_938 = arith.constant 0 : i32
      %dma_start3A_939 = tpu.memref_slice %arg14[%dma_start3A_937, %dma_start3A_938] : memref<128x128xf32, #tpu.memory_space<vmem>> -> memref<32x128xf32, #tpu.memory_space<vmem>>
      tpu.enqueue_dma source(%dma_start3A_939 : memref<32x128xf32, #tpu.memory_space<vmem>>) target(%dma_start3A_936 : memref<32x128xf32, #tpu.memory_space<hbm>>) target_semaphore(%arg26 : memref<!tpu.dma_semaphore, #tpu.memory_space<semaphore_mem>>)
      %add3A_940 = arith.constant 1 : i32
      %add3A_941 = arith.addi %mul3A_924, %add3A_940 : i32
      %mul3A_942 = arith.constant 1024 : i32
      %mul3A_943 = arith.muli %add3A_941, %mul3A_942 : i32
      %add3A_944 = arith.addi %mul3A_943, %mul3A_2 : i32
      %dma_start3A_945 = arith.constant 32 : i32
      %dma_start3A_946 = arith.constant 0 : i32
      %dma_start3A_947 = tpu.memref_slice %arg14[%dma_start3A_945, %dma_start3A_946] : memref<128x128xf32, #tpu.memory_space<vmem>> -> memref<32x128xf32, #tpu.memory_space<vmem>>
      %dma_start3A_948 = arith.constant 0 : i32
      %dma_start3A_949 = tpu.memref_slice %arg4[%add3A_944, %dma_start3A_948] : memref<245760x128xf32, #tpu.memory_space<hbm>> -> memref<32x128xf32, #tpu.memory_space<hbm>>
      %dma_start3A_950 = arith.constant 0 : i32
      %dma_start3A_951 = tpu.memref_slice %arg4[%add3A_944, %dma_start3A_950] : memref<245760x128xf32, #tpu.memory_space<hbm>> -> memref<32x128xf32, #tpu.memory_space<hbm>>
      %dma_start3A_952 = arith.constant 32 : i32
      %dma_start3A_953 = arith.constant 0 : i32
      %dma_start3A_954 = tpu.memref_slice %arg14[%dma_start3A_952, %dma_start3A_953] : memref<128x128xf32, #tpu.memory_space<vmem>> -> memref<32x128xf32, #tpu.memory_space<vmem>>
      tpu.enqueue_dma source(%dma_start3A_954 : memref<32x128xf32, #tpu.memory_space<vmem>>) target(%dma_start3A_951 : memref<32x128xf32, #tpu.memory_space<hbm>>) target_semaphore(%arg26 : memref<!tpu.dma_semaphore, #tpu.memory_space<semaphore_mem>>)
      %add3A_955 = arith.constant 2 : i32
      %add3A_956 = arith.addi %mul3A_924, %add3A_955 : i32
      %mul3A_957 = arith.constant 1024 : i32
      %mul3A_958 = arith.muli %add3A_956, %mul3A_957 : i32
      %add3A_959 = arith.addi %mul3A_958, %mul3A_2 : i32
      %dma_start3A_960 = arith.constant 64 : i32
      %dma_start3A_961 = arith.constant 0 : i32
      %dma_start3A_962 = tpu.memref_slice %arg14[%dma_start3A_960, %dma_start3A_961] : memref<128x128xf32, #tpu.memory_space<vmem>> -> memref<32x128xf32, #tpu.memory_space<vmem>>
      %dma_start3A_963 = arith.constant 0 : i32
      %dma_start3A_964 = tpu.memref_slice %arg4[%add3A_959, %dma_start3A_963] : memref<245760x128xf32, #tpu.memory_space<hbm>> -> memref<32x128xf32, #tpu.memory_space<hbm>>
      %dma_start3A_965 = arith.constant 0 : i32
      %dma_start3A_966 = tpu.memref_slice %arg4[%add3A_959, %dma_start3A_965] : memref<245760x128xf32, #tpu.memory_space<hbm>> -> memref<32x128xf32, #tpu.memory_space<hbm>>
      %dma_start3A_967 = arith.constant 64 : i32
      %dma_start3A_968 = arith.constant 0 : i32
      %dma_start3A_969 = tpu.memref_slice %arg14[%dma_start3A_967, %dma_start3A_968] : memref<128x128xf32, #tpu.memory_space<vmem>> -> memref<32x128xf32, #tpu.memory_space<vmem>>
      tpu.enqueue_dma source(%dma_start3A_969 : memref<32x128xf32, #tpu.memory_space<vmem>>) target(%dma_start3A_966 : memref<32x128xf32, #tpu.memory_space<hbm>>) target_semaphore(%arg26 : memref<!tpu.dma_semaphore, #tpu.memory_space<semaphore_mem>>)
      %add3A_970 = arith.constant 3 : i32
      %add3A_971 = arith.addi %mul3A_924, %add3A_970 : i32
      %mul3A_972 = arith.constant 1024 : i32
      %mul3A_973 = arith.muli %add3A_971, %mul3A_972 : i32
      %add3A_974 = arith.addi %mul3A_973, %mul3A_2 : i32
      %dma_start3A_975 = arith.constant 96 : i32
      %dma_start3A_976 = arith.constant 0 : i32
      %dma_start3A_977 = tpu.memref_slice %arg14[%dma_start3A_975, %dma_start3A_976] : memref<128x128xf32, #tpu.memory_space<vmem>> -> memref<32x128xf32, #tpu.memory_space<vmem>>
      %dma_start3A_978 = arith.constant 0 : i32
      %dma_start3A_979 = tpu.memref_slice %arg4[%add3A_974, %dma_start3A_978] : memref<245760x128xf32, #tpu.memory_space<hbm>> -> memref<32x128xf32, #tpu.memory_space<hbm>>
      %dma_start3A_980 = arith.constant 0 : i32
      %dma_start3A_981 = tpu.memref_slice %arg4[%add3A_974, %dma_start3A_980] : memref<245760x128xf32, #tpu.memory_space<hbm>> -> memref<32x128xf32, #tpu.memory_space<hbm>>
      %dma_start3A_982 = arith.constant 96 : i32
      %dma_start3A_983 = arith.constant 0 : i32
      %dma_start3A_984 = tpu.memref_slice %arg14[%dma_start3A_982, %dma_start3A_983] : memref<128x128xf32, #tpu.memory_space<vmem>> -> memref<32x128xf32, #tpu.memory_space<vmem>>
      tpu.enqueue_dma source(%dma_start3A_984 : memref<32x128xf32, #tpu.memory_space<vmem>>) target(%dma_start3A_981 : memref<32x128xf32, #tpu.memory_space<hbm>>) target_semaphore(%arg26 : memref<!tpu.dma_semaphore, #tpu.memory_space<semaphore_mem>>)
      %mul3A_985 = arith.constant 6 : i32
      %mul3A_986 = arith.muli %mul3A_985, %scan3A_681 : i32
      %add3A_987 = arith.constant 3 : i32
      %add3A_988 = arith.addi %mul3A_986, %add3A_987 : i32
      %lt3A_989 = arith.constant 9 : i32
      %lt3A_990 = arith.cmpi slt, %scan3A_681, %lt3A_989 : i32
      %convert_element_type3A_991 = arith.extui %lt3A_990 : i1 to i32
      %cond3A_992 = arith.constant 0 : i32
      %cond3A_993 = arith.cmpi ne, %convert_element_type3A_991, %cond3A_992 : i32
      scf.if %cond3A_993 {
        %dma_wait3A_1216 = arith.constant 0 : i32
        %dma_wait3A_1217 = arith.constant 0 : i32
        %dma_wait3A_1218 = tpu.memref_slice %arg14[%dma_wait3A_1216, %dma_wait3A_1217] : memref<128x128xf32, #tpu.memory_space<vmem>> -> memref<32x128xf32, #tpu.memory_space<vmem>>
        %dma_wait3A_1219 = arith.constant 0 : i32
        %dma_wait3A_1220 = arith.constant 0 : i32
        %dma_wait3A_1221 = tpu.memref_slice %arg4[%dma_wait3A_1219, %dma_wait3A_1220] : memref<245760x128xf32, #tpu.memory_space<hbm>> -> memref<32x128xf32, #tpu.memory_space<hbm>>
        %dma_wait3A_1222 = arith.constant 0 : i32
        %dma_wait3A_1223 = arith.constant 0 : i32
        %dma_wait3A_1224 = tpu.memref_slice %arg4[%dma_wait3A_1222, %dma_wait3A_1223] : memref<245760x128xf32, #tpu.memory_space<hbm>> -> memref<32x128xf32, #tpu.memory_space<hbm>>
        %dma_wait3A_1225 = arith.constant 0 : i32
        %dma_wait3A_1226 = arith.constant 0 : i32
        %dma_wait3A_1227 = tpu.memref_slice %arg14[%dma_wait3A_1225, %dma_wait3A_1226] : memref<128x128xf32, #tpu.memory_space<vmem>> -> memref<32x128xf32, #tpu.memory_space<vmem>>
        tpu.wait_dma2 semaphore(%arg26 : memref<!tpu.dma_semaphore, #tpu.memory_space<semaphore_mem>>) src(%dma_wait3A_1227 : memref<32x128xf32, #tpu.memory_space<vmem>>) dst(%dma_wait3A_1224 : memref<32x128xf32, #tpu.memory_space<hbm>>)
        %dma_wait3A_1228 = arith.constant 0 : i32
        %dma_wait3A_1229 = arith.constant 0 : i32
        %dma_wait3A_1230 = tpu.memref_slice %arg14[%dma_wait3A_1228, %dma_wait3A_1229] : memref<128x128xf32, #tpu.memory_space<vmem>> -> memref<32x128xf32, #tpu.memory_space<vmem>>
        %dma_wait3A_1231 = arith.constant 0 : i32
        %dma_wait3A_1232 = arith.constant 0 : i32
        %dma_wait3A_1233 = tpu.memref_slice %arg4[%dma_wait3A_1231, %dma_wait3A_1232] : memref<245760x128xf32, #tpu.memory_space<hbm>> -> memref<32x128xf32, #tpu.memory_space<hbm>>
        %dma_wait3A_1234 = arith.constant 0 : i32
        %dma_wait3A_1235 = arith.constant 0 : i32
        %dma_wait3A_1236 = tpu.memref_slice %arg4[%dma_wait3A_1234, %dma_wait3A_1235] : memref<245760x128xf32, #tpu.memory_space<hbm>> -> memref<32x128xf32, #tpu.memory_space<hbm>>
        %dma_wait3A_1237 = arith.constant 0 : i32
        %dma_wait3A_1238 = arith.constant 0 : i32
        %dma_wait3A_1239 = tpu.memref_slice %arg14[%dma_wait3A_1237, %dma_wait3A_1238] : memref<128x128xf32, #tpu.memory_space<vmem>> -> memref<32x128xf32, #tpu.memory_space<vmem>>
        tpu.wait_dma2 semaphore(%arg26 : memref<!tpu.dma_semaphore, #tpu.memory_space<semaphore_mem>>) src(%dma_wait3A_1239 : memref<32x128xf32, #tpu.memory_space<vmem>>) dst(%dma_wait3A_1236 : memref<32x128xf32, #tpu.memory_space<hbm>>)
        %dma_wait3A_1240 = arith.constant 0 : i32
        %dma_wait3A_1241 = arith.constant 0 : i32
        %dma_wait3A_1242 = tpu.memref_slice %arg14[%dma_wait3A_1240, %dma_wait3A_1241] : memref<128x128xf32, #tpu.memory_space<vmem>> -> memref<32x128xf32, #tpu.memory_space<vmem>>
        %dma_wait3A_1243 = arith.constant 0 : i32
        %dma_wait3A_1244 = arith.constant 0 : i32
        %dma_wait3A_1245 = tpu.memref_slice %arg4[%dma_wait3A_1243, %dma_wait3A_1244] : memref<245760x128xf32, #tpu.memory_space<hbm>> -> memref<32x128xf32, #tpu.memory_space<hbm>>
        %dma_wait3A_1246 = arith.constant 0 : i32
        %dma_wait3A_1247 = arith.constant 0 : i32
        %dma_wait3A_1248 = tpu.memref_slice %arg4[%dma_wait3A_1246, %dma_wait3A_1247] : memref<245760x128xf32, #tpu.memory_space<hbm>> -> memref<32x128xf32, #tpu.memory_space<hbm>>
        %dma_wait3A_1249 = arith.constant 0 : i32
        %dma_wait3A_1250 = arith.constant 0 : i32
        %dma_wait3A_1251 = tpu.memref_slice %arg14[%dma_wait3A_1249, %dma_wait3A_1250] : memref<128x128xf32, #tpu.memory_space<vmem>> -> memref<32x128xf32, #tpu.memory_space<vmem>>
        tpu.wait_dma2 semaphore(%arg26 : memref<!tpu.dma_semaphore, #tpu.memory_space<semaphore_mem>>) src(%dma_wait3A_1251 : memref<32x128xf32, #tpu.memory_space<vmem>>) dst(%dma_wait3A_1248 : memref<32x128xf32, #tpu.memory_space<hbm>>)
        %dma_wait3A_1252 = arith.constant 0 : i32
        %dma_wait3A_1253 = arith.constant 0 : i32
        %dma_wait3A_1254 = tpu.memref_slice %arg14[%dma_wait3A_1252, %dma_wait3A_1253] : memref<128x128xf32, #tpu.memory_space<vmem>> -> memref<32x128xf32, #tpu.memory_space<vmem>>
        %dma_wait3A_1255 = arith.constant 0 : i32
        %dma_wait3A_1256 = arith.constant 0 : i32
        %dma_wait3A_1257 = tpu.memref_slice %arg4[%dma_wait3A_1255, %dma_wait3A_1256] : memref<245760x128xf32, #tpu.memory_space<hbm>> -> memref<32x128xf32, #tpu.memory_space<hbm>>
        %dma_wait3A_1258 = arith.constant 0 : i32
        %dma_wait3A_1259 = arith.constant 0 : i32
        %dma_wait3A_1260 = tpu.memref_slice %arg4[%dma_wait3A_1258, %dma_wait3A_1259] : memref<245760x128xf32, #tpu.memory_space<hbm>> -> memref<32x128xf32, #tpu.memory_space<hbm>>
        %dma_wait3A_1261 = arith.constant 0 : i32
        %dma_wait3A_1262 = arith.constant 0 : i32
        %dma_wait3A_1263 = tpu.memref_slice %arg14[%dma_wait3A_1261, %dma_wait3A_1262] : memref<128x128xf32, #tpu.memory_space<vmem>> -> memref<32x128xf32, #tpu.memory_space<vmem>>
        tpu.wait_dma2 semaphore(%arg26 : memref<!tpu.dma_semaphore, #tpu.memory_space<semaphore_mem>>) src(%dma_wait3A_1263 : memref<32x128xf32, #tpu.memory_space<vmem>>) dst(%dma_wait3A_1260 : memref<32x128xf32, #tpu.memory_space<hbm>>)
        %add3A_1264 = arith.constant 6 : i32
        %add3A_1265 = arith.addi %add3A_988, %add3A_1264 : i32
        %sub3A_1266 = arith.constant 1 : i32
        %sub3A_1267 = arith.subi %add3A_1265, %sub3A_1266 : i32
        %add3A_1268 = arith.addi %sub3A_1267, %select_n3A : i32
        %rem3A_1269 = arith.constant 60 : i32
        %rem3A_1270 = arith.remsi %add3A_1268, %rem3A_1269 : i32
        %mul3A_1271 = arith.constant 4 : i32
        %mul3A_1272 = arith.muli %rem3A_1270, %mul3A_1271 : i32
        %add3A_1273 = arith.constant 0 : i32
        %add3A_1274 = arith.addi %mul3A_1272, %add3A_1273 : i32
        %mul3A_1275 = arith.constant 1000 : i32
        %mul3A_1276 = arith.muli %add3A_1274, %mul3A_1275 : i32
        %add3A_1277 = vector.broadcast %mul3A_1276 : i32 to vector<16xi32>
        %add3A_1278 = arith.addi %get3A_4, %add3A_1277 : vector<16xi32>
        %swap3A_1279 = arith.constant 0 : index
        %swap3A_1280 = tpu.vector_load %arg8[%swap3A_1279] {strides = array<i32>} : memref<128xi32, #tpu.memory_space<vmem>>, vector<16xi32>,
        %swap3A_1281 = vector.shape_cast %swap3A_1280 : vector<16xi32> to vector<16xi32>
        %swap3A_1282 = vector.shape_cast %add3A_1278 : vector<16xi32> to vector<16xi32>
        tpu.vector_store %arg8[%swap3A_1279], %swap3A_1282 {strides = array<i32>} : memref<128xi32, #tpu.memory_space<vmem>>, vector<16xi32>,
        %add3A_1283 = vector.broadcast %mul3A_1276 : i32 to vector<16xi32>
        %add3A_1284 = arith.addi %get3A_7, %add3A_1283 : vector<16xi32>
        %swap3A_1285 = arith.constant 16 : index
        %swap3A_1286 = tpu.vector_load %arg8[%swap3A_1285] {strides = array<i32>} : memref<128xi32, #tpu.memory_space<vmem>>, vector<16xi32>,
        %swap3A_1287 = vector.shape_cast %swap3A_1286 : vector<16xi32> to vector<16xi32>
        %swap3A_1288 = vector.shape_cast %add3A_1284 : vector<16xi32> to vector<16xi32>
        tpu.vector_store %arg8[%swap3A_1285], %swap3A_1288 {strides = array<i32>} : memref<128xi32, #tpu.memory_space<vmem>>, vector<16xi32>,
        %add3A_1289 = arith.constant 1 : i32
        %add3A_1290 = arith.addi %mul3A_1272, %add3A_1289 : i32
        %mul3A_1291 = arith.constant 1000 : i32
        %mul3A_1292 = arith.muli %add3A_1290, %mul3A_1291 : i32
        %add3A_1293 = vector.broadcast %mul3A_1292 : i32 to vector<16xi32>
        %add3A_1294 = arith.addi %get3A_4, %add3A_1293 : vector<16xi32>
        %swap3A_1295 = arith.constant 32 : index
        %swap3A_1296 = tpu.vector_load %arg8[%swap3A_1295] {strides = array<i32>} : memref<128xi32, #tpu.memory_space<vmem>>, vector<16xi32>,
        %swap3A_1297 = vector.shape_cast %swap3A_1296 : vector<16xi32> to vector<16xi32>
        %swap3A_1298 = vector.shape_cast %add3A_1294 : vector<16xi32> to vector<16xi32>
        tpu.vector_store %arg8[%swap3A_1295], %swap3A_1298 {strides = array<i32>} : memref<128xi32, #tpu.memory_space<vmem>>, vector<16xi32>,
        %add3A_1299 = vector.broadcast %mul3A_1292 : i32 to vector<16xi32>
        %add3A_1300 = arith.addi %get3A_7, %add3A_1299 : vector<16xi32>
        %swap3A_1301 = arith.constant 48 : index
        %swap3A_1302 = tpu.vector_load %arg8[%swap3A_1301] {strides = array<i32>} : memref<128xi32, #tpu.memory_space<vmem>>, vector<16xi32>,
        %swap3A_1303 = vector.shape_cast %swap3A_1302 : vector<16xi32> to vector<16xi32>
        %swap3A_1304 = vector.shape_cast %add3A_1300 : vector<16xi32> to vector<16xi32>
        tpu.vector_store %arg8[%swap3A_1301], %swap3A_1304 {strides = array<i32>} : memref<128xi32, #tpu.memory_space<vmem>>, vector<16xi32>,
        %add3A_1305 = arith.constant 2 : i32
        %add3A_1306 = arith.addi %mul3A_1272, %add3A_1305 : i32
        %mul3A_1307 = arith.constant 1000 : i32
        %mul3A_1308 = arith.muli %add3A_1306, %mul3A_1307 : i32
        %add3A_1309 = vector.broadcast %mul3A_1308 : i32 to vector<16xi32>
        %add3A_1310 = arith.addi %get3A_4, %add3A_1309 : vector<16xi32>
        %swap3A_1311 = arith.constant 64 : index
        %swap3A_1312 = tpu.vector_load %arg8[%swap3A_1311] {strides = array<i32>} : memref<128xi32, #tpu.memory_space<vmem>>, vector<16xi32>,
        %swap3A_1313 = vector.shape_cast %swap3A_1312 : vector<16xi32> to vector<16xi32>
        %swap3A_1314 = vector.shape_cast %add3A_1310 : vector<16xi32> to vector<16xi32>
        tpu.vector_store %arg8[%swap3A_1311], %swap3A_1314 {strides = array<i32>} : memref<128xi32, #tpu.memory_space<vmem>>, vector<16xi32>,
        %add3A_1315 = vector.broadcast %mul3A_1308 : i32 to vector<16xi32>
        %add3A_1316 = arith.addi %get3A_7, %add3A_1315 : vector<16xi32>
        %swap3A_1317 = arith.constant 80 : index
        %swap3A_1318 = tpu.vector_load %arg8[%swap3A_1317] {strides = array<i32>} : memref<128xi32, #tpu.memory_space<vmem>>, vector<16xi32>,
        %swap3A_1319 = vector.shape_cast %swap3A_1318 : vector<16xi32> to vector<16xi32>
        %swap3A_1320 = vector.shape_cast %add3A_1316 : vector<16xi32> to vector<16xi32>
        tpu.vector_store %arg8[%swap3A_1317], %swap3A_1320 {strides = array<i32>} : memref<128xi32, #tpu.memory_space<vmem>>, vector<16xi32>,
        %add3A_1321 = arith.constant 3 : i32
        %add3A_1322 = arith.addi %mul3A_1272, %add3A_1321 : i32
        %mul3A_1323 = arith.constant 1000 : i32
        %mul3A_1324 = arith.muli %add3A_1322, %mul3A_1323 : i32
        %add3A_1325 = vector.broadcast %mul3A_1324 : i32 to vector<16xi32>
        %add3A_1326 = arith.addi %get3A_4, %add3A_1325 : vector<16xi32>
        %swap3A_1327 = arith.constant 96 : index
        %swap3A_1328 = tpu.vector_load %arg8[%swap3A_1327] {strides = array<i32>} : memref<128xi32, #tpu.memory_space<vmem>>, vector<16xi32>,
        %swap3A_1329 = vector.shape_cast %swap3A_1328 : vector<16xi32> to vector<16xi32>
        %swap3A_1330 = vector.shape_cast %add3A_1326 : vector<16xi32> to vector<16xi32>
        tpu.vector_store %arg8[%swap3A_1327], %swap3A_1330 {strides = array<i32>} : memref<128xi32, #tpu.memory_space<vmem>>, vector<16xi32>,
        %add3A_1331 = vector.broadcast %mul3A_1324 : i32 to vector<16xi32>
        %add3A_1332 = arith.addi %get3A_7, %add3A_1331 : vector<16xi32>
        %swap3A_1333 = arith.constant 112 : index
        %swap3A_1334 = tpu.vector_load %arg8[%swap3A_1333] {strides = array<i32>} : memref<128xi32, #tpu.memory_space<vmem>>, vector<16xi32>,
        %swap3A_1335 = vector.shape_cast %swap3A_1334 : vector<16xi32> to vector<16xi32>
        %swap3A_1336 = vector.shape_cast %add3A_1332 : vector<16xi32> to vector<16xi32>
        tpu.vector_store %arg8[%swap3A_1333], %swap3A_1336 {strides = array<i32>} : memref<128xi32, #tpu.memory_space<vmem>>, vector<16xi32>,
        %dma_start3A_1337 = arith.constant 0 : i32
        %dma_start3A_1338 = arith.constant 0 : i32
        %dma_start3A_1339 = tpu.memref_slice %arg2[%dma_start3A_1337, %dma_start3A_1338] : memref<240000x128xf32, #tpu.memory_space<hbm>> -> memref<240000x128xf32, #tpu.memory_space<hbm>>
        tpu.enqueue_indirect_dma source(%dma_start3A_1339 : memref<240000x128xf32, #tpu.memory_space<hbm>>) target(%arg14 : memref<128x128xf32, #tpu.memory_space<vmem>>) offsets(%arg8 : memref<128xi32, #tpu.memory_space<vmem>>) semaphore(%arg20 : memref<!tpu.dma_semaphore, #tpu.memory_space<semaphore_mem>>)
      } else {
      }
      %dma_wait3A_994 = arith.constant 0 : i32
      %dma_wait3A_995 = arith.constant 0 : i32
      %dma_wait3A_996 = tpu.memref_slice %arg2[%dma_wait3A_994, %dma_wait3A_995] : memref<240000x128xf32, #tpu.memory_space<hbm>> -> memref<240000x128xf32, #tpu.memory_space<hbm>>
      tpu.wait_indirect_dma semaphore(%arg21 : memref<!tpu.dma_semaphore, #tpu.memory_space<semaphore_mem>>) src(%dma_wait3A_996 : memref<240000x128xf32, #tpu.memory_space<hbm>>) dst(%arg15 : memref<128x128xf32, #tpu.memory_space<vmem>>)
      %add3A_997 = arith.addi %add3A_988, %select_n3A : i32
      %rem3A_998 = arith.constant 60 : i32
      %rem3A_999 = arith.remsi %add3A_997, %rem3A_998 : i32
      %mul3A_1000 = arith.constant 4 : i32
      %mul3A_1001 = arith.muli %rem3A_999, %mul3A_1000 : i32
      %add3A_1002 = arith.constant 0 : i32
      %add3A_1003 = arith.addi %mul3A_1001, %add3A_1002 : i32
      %mul3A_1004 = arith.constant 1024 : i32
      %mul3A_1005 = arith.muli %add3A_1003, %mul3A_1004 : i32
      %add3A_1006 = arith.addi %mul3A_1005, %mul3A_2 : i32
      %dma_start3A_1007 = arith.constant 0 : i32
      %dma_start3A_1008 = arith.constant 0 : i32
      %dma_start3A_1009 = tpu.memref_slice %arg15[%dma_start3A_1007, %dma_start3A_1008] : memref<128x128xf32, #tpu.memory_space<vmem>> -> memref<32x128xf32, #tpu.memory_space<vmem>>
      %dma_start3A_1010 = arith.constant 0 : i32
      %dma_start3A_1011 = tpu.memref_slice %arg4[%add3A_1006, %dma_start3A_1010] : memref<245760x128xf32, #tpu.memory_space<hbm>> -> memref<32x128xf32, #tpu.memory_space<hbm>>
      %dma_start3A_1012 = arith.constant 0 : i32
      %dma_start3A_1013 = tpu.memref_slice %arg4[%add3A_1006, %dma_start3A_1012] : memref<245760x128xf32, #tpu.memory_space<hbm>> -> memref<32x128xf32, #tpu.memory_space<hbm>>
      %dma_start3A_1014 = arith.constant 0 : i32
      %dma_start3A_1015 = arith.constant 0 : i32
      %dma_start3A_1016 = tpu.memref_slice %arg15[%dma_start3A_1014, %dma_start3A_1015] : memref<128x128xf32, #tpu.memory_space<vmem>> -> memref<32x128xf32, #tpu.memory_space<vmem>>
      tpu.enqueue_dma source(%dma_start3A_1016 : memref<32x128xf32, #tpu.memory_space<vmem>>) target(%dma_start3A_1013 : memref<32x128xf32, #tpu.memory_space<hbm>>) target_semaphore(%arg27 : memref<!tpu.dma_semaphore, #tpu.memory_space<semaphore_mem>>)
      %add3A_1017 = arith.constant 1 : i32
      %add3A_1018 = arith.addi %mul3A_1001, %add3A_1017 : i32
      %mul3A_1019 = arith.constant 1024 : i32
      %mul3A_1020 = arith.muli %add3A_1018, %mul3A_1019 : i32
      %add3A_1021 = arith.addi %mul3A_1020, %mul3A_2 : i32
      %dma_start3A_1022 = arith.constant 32 : i32
      %dma_start3A_1023 = arith.constant 0 : i32
      %dma_start3A_1024 = tpu.memref_slice %arg15[%dma_start3A_1022, %dma_start3A_1023] : memref<128x128xf32, #tpu.memory_space<vmem>> -> memref<32x128xf32, #tpu.memory_space<vmem>>
      %dma_start3A_1025 = arith.constant 0 : i32
      %dma_start3A_1026 = tpu.memref_slice %arg4[%add3A_1021, %dma_start3A_1025] : memref<245760x128xf32, #tpu.memory_space<hbm>> -> memref<32x128xf32, #tpu.memory_space<hbm>>
      %dma_start3A_1027 = arith.constant 0 : i32
      %dma_start3A_1028 = tpu.memref_slice %arg4[%add3A_1021, %dma_start3A_1027] : memref<245760x128xf32, #tpu.memory_space<hbm>> -> memref<32x128xf32, #tpu.memory_space<hbm>>
      %dma_start3A_1029 = arith.constant 32 : i32
      %dma_start3A_1030 = arith.constant 0 : i32
      %dma_start3A_1031 = tpu.memref_slice %arg15[%dma_start3A_1029, %dma_start3A_1030] : memref<128x128xf32, #tpu.memory_space<vmem>> -> memref<32x128xf32, #tpu.memory_space<vmem>>
      tpu.enqueue_dma source(%dma_start3A_1031 : memref<32x128xf32, #tpu.memory_space<vmem>>) target(%dma_start3A_1028 : memref<32x128xf32, #tpu.memory_space<hbm>>) target_semaphore(%arg27 : memref<!tpu.dma_semaphore, #tpu.memory_space<semaphore_mem>>)
      %add3A_1032 = arith.constant 2 : i32
      %add3A_1033 = arith.addi %mul3A_1001, %add3A_1032 : i32
      %mul3A_1034 = arith.constant 1024 : i32
      %mul3A_1035 = arith.muli %add3A_1033, %mul3A_1034 : i32
      %add3A_1036 = arith.addi %mul3A_1035, %mul3A_2 : i32
      %dma_start3A_1037 = arith.constant 64 : i32
      %dma_start3A_1038 = arith.constant 0 : i32
      %dma_start3A_1039 = tpu.memref_slice %arg15[%dma_start3A_1037, %dma_start3A_1038] : memref<128x128xf32, #tpu.memory_space<vmem>> -> memref<32x128xf32, #tpu.memory_space<vmem>>
      %dma_start3A_1040 = arith.constant 0 : i32
      %dma_start3A_1041 = tpu.memref_slice %arg4[%add3A_1036, %dma_start3A_1040] : memref<245760x128xf32, #tpu.memory_space<hbm>> -> memref<32x128xf32, #tpu.memory_space<hbm>>
      %dma_start3A_1042 = arith.constant 0 : i32
      %dma_start3A_1043 = tpu.memref_slice %arg4[%add3A_1036, %dma_start3A_1042] : memref<245760x128xf32, #tpu.memory_space<hbm>> -> memref<32x128xf32, #tpu.memory_space<hbm>>
      %dma_start3A_1044 = arith.constant 64 : i32
      %dma_start3A_1045 = arith.constant 0 : i32
      %dma_start3A_1046 = tpu.memref_slice %arg15[%dma_start3A_1044, %dma_start3A_1045] : memref<128x128xf32, #tpu.memory_space<vmem>> -> memref<32x128xf32, #tpu.memory_space<vmem>>
      tpu.enqueue_dma source(%dma_start3A_1046 : memref<32x128xf32, #tpu.memory_space<vmem>>) target(%dma_start3A_1043 : memref<32x128xf32, #tpu.memory_space<hbm>>) target_semaphore(%arg27 : memref<!tpu.dma_semaphore, #tpu.memory_space<semaphore_mem>>)
      %add3A_1047 = arith.constant 3 : i32
      %add3A_1048 = arith.addi %mul3A_1001, %add3A_1047 : i32
      %mul3A_1049 = arith.constant 1024 : i32
      %mul3A_1050 = arith.muli %add3A_1048, %mul3A_1049 : i32
      %add3A_1051 = arith.addi %mul3A_1050, %mul3A_2 : i32
      %dma_start3A_1052 = arith.constant 96 : i32
      %dma_start3A_1053 = arith.constant 0 : i32
      %dma_start3A_1054 = tpu.memref_slice %arg15[%dma_start3A_1052, %dma_start3A_1053] : memref<128x128xf32, #tpu.memory_space<vmem>> -> memref<32x128xf32, #tpu.memory_space<vmem>>
      %dma_start3A_1055 = arith.constant 0 : i32
      %dma_start3A_1056 = tpu.memref_slice %arg4[%add3A_1051, %dma_start3A_1055] : memref<245760x128xf32, #tpu.memory_space<hbm>> -> memref<32x128xf32, #tpu.memory_space<hbm>>
      %dma_start3A_1057 = arith.constant 0 : i32
      %dma_start3A_1058 = tpu.memref_slice %arg4[%add3A_1051, %dma_start3A_1057] : memref<245760x128xf32, #tpu.memory_space<hbm>> -> memref<32x128xf32, #tpu.memory_space<hbm>>
      %dma_start3A_1059 = arith.constant 96 : i32
      %dma_start3A_1060 = arith.constant 0 : i32
      %dma_start3A_1061 = tpu.memref_slice %arg15[%dma_start3A_1059, %dma_start3A_1060] : memref<128x128xf32, #tpu.memory_space<vmem>> -> memref<32x128xf32, #tpu.memory_space<vmem>>
      tpu.enqueue_dma source(%dma_start3A_1061 : memref<32x128xf32, #tpu.memory_space<vmem>>) target(%dma_start3A_1058 : memref<32x128xf32, #tpu.memory_space<hbm>>) target_semaphore(%arg27 : memref<!tpu.dma_semaphore, #tpu.memory_space<semaphore_mem>>)
      %mul3A_1062 = arith.constant 6 : i32
      %mul3A_1063 = arith.muli %mul3A_1062, %scan3A_681 : i32
      %add3A_1064 = arith.constant 4 : i32
      %add3A_1065 = arith.addi %mul3A_1063, %add3A_1064 : i32
      %lt3A_1066 = arith.constant 9 : i32
      %lt3A_1067 = arith.cmpi slt, %scan3A_681, %lt3A_1066 : i32
      %convert_element_type3A_1068 = arith.extui %lt3A_1067 : i1 to i32
      %cond3A_1069 = arith.constant 0 : i32
      %cond3A_1070 = arith.cmpi ne, %convert_element_type3A_1068, %cond3A_1069 : i32
      scf.if %cond3A_1070 {
        %dma_wait3A_1216 = arith.constant 0 : i32
        %dma_wait3A_1217 = arith.constant 0 : i32
        %dma_wait3A_1218 = tpu.memref_slice %arg15[%dma_wait3A_1216, %dma_wait3A_1217] : memref<128x128xf32, #tpu.memory_space<vmem>> -> memref<32x128xf32, #tpu.memory_space<vmem>>
        %dma_wait3A_1219 = arith.constant 0 : i32
        %dma_wait3A_1220 = arith.constant 0 : i32
        %dma_wait3A_1221 = tpu.memref_slice %arg4[%dma_wait3A_1219, %dma_wait3A_1220] : memref<245760x128xf32, #tpu.memory_space<hbm>> -> memref<32x128xf32, #tpu.memory_space<hbm>>
        %dma_wait3A_1222 = arith.constant 0 : i32
        %dma_wait3A_1223 = arith.constant 0 : i32
        %dma_wait3A_1224 = tpu.memref_slice %arg4[%dma_wait3A_1222, %dma_wait3A_1223] : memref<245760x128xf32, #tpu.memory_space<hbm>> -> memref<32x128xf32, #tpu.memory_space<hbm>>
        %dma_wait3A_1225 = arith.constant 0 : i32
        %dma_wait3A_1226 = arith.constant 0 : i32
        %dma_wait3A_1227 = tpu.memref_slice %arg15[%dma_wait3A_1225, %dma_wait3A_1226] : memref<128x128xf32, #tpu.memory_space<vmem>> -> memref<32x128xf32, #tpu.memory_space<vmem>>
        tpu.wait_dma2 semaphore(%arg27 : memref<!tpu.dma_semaphore, #tpu.memory_space<semaphore_mem>>) src(%dma_wait3A_1227 : memref<32x128xf32, #tpu.memory_space<vmem>>) dst(%dma_wait3A_1224 : memref<32x128xf32, #tpu.memory_space<hbm>>)
        %dma_wait3A_1228 = arith.constant 0 : i32
        %dma_wait3A_1229 = arith.constant 0 : i32
        %dma_wait3A_1230 = tpu.memref_slice %arg15[%dma_wait3A_1228, %dma_wait3A_1229] : memref<128x128xf32, #tpu.memory_space<vmem>> -> memref<32x128xf32, #tpu.memory_space<vmem>>
        %dma_wait3A_1231 = arith.constant 0 : i32
        %dma_wait3A_1232 = arith.constant 0 : i32
        %dma_wait3A_1233 = tpu.memref_slice %arg4[%dma_wait3A_1231, %dma_wait3A_1232] : memref<245760x128xf32, #tpu.memory_space<hbm>> -> memref<32x128xf32, #tpu.memory_space<hbm>>
        %dma_wait3A_1234 = arith.constant 0 : i32
        %dma_wait3A_1235 = arith.constant 0 : i32
        %dma_wait3A_1236 = tpu.memref_slice %arg4[%dma_wait3A_1234, %dma_wait3A_1235] : memref<245760x128xf32, #tpu.memory_space<hbm>> -> memref<32x128xf32, #tpu.memory_space<hbm>>
        %dma_wait3A_1237 = arith.constant 0 : i32
        %dma_wait3A_1238 = arith.constant 0 : i32
        %dma_wait3A_1239 = tpu.memref_slice %arg15[%dma_wait3A_1237, %dma_wait3A_1238] : memref<128x128xf32, #tpu.memory_space<vmem>> -> memref<32x128xf32, #tpu.memory_space<vmem>>
        tpu.wait_dma2 semaphore(%arg27 : memref<!tpu.dma_semaphore, #tpu.memory_space<semaphore_mem>>) src(%dma_wait3A_1239 : memref<32x128xf32, #tpu.memory_space<vmem>>) dst(%dma_wait3A_1236 : memref<32x128xf32, #tpu.memory_space<hbm>>)
        %dma_wait3A_1240 = arith.constant 0 : i32
        %dma_wait3A_1241 = arith.constant 0 : i32
        %dma_wait3A_1242 = tpu.memref_slice %arg15[%dma_wait3A_1240, %dma_wait3A_1241] : memref<128x128xf32, #tpu.memory_space<vmem>> -> memref<32x128xf32, #tpu.memory_space<vmem>>
        %dma_wait3A_1243 = arith.constant 0 : i32
        %dma_wait3A_1244 = arith.constant 0 : i32
        %dma_wait3A_1245 = tpu.memref_slice %arg4[%dma_wait3A_1243, %dma_wait3A_1244] : memref<245760x128xf32, #tpu.memory_space<hbm>> -> memref<32x128xf32, #tpu.memory_space<hbm>>
        %dma_wait3A_1246 = arith.constant 0 : i32
        %dma_wait3A_1247 = arith.constant 0 : i32
        %dma_wait3A_1248 = tpu.memref_slice %arg4[%dma_wait3A_1246, %dma_wait3A_1247] : memref<245760x128xf32, #tpu.memory_space<hbm>> -> memref<32x128xf32, #tpu.memory_space<hbm>>
        %dma_wait3A_1249 = arith.constant 0 : i32
        %dma_wait3A_1250 = arith.constant 0 : i32
        %dma_wait3A_1251 = tpu.memref_slice %arg15[%dma_wait3A_1249, %dma_wait3A_1250] : memref<128x128xf32, #tpu.memory_space<vmem>> -> memref<32x128xf32, #tpu.memory_space<vmem>>
        tpu.wait_dma2 semaphore(%arg27 : memref<!tpu.dma_semaphore, #tpu.memory_space<semaphore_mem>>) src(%dma_wait3A_1251 : memref<32x128xf32, #tpu.memory_space<vmem>>) dst(%dma_wait3A_1248 : memref<32x128xf32, #tpu.memory_space<hbm>>)
        %dma_wait3A_1252 = arith.constant 0 : i32
        %dma_wait3A_1253 = arith.constant 0 : i32
        %dma_wait3A_1254 = tpu.memref_slice %arg15[%dma_wait3A_1252, %dma_wait3A_1253] : memref<128x128xf32, #tpu.memory_space<vmem>> -> memref<32x128xf32, #tpu.memory_space<vmem>>
        %dma_wait3A_1255 = arith.constant 0 : i32
        %dma_wait3A_1256 = arith.constant 0 : i32
        %dma_wait3A_1257 = tpu.memref_slice %arg4[%dma_wait3A_1255, %dma_wait3A_1256] : memref<245760x128xf32, #tpu.memory_space<hbm>> -> memref<32x128xf32, #tpu.memory_space<hbm>>
        %dma_wait3A_1258 = arith.constant 0 : i32
        %dma_wait3A_1259 = arith.constant 0 : i32
        %dma_wait3A_1260 = tpu.memref_slice %arg4[%dma_wait3A_1258, %dma_wait3A_1259] : memref<245760x128xf32, #tpu.memory_space<hbm>> -> memref<32x128xf32, #tpu.memory_space<hbm>>
        %dma_wait3A_1261 = arith.constant 0 : i32
        %dma_wait3A_1262 = arith.constant 0 : i32
        %dma_wait3A_1263 = tpu.memref_slice %arg15[%dma_wait3A_1261, %dma_wait3A_1262] : memref<128x128xf32, #tpu.memory_space<vmem>> -> memref<32x128xf32, #tpu.memory_space<vmem>>
        tpu.wait_dma2 semaphore(%arg27 : memref<!tpu.dma_semaphore, #tpu.memory_space<semaphore_mem>>) src(%dma_wait3A_1263 : memref<32x128xf32, #tpu.memory_space<vmem>>) dst(%dma_wait3A_1260 : memref<32x128xf32, #tpu.memory_space<hbm>>)
        %add3A_1264 = arith.constant 6 : i32
        %add3A_1265 = arith.addi %add3A_1065, %add3A_1264 : i32
        %sub3A_1266 = arith.constant 1 : i32
        %sub3A_1267 = arith.subi %add3A_1265, %sub3A_1266 : i32
        %add3A_1268 = arith.addi %sub3A_1267, %select_n3A : i32
        %rem3A_1269 = arith.constant 60 : i32
        %rem3A_1270 = arith.remsi %add3A_1268, %rem3A_1269 : i32
        %mul3A_1271 = arith.constant 4 : i32
        %mul3A_1272 = arith.muli %rem3A_1270, %mul3A_1271 : i32
        %add3A_1273 = arith.constant 0 : i32
        %add3A_1274 = arith.addi %mul3A_1272, %add3A_1273 : i32
        %mul3A_1275 = arith.constant 1000 : i32
        %mul3A_1276 = arith.muli %add3A_1274, %mul3A_1275 : i32
        %add3A_1277 = vector.broadcast %mul3A_1276 : i32 to vector<16xi32>
        %add3A_1278 = arith.addi %get3A_4, %add3A_1277 : vector<16xi32>
        %swap3A_1279 = arith.constant 0 : index
        %swap3A_1280 = tpu.vector_load %arg9[%swap3A_1279] {strides = array<i32>} : memref<128xi32, #tpu.memory_space<vmem>>, vector<16xi32>,
        %swap3A_1281 = vector.shape_cast %swap3A_1280 : vector<16xi32> to vector<16xi32>
        %swap3A_1282 = vector.shape_cast %add3A_1278 : vector<16xi32> to vector<16xi32>
        tpu.vector_store %arg9[%swap3A_1279], %swap3A_1282 {strides = array<i32>} : memref<128xi32, #tpu.memory_space<vmem>>, vector<16xi32>,
        %add3A_1283 = vector.broadcast %mul3A_1276 : i32 to vector<16xi32>
        %add3A_1284 = arith.addi %get3A_7, %add3A_1283 : vector<16xi32>
        %swap3A_1285 = arith.constant 16 : index
        %swap3A_1286 = tpu.vector_load %arg9[%swap3A_1285] {strides = array<i32>} : memref<128xi32, #tpu.memory_space<vmem>>, vector<16xi32>,
        %swap3A_1287 = vector.shape_cast %swap3A_1286 : vector<16xi32> to vector<16xi32>
        %swap3A_1288 = vector.shape_cast %add3A_1284 : vector<16xi32> to vector<16xi32>
        tpu.vector_store %arg9[%swap3A_1285], %swap3A_1288 {strides = array<i32>} : memref<128xi32, #tpu.memory_space<vmem>>, vector<16xi32>,
        %add3A_1289 = arith.constant 1 : i32
        %add3A_1290 = arith.addi %mul3A_1272, %add3A_1289 : i32
        %mul3A_1291 = arith.constant 1000 : i32
        %mul3A_1292 = arith.muli %add3A_1290, %mul3A_1291 : i32
        %add3A_1293 = vector.broadcast %mul3A_1292 : i32 to vector<16xi32>
        %add3A_1294 = arith.addi %get3A_4, %add3A_1293 : vector<16xi32>
        %swap3A_1295 = arith.constant 32 : index
        %swap3A_1296 = tpu.vector_load %arg9[%swap3A_1295] {strides = array<i32>} : memref<128xi32, #tpu.memory_space<vmem>>, vector<16xi32>,
        %swap3A_1297 = vector.shape_cast %swap3A_1296 : vector<16xi32> to vector<16xi32>
        %swap3A_1298 = vector.shape_cast %add3A_1294 : vector<16xi32> to vector<16xi32>
        tpu.vector_store %arg9[%swap3A_1295], %swap3A_1298 {strides = array<i32>} : memref<128xi32, #tpu.memory_space<vmem>>, vector<16xi32>,
        %add3A_1299 = vector.broadcast %mul3A_1292 : i32 to vector<16xi32>
        %add3A_1300 = arith.addi %get3A_7, %add3A_1299 : vector<16xi32>
        %swap3A_1301 = arith.constant 48 : index
        %swap3A_1302 = tpu.vector_load %arg9[%swap3A_1301] {strides = array<i32>} : memref<128xi32, #tpu.memory_space<vmem>>, vector<16xi32>,
        %swap3A_1303 = vector.shape_cast %swap3A_1302 : vector<16xi32> to vector<16xi32>
        %swap3A_1304 = vector.shape_cast %add3A_1300 : vector<16xi32> to vector<16xi32>
        tpu.vector_store %arg9[%swap3A_1301], %swap3A_1304 {strides = array<i32>} : memref<128xi32, #tpu.memory_space<vmem>>, vector<16xi32>,
        %add3A_1305 = arith.constant 2 : i32
        %add3A_1306 = arith.addi %mul3A_1272, %add3A_1305 : i32
        %mul3A_1307 = arith.constant 1000 : i32
        %mul3A_1308 = arith.muli %add3A_1306, %mul3A_1307 : i32
        %add3A_1309 = vector.broadcast %mul3A_1308 : i32 to vector<16xi32>
        %add3A_1310 = arith.addi %get3A_4, %add3A_1309 : vector<16xi32>
        %swap3A_1311 = arith.constant 64 : index
        %swap3A_1312 = tpu.vector_load %arg9[%swap3A_1311] {strides = array<i32>} : memref<128xi32, #tpu.memory_space<vmem>>, vector<16xi32>,
        %swap3A_1313 = vector.shape_cast %swap3A_1312 : vector<16xi32> to vector<16xi32>
        %swap3A_1314 = vector.shape_cast %add3A_1310 : vector<16xi32> to vector<16xi32>
        tpu.vector_store %arg9[%swap3A_1311], %swap3A_1314 {strides = array<i32>} : memref<128xi32, #tpu.memory_space<vmem>>, vector<16xi32>,
        %add3A_1315 = vector.broadcast %mul3A_1308 : i32 to vector<16xi32>
        %add3A_1316 = arith.addi %get3A_7, %add3A_1315 : vector<16xi32>
        %swap3A_1317 = arith.constant 80 : index
        %swap3A_1318 = tpu.vector_load %arg9[%swap3A_1317] {strides = array<i32>} : memref<128xi32, #tpu.memory_space<vmem>>, vector<16xi32>,
        %swap3A_1319 = vector.shape_cast %swap3A_1318 : vector<16xi32> to vector<16xi32>
        %swap3A_1320 = vector.shape_cast %add3A_1316 : vector<16xi32> to vector<16xi32>
        tpu.vector_store %arg9[%swap3A_1317], %swap3A_1320 {strides = array<i32>} : memref<128xi32, #tpu.memory_space<vmem>>, vector<16xi32>,
        %add3A_1321 = arith.constant 3 : i32
        %add3A_1322 = arith.addi %mul3A_1272, %add3A_1321 : i32
        %mul3A_1323 = arith.constant 1000 : i32
        %mul3A_1324 = arith.muli %add3A_1322, %mul3A_1323 : i32
        %add3A_1325 = vector.broadcast %mul3A_1324 : i32 to vector<16xi32>
        %add3A_1326 = arith.addi %get3A_4, %add3A_1325 : vector<16xi32>
        %swap3A_1327 = arith.constant 96 : index
        %swap3A_1328 = tpu.vector_load %arg9[%swap3A_1327] {strides = array<i32>} : memref<128xi32, #tpu.memory_space<vmem>>, vector<16xi32>,
        %swap3A_1329 = vector.shape_cast %swap3A_1328 : vector<16xi32> to vector<16xi32>
        %swap3A_1330 = vector.shape_cast %add3A_1326 : vector<16xi32> to vector<16xi32>
        tpu.vector_store %arg9[%swap3A_1327], %swap3A_1330 {strides = array<i32>} : memref<128xi32, #tpu.memory_space<vmem>>, vector<16xi32>,
        %add3A_1331 = vector.broadcast %mul3A_1324 : i32 to vector<16xi32>
        %add3A_1332 = arith.addi %get3A_7, %add3A_1331 : vector<16xi32>
        %swap3A_1333 = arith.constant 112 : index
        %swap3A_1334 = tpu.vector_load %arg9[%swap3A_1333] {strides = array<i32>} : memref<128xi32, #tpu.memory_space<vmem>>, vector<16xi32>,
        %swap3A_1335 = vector.shape_cast %swap3A_1334 : vector<16xi32> to vector<16xi32>
        %swap3A_1336 = vector.shape_cast %add3A_1332 : vector<16xi32> to vector<16xi32>
        tpu.vector_store %arg9[%swap3A_1333], %swap3A_1336 {strides = array<i32>} : memref<128xi32, #tpu.memory_space<vmem>>, vector<16xi32>,
        %dma_start3A_1337 = arith.constant 0 : i32
        %dma_start3A_1338 = arith.constant 0 : i32
        %dma_start3A_1339 = tpu.memref_slice %arg2[%dma_start3A_1337, %dma_start3A_1338] : memref<240000x128xf32, #tpu.memory_space<hbm>> -> memref<240000x128xf32, #tpu.memory_space<hbm>>
        tpu.enqueue_indirect_dma source(%dma_start3A_1339 : memref<240000x128xf32, #tpu.memory_space<hbm>>) target(%arg15 : memref<128x128xf32, #tpu.memory_space<vmem>>) offsets(%arg9 : memref<128xi32, #tpu.memory_space<vmem>>) semaphore(%arg21 : memref<!tpu.dma_semaphore, #tpu.memory_space<semaphore_mem>>)
      } else {
      }
      %dma_wait3A_1071 = arith.constant 0 : i32
      %dma_wait3A_1072 = arith.constant 0 : i32
      %dma_wait3A_1073 = tpu.memref_slice %arg2[%dma_wait3A_1071, %dma_wait3A_1072] : memref<240000x128xf32, #tpu.memory_space<hbm>> -> memref<240000x128xf32, #tpu.memory_space<hbm>>
      tpu.wait_indirect_dma semaphore(%arg22 : memref<!tpu.dma_semaphore, #tpu.memory_space<semaphore_mem>>) src(%dma_wait3A_1073 : memref<240000x128xf32, #tpu.memory_space<hbm>>) dst(%arg16 : memref<128x128xf32, #tpu.memory_space<vmem>>)
      %add3A_1074 = arith.addi %add3A_1065, %select_n3A : i32
      %rem3A_1075 = arith.constant 60 : i32
      %rem3A_1076 = arith.remsi %add3A_1074, %rem3A_1075 : i32
      %mul3A_1077 = arith.constant 4 : i32
      %mul3A_1078 = arith.muli %rem3A_1076, %mul3A_1077 : i32
      %add3A_1079 = arith.constant 0 : i32
      %add3A_1080 = arith.addi %mul3A_1078, %add3A_1079 : i32
      %mul3A_1081 = arith.constant 1024 : i32
      %mul3A_1082 = arith.muli %add3A_1080, %mul3A_1081 : i32
      %add3A_1083 = arith.addi %mul3A_1082, %mul3A_2 : i32
      %dma_start3A_1084 = arith.constant 0 : i32
      %dma_start3A_1085 = arith.constant 0 : i32
      %dma_start3A_1086 = tpu.memref_slice %arg16[%dma_start3A_1084, %dma_start3A_1085] : memref<128x128xf32, #tpu.memory_space<vmem>> -> memref<32x128xf32, #tpu.memory_space<vmem>>
      %dma_start3A_1087 = arith.constant 0 : i32
      %dma_start3A_1088 = tpu.memref_slice %arg4[%add3A_1083, %dma_start3A_1087] : memref<245760x128xf32, #tpu.memory_space<hbm>> -> memref<32x128xf32, #tpu.memory_space<hbm>>
      %dma_start3A_1089 = arith.constant 0 : i32
      %dma_start3A_1090 = tpu.memref_slice %arg4[%add3A_1083, %dma_start3A_1089] : memref<245760x128xf32, #tpu.memory_space<hbm>> -> memref<32x128xf32, #tpu.memory_space<hbm>>
      %dma_start3A_1091 = arith.constant 0 : i32
      %dma_start3A_1092 = arith.constant 0 : i32
      %dma_start3A_1093 = tpu.memref_slice %arg16[%dma_start3A_1091, %dma_start3A_1092] : memref<128x128xf32, #tpu.memory_space<vmem>> -> memref<32x128xf32, #tpu.memory_space<vmem>>
      tpu.enqueue_dma source(%dma_start3A_1093 : memref<32x128xf32, #tpu.memory_space<vmem>>) target(%dma_start3A_1090 : memref<32x128xf32, #tpu.memory_space<hbm>>) target_semaphore(%arg28 : memref<!tpu.dma_semaphore, #tpu.memory_space<semaphore_mem>>)
      %add3A_1094 = arith.constant 1 : i32
      %add3A_1095 = arith.addi %mul3A_1078, %add3A_1094 : i32
      %mul3A_1096 = arith.constant 1024 : i32
      %mul3A_1097 = arith.muli %add3A_1095, %mul3A_1096 : i32
      %add3A_1098 = arith.addi %mul3A_1097, %mul3A_2 : i32
      %dma_start3A_1099 = arith.constant 32 : i32
      %dma_start3A_1100 = arith.constant 0 : i32
      %dma_start3A_1101 = tpu.memref_slice %arg16[%dma_start3A_1099, %dma_start3A_1100] : memref<128x128xf32, #tpu.memory_space<vmem>> -> memref<32x128xf32, #tpu.memory_space<vmem>>
      %dma_start3A_1102 = arith.constant 0 : i32
      %dma_start3A_1103 = tpu.memref_slice %arg4[%add3A_1098, %dma_start3A_1102] : memref<245760x128xf32, #tpu.memory_space<hbm>> -> memref<32x128xf32, #tpu.memory_space<hbm>>
      %dma_start3A_1104 = arith.constant 0 : i32
      %dma_start3A_1105 = tpu.memref_slice %arg4[%add3A_1098, %dma_start3A_1104] : memref<245760x128xf32, #tpu.memory_space<hbm>> -> memref<32x128xf32, #tpu.memory_space<hbm>>
      %dma_start3A_1106 = arith.constant 32 : i32
      %dma_start3A_1107 = arith.constant 0 : i32
      %dma_start3A_1108 = tpu.memref_slice %arg16[%dma_start3A_1106, %dma_start3A_1107] : memref<128x128xf32, #tpu.memory_space<vmem>> -> memref<32x128xf32, #tpu.memory_space<vmem>>
      tpu.enqueue_dma source(%dma_start3A_1108 : memref<32x128xf32, #tpu.memory_space<vmem>>) target(%dma_start3A_1105 : memref<32x128xf32, #tpu.memory_space<hbm>>) target_semaphore(%arg28 : memref<!tpu.dma_semaphore, #tpu.memory_space<semaphore_mem>>)
      %add3A_1109 = arith.constant 2 : i32
      %add3A_1110 = arith.addi %mul3A_1078, %add3A_1109 : i32
      %mul3A_1111 = arith.constant 1024 : i32
      %mul3A_1112 = arith.muli %add3A_1110, %mul3A_1111 : i32
      %add3A_1113 = arith.addi %mul3A_1112, %mul3A_2 : i32
      %dma_start3A_1114 = arith.constant 64 : i32
      %dma_start3A_1115 = arith.constant 0 : i32
      %dma_start3A_1116 = tpu.memref_slice %arg16[%dma_start3A_1114, %dma_start3A_1115] : memref<128x128xf32, #tpu.memory_space<vmem>> -> memref<32x128xf32, #tpu.memory_space<vmem>>
      %dma_start3A_1117 = arith.constant 0 : i32
      %dma_start3A_1118 = tpu.memref_slice %arg4[%add3A_1113, %dma_start3A_1117] : memref<245760x128xf32, #tpu.memory_space<hbm>> -> memref<32x128xf32, #tpu.memory_space<hbm>>
      %dma_start3A_1119 = arith.constant 0 : i32
      %dma_start3A_1120 = tpu.memref_slice %arg4[%add3A_1113, %dma_start3A_1119] : memref<245760x128xf32, #tpu.memory_space<hbm>> -> memref<32x128xf32, #tpu.memory_space<hbm>>
      %dma_start3A_1121 = arith.constant 64 : i32
      %dma_start3A_1122 = arith.constant 0 : i32
      %dma_start3A_1123 = tpu.memref_slice %arg16[%dma_start3A_1121, %dma_start3A_1122] : memref<128x128xf32, #tpu.memory_space<vmem>> -> memref<32x128xf32, #tpu.memory_space<vmem>>
      tpu.enqueue_dma source(%dma_start3A_1123 : memref<32x128xf32, #tpu.memory_space<vmem>>) target(%dma_start3A_1120 : memref<32x128xf32, #tpu.memory_space<hbm>>) target_semaphore(%arg28 : memref<!tpu.dma_semaphore, #tpu.memory_space<semaphore_mem>>)
      %add3A_1124 = arith.constant 3 : i32
      %add3A_1125 = arith.addi %mul3A_1078, %add3A_1124 : i32
      %mul3A_1126 = arith.constant 1024 : i32
      %mul3A_1127 = arith.muli %add3A_1125, %mul3A_1126 : i32
      %add3A_1128 = arith.addi %mul3A_1127, %mul3A_2 : i32
      %dma_start3A_1129 = arith.constant 96 : i32
      %dma_start3A_1130 = arith.constant 0 : i32
      %dma_start3A_1131 = tpu.memref_slice %arg16[%dma_start3A_1129, %dma_start3A_1130] : memref<128x128xf32, #tpu.memory_space<vmem>> -> memref<32x128xf32, #tpu.memory_space<vmem>>
      %dma_start3A_1132 = arith.constant 0 : i32
      %dma_start3A_1133 = tpu.memref_slice %arg4[%add3A_1128, %dma_start3A_1132] : memref<245760x128xf32, #tpu.memory_space<hbm>> -> memref<32x128xf32, #tpu.memory_space<hbm>>
      %dma_start3A_1134 = arith.constant 0 : i32
      %dma_start3A_1135 = tpu.memref_slice %arg4[%add3A_1128, %dma_start3A_1134] : memref<245760x128xf32, #tpu.memory_space<hbm>> -> memref<32x128xf32, #tpu.memory_space<hbm>>
      %dma_start3A_1136 = arith.constant 96 : i32
      %dma_start3A_1137 = arith.constant 0 : i32
      %dma_start3A_1138 = tpu.memref_slice %arg16[%dma_start3A_1136, %dma_start3A_1137] : memref<128x128xf32, #tpu.memory_space<vmem>> -> memref<32x128xf32, #tpu.memory_space<vmem>>
      tpu.enqueue_dma source(%dma_start3A_1138 : memref<32x128xf32, #tpu.memory_space<vmem>>) target(%dma_start3A_1135 : memref<32x128xf32, #tpu.memory_space<hbm>>) target_semaphore(%arg28 : memref<!tpu.dma_semaphore, #tpu.memory_space<semaphore_mem>>)
      %mul3A_1139 = arith.constant 6 : i32
      %mul3A_1140 = arith.muli %mul3A_1139, %scan3A_681 : i32
      %add3A_1141 = arith.constant 5 : i32
      %add3A_1142 = arith.addi %mul3A_1140, %add3A_1141 : i32
      %lt3A_1143 = arith.constant 9 : i32
      %lt3A_1144 = arith.cmpi slt, %scan3A_681, %lt3A_1143 : i32
      %convert_element_type3A_1145 = arith.extui %lt3A_1144 : i1 to i32
      %cond3A_1146 = arith.constant 0 : i32
      %cond3A_1147 = arith.cmpi ne, %convert_element_type3A_1145, %cond3A_1146 : i32
      scf.if %cond3A_1147 {
        %dma_wait3A_1216 = arith.constant 0 : i32
        %dma_wait3A_1217 = arith.constant 0 : i32
        %dma_wait3A_1218 = tpu.memref_slice %arg16[%dma_wait3A_1216, %dma_wait3A_1217] : memref<128x128xf32, #tpu.memory_space<vmem>> -> memref<32x128xf32, #tpu.memory_space<vmem>>
        %dma_wait3A_1219 = arith.constant 0 : i32
        %dma_wait3A_1220 = arith.constant 0 : i32
        %dma_wait3A_1221 = tpu.memref_slice %arg4[%dma_wait3A_1219, %dma_wait3A_1220] : memref<245760x128xf32, #tpu.memory_space<hbm>> -> memref<32x128xf32, #tpu.memory_space<hbm>>
        %dma_wait3A_1222 = arith.constant 0 : i32
        %dma_wait3A_1223 = arith.constant 0 : i32
        %dma_wait3A_1224 = tpu.memref_slice %arg4[%dma_wait3A_1222, %dma_wait3A_1223] : memref<245760x128xf32, #tpu.memory_space<hbm>> -> memref<32x128xf32, #tpu.memory_space<hbm>>
        %dma_wait3A_1225 = arith.constant 0 : i32
        %dma_wait3A_1226 = arith.constant 0 : i32
        %dma_wait3A_1227 = tpu.memref_slice %arg16[%dma_wait3A_1225, %dma_wait3A_1226] : memref<128x128xf32, #tpu.memory_space<vmem>> -> memref<32x128xf32, #tpu.memory_space<vmem>>
        tpu.wait_dma2 semaphore(%arg28 : memref<!tpu.dma_semaphore, #tpu.memory_space<semaphore_mem>>) src(%dma_wait3A_1227 : memref<32x128xf32, #tpu.memory_space<vmem>>) dst(%dma_wait3A_1224 : memref<32x128xf32, #tpu.memory_space<hbm>>)
        %dma_wait3A_1228 = arith.constant 0 : i32
        %dma_wait3A_1229 = arith.constant 0 : i32
        %dma_wait3A_1230 = tpu.memref_slice %arg16[%dma_wait3A_1228, %dma_wait3A_1229] : memref<128x128xf32, #tpu.memory_space<vmem>> -> memref<32x128xf32, #tpu.memory_space<vmem>>
        %dma_wait3A_1231 = arith.constant 0 : i32
        %dma_wait3A_1232 = arith.constant 0 : i32
        %dma_wait3A_1233 = tpu.memref_slice %arg4[%dma_wait3A_1231, %dma_wait3A_1232] : memref<245760x128xf32, #tpu.memory_space<hbm>> -> memref<32x128xf32, #tpu.memory_space<hbm>>
        %dma_wait3A_1234 = arith.constant 0 : i32
        %dma_wait3A_1235 = arith.constant 0 : i32
        %dma_wait3A_1236 = tpu.memref_slice %arg4[%dma_wait3A_1234, %dma_wait3A_1235] : memref<245760x128xf32, #tpu.memory_space<hbm>> -> memref<32x128xf32, #tpu.memory_space<hbm>>
        %dma_wait3A_1237 = arith.constant 0 : i32
        %dma_wait3A_1238 = arith.constant 0 : i32
        %dma_wait3A_1239 = tpu.memref_slice %arg16[%dma_wait3A_1237, %dma_wait3A_1238] : memref<128x128xf32, #tpu.memory_space<vmem>> -> memref<32x128xf32, #tpu.memory_space<vmem>>
        tpu.wait_dma2 semaphore(%arg28 : memref<!tpu.dma_semaphore, #tpu.memory_space<semaphore_mem>>) src(%dma_wait3A_1239 : memref<32x128xf32, #tpu.memory_space<vmem>>) dst(%dma_wait3A_1236 : memref<32x128xf32, #tpu.memory_space<hbm>>)
        %dma_wait3A_1240 = arith.constant 0 : i32
        %dma_wait3A_1241 = arith.constant 0 : i32
        %dma_wait3A_1242 = tpu.memref_slice %arg16[%dma_wait3A_1240, %dma_wait3A_1241] : memref<128x128xf32, #tpu.memory_space<vmem>> -> memref<32x128xf32, #tpu.memory_space<vmem>>
        %dma_wait3A_1243 = arith.constant 0 : i32
        %dma_wait3A_1244 = arith.constant 0 : i32
        %dma_wait3A_1245 = tpu.memref_slice %arg4[%dma_wait3A_1243, %dma_wait3A_1244] : memref<245760x128xf32, #tpu.memory_space<hbm>> -> memref<32x128xf32, #tpu.memory_space<hbm>>
        %dma_wait3A_1246 = arith.constant 0 : i32
        %dma_wait3A_1247 = arith.constant 0 : i32
        %dma_wait3A_1248 = tpu.memref_slice %arg4[%dma_wait3A_1246, %dma_wait3A_1247] : memref<245760x128xf32, #tpu.memory_space<hbm>> -> memref<32x128xf32, #tpu.memory_space<hbm>>
        %dma_wait3A_1249 = arith.constant 0 : i32
        %dma_wait3A_1250 = arith.constant 0 : i32
        %dma_wait3A_1251 = tpu.memref_slice %arg16[%dma_wait3A_1249, %dma_wait3A_1250] : memref<128x128xf32, #tpu.memory_space<vmem>> -> memref<32x128xf32, #tpu.memory_space<vmem>>
        tpu.wait_dma2 semaphore(%arg28 : memref<!tpu.dma_semaphore, #tpu.memory_space<semaphore_mem>>) src(%dma_wait3A_1251 : memref<32x128xf32, #tpu.memory_space<vmem>>) dst(%dma_wait3A_1248 : memref<32x128xf32, #tpu.memory_space<hbm>>)
        %dma_wait3A_1252 = arith.constant 0 : i32
        %dma_wait3A_1253 = arith.constant 0 : i32
        %dma_wait3A_1254 = tpu.memref_slice %arg16[%dma_wait3A_1252, %dma_wait3A_1253] : memref<128x128xf32, #tpu.memory_space<vmem>> -> memref<32x128xf32, #tpu.memory_space<vmem>>
        %dma_wait3A_1255 = arith.constant 0 : i32
        %dma_wait3A_1256 = arith.constant 0 : i32
        %dma_wait3A_1257 = tpu.memref_slice %arg4[%dma_wait3A_1255, %dma_wait3A_1256] : memref<245760x128xf32, #tpu.memory_space<hbm>> -> memref<32x128xf32, #tpu.memory_space<hbm>>
        %dma_wait3A_1258 = arith.constant 0 : i32
        %dma_wait3A_1259 = arith.constant 0 : i32
        %dma_wait3A_1260 = tpu.memref_slice %arg4[%dma_wait3A_1258, %dma_wait3A_1259] : memref<245760x128xf32, #tpu.memory_space<hbm>> -> memref<32x128xf32, #tpu.memory_space<hbm>>
        %dma_wait3A_1261 = arith.constant 0 : i32
        %dma_wait3A_1262 = arith.constant 0 : i32
        %dma_wait3A_1263 = tpu.memref_slice %arg16[%dma_wait3A_1261, %dma_wait3A_1262] : memref<128x128xf32, #tpu.memory_space<vmem>> -> memref<32x128xf32, #tpu.memory_space<vmem>>
        tpu.wait_dma2 semaphore(%arg28 : memref<!tpu.dma_semaphore, #tpu.memory_space<semaphore_mem>>) src(%dma_wait3A_1263 : memref<32x128xf32, #tpu.memory_space<vmem>>) dst(%dma_wait3A_1260 : memref<32x128xf32, #tpu.memory_space<hbm>>)
        %add3A_1264 = arith.constant 6 : i32
        %add3A_1265 = arith.addi %add3A_1142, %add3A_1264 : i32
        %sub3A_1266 = arith.constant 1 : i32
        %sub3A_1267 = arith.subi %add3A_1265, %sub3A_1266 : i32
        %add3A_1268 = arith.addi %sub3A_1267, %select_n3A : i32
        %rem3A_1269 = arith.constant 60 : i32
        %rem3A_1270 = arith.remsi %add3A_1268, %rem3A_1269 : i32
        %mul3A_1271 = arith.constant 4 : i32
        %mul3A_1272 = arith.muli %rem3A_1270, %mul3A_1271 : i32
        %add3A_1273 = arith.constant 0 : i32
        %add3A_1274 = arith.addi %mul3A_1272, %add3A_1273 : i32
        %mul3A_1275 = arith.constant 1000 : i32
        %mul3A_1276 = arith.muli %add3A_1274, %mul3A_1275 : i32
        %add3A_1277 = vector.broadcast %mul3A_1276 : i32 to vector<16xi32>
        %add3A_1278 = arith.addi %get3A_4, %add3A_1277 : vector<16xi32>
        %swap3A_1279 = arith.constant 0 : index
        %swap3A_1280 = tpu.vector_load %arg10[%swap3A_1279] {strides = array<i32>} : memref<128xi32, #tpu.memory_space<vmem>>, vector<16xi32>,
        %swap3A_1281 = vector.shape_cast %swap3A_1280 : vector<16xi32> to vector<16xi32>
        %swap3A_1282 = vector.shape_cast %add3A_1278 : vector<16xi32> to vector<16xi32>
        tpu.vector_store %arg10[%swap3A_1279], %swap3A_1282 {strides = array<i32>} : memref<128xi32, #tpu.memory_space<vmem>>, vector<16xi32>,
        %add3A_1283 = vector.broadcast %mul3A_1276 : i32 to vector<16xi32>
        %add3A_1284 = arith.addi %get3A_7, %add3A_1283 : vector<16xi32>
        %swap3A_1285 = arith.constant 16 : index
        %swap3A_1286 = tpu.vector_load %arg10[%swap3A_1285] {strides = array<i32>} : memref<128xi32, #tpu.memory_space<vmem>>, vector<16xi32>,
        %swap3A_1287 = vector.shape_cast %swap3A_1286 : vector<16xi32> to vector<16xi32>
        %swap3A_1288 = vector.shape_cast %add3A_1284 : vector<16xi32> to vector<16xi32>
        tpu.vector_store %arg10[%swap3A_1285], %swap3A_1288 {strides = array<i32>} : memref<128xi32, #tpu.memory_space<vmem>>, vector<16xi32>,
        %add3A_1289 = arith.constant 1 : i32
        %add3A_1290 = arith.addi %mul3A_1272, %add3A_1289 : i32
        %mul3A_1291 = arith.constant 1000 : i32
        %mul3A_1292 = arith.muli %add3A_1290, %mul3A_1291 : i32
        %add3A_1293 = vector.broadcast %mul3A_1292 : i32 to vector<16xi32>
        %add3A_1294 = arith.addi %get3A_4, %add3A_1293 : vector<16xi32>
        %swap3A_1295 = arith.constant 32 : index
        %swap3A_1296 = tpu.vector_load %arg10[%swap3A_1295] {strides = array<i32>} : memref<128xi32, #tpu.memory_space<vmem>>, vector<16xi32>,
        %swap3A_1297 = vector.shape_cast %swap3A_1296 : vector<16xi32> to vector<16xi32>
        %swap3A_1298 = vector.shape_cast %add3A_1294 : vector<16xi32> to vector<16xi32>
        tpu.vector_store %arg10[%swap3A_1295], %swap3A_1298 {strides = array<i32>} : memref<128xi32, #tpu.memory_space<vmem>>, vector<16xi32>,
        %add3A_1299 = vector.broadcast %mul3A_1292 : i32 to vector<16xi32>
        %add3A_1300 = arith.addi %get3A_7, %add3A_1299 : vector<16xi32>
        %swap3A_1301 = arith.constant 48 : index
        %swap3A_1302 = tpu.vector_load %arg10[%swap3A_1301] {strides = array<i32>} : memref<128xi32, #tpu.memory_space<vmem>>, vector<16xi32>,
        %swap3A_1303 = vector.shape_cast %swap3A_1302 : vector<16xi32> to vector<16xi32>
        %swap3A_1304 = vector.shape_cast %add3A_1300 : vector<16xi32> to vector<16xi32>
        tpu.vector_store %arg10[%swap3A_1301], %swap3A_1304 {strides = array<i32>} : memref<128xi32, #tpu.memory_space<vmem>>, vector<16xi32>,
        %add3A_1305 = arith.constant 2 : i32
        %add3A_1306 = arith.addi %mul3A_1272, %add3A_1305 : i32
        %mul3A_1307 = arith.constant 1000 : i32
        %mul3A_1308 = arith.muli %add3A_1306, %mul3A_1307 : i32
        %add3A_1309 = vector.broadcast %mul3A_1308 : i32 to vector<16xi32>
        %add3A_1310 = arith.addi %get3A_4, %add3A_1309 : vector<16xi32>
        %swap3A_1311 = arith.constant 64 : index
        %swap3A_1312 = tpu.vector_load %arg10[%swap3A_1311] {strides = array<i32>} : memref<128xi32, #tpu.memory_space<vmem>>, vector<16xi32>,
        %swap3A_1313 = vector.shape_cast %swap3A_1312 : vector<16xi32> to vector<16xi32>
        %swap3A_1314 = vector.shape_cast %add3A_1310 : vector<16xi32> to vector<16xi32>
        tpu.vector_store %arg10[%swap3A_1311], %swap3A_1314 {strides = array<i32>} : memref<128xi32, #tpu.memory_space<vmem>>, vector<16xi32>,
        %add3A_1315 = vector.broadcast %mul3A_1308 : i32 to vector<16xi32>
        %add3A_1316 = arith.addi %get3A_7, %add3A_1315 : vector<16xi32>
        %swap3A_1317 = arith.constant 80 : index
        %swap3A_1318 = tpu.vector_load %arg10[%swap3A_1317] {strides = array<i32>} : memref<128xi32, #tpu.memory_space<vmem>>, vector<16xi32>,
        %swap3A_1319 = vector.shape_cast %swap3A_1318 : vector<16xi32> to vector<16xi32>
        %swap3A_1320 = vector.shape_cast %add3A_1316 : vector<16xi32> to vector<16xi32>
        tpu.vector_store %arg10[%swap3A_1317], %swap3A_1320 {strides = array<i32>} : memref<128xi32, #tpu.memory_space<vmem>>, vector<16xi32>,
        %add3A_1321 = arith.constant 3 : i32
        %add3A_1322 = arith.addi %mul3A_1272, %add3A_1321 : i32
        %mul3A_1323 = arith.constant 1000 : i32
        %mul3A_1324 = arith.muli %add3A_1322, %mul3A_1323 : i32
        %add3A_1325 = vector.broadcast %mul3A_1324 : i32 to vector<16xi32>
        %add3A_1326 = arith.addi %get3A_4, %add3A_1325 : vector<16xi32>
        %swap3A_1327 = arith.constant 96 : index
        %swap3A_1328 = tpu.vector_load %arg10[%swap3A_1327] {strides = array<i32>} : memref<128xi32, #tpu.memory_space<vmem>>, vector<16xi32>,
        %swap3A_1329 = vector.shape_cast %swap3A_1328 : vector<16xi32> to vector<16xi32>
        %swap3A_1330 = vector.shape_cast %add3A_1326 : vector<16xi32> to vector<16xi32>
        tpu.vector_store %arg10[%swap3A_1327], %swap3A_1330 {strides = array<i32>} : memref<128xi32, #tpu.memory_space<vmem>>, vector<16xi32>,
        %add3A_1331 = vector.broadcast %mul3A_1324 : i32 to vector<16xi32>
        %add3A_1332 = arith.addi %get3A_7, %add3A_1331 : vector<16xi32>
        %swap3A_1333 = arith.constant 112 : index
        %swap3A_1334 = tpu.vector_load %arg10[%swap3A_1333] {strides = array<i32>} : memref<128xi32, #tpu.memory_space<vmem>>, vector<16xi32>,
        %swap3A_1335 = vector.shape_cast %swap3A_1334 : vector<16xi32> to vector<16xi32>
        %swap3A_1336 = vector.shape_cast %add3A_1332 : vector<16xi32> to vector<16xi32>
        tpu.vector_store %arg10[%swap3A_1333], %swap3A_1336 {strides = array<i32>} : memref<128xi32, #tpu.memory_space<vmem>>, vector<16xi32>,
        %dma_start3A_1337 = arith.constant 0 : i32
        %dma_start3A_1338 = arith.constant 0 : i32
        %dma_start3A_1339 = tpu.memref_slice %arg2[%dma_start3A_1337, %dma_start3A_1338] : memref<240000x128xf32, #tpu.memory_space<hbm>> -> memref<240000x128xf32, #tpu.memory_space<hbm>>
        tpu.enqueue_indirect_dma source(%dma_start3A_1339 : memref<240000x128xf32, #tpu.memory_space<hbm>>) target(%arg16 : memref<128x128xf32, #tpu.memory_space<vmem>>) offsets(%arg10 : memref<128xi32, #tpu.memory_space<vmem>>) semaphore(%arg22 : memref<!tpu.dma_semaphore, #tpu.memory_space<semaphore_mem>>)
      } else {
      }
      %dma_wait3A_1148 = arith.constant 0 : i32
      %dma_wait3A_1149 = arith.constant 0 : i32
      %dma_wait3A_1150 = tpu.memref_slice %arg2[%dma_wait3A_1148, %dma_wait3A_1149] : memref<240000x128xf32, #tpu.memory_space<hbm>> -> memref<240000x128xf32, #tpu.memory_space<hbm>>
      tpu.wait_indirect_dma semaphore(%arg23 : memref<!tpu.dma_semaphore, #tpu.memory_space<semaphore_mem>>) src(%dma_wait3A_1150 : memref<240000x128xf32, #tpu.memory_space<hbm>>) dst(%arg17 : memref<128x128xf32, #tpu.memory_space<vmem>>)
      %add3A_1151 = arith.addi %add3A_1142, %select_n3A : i32
      %rem3A_1152 = arith.constant 60 : i32
      %rem3A_1153 = arith.remsi %add3A_1151, %rem3A_1152 : i32
      %mul3A_1154 = arith.constant 4 : i32
      %mul3A_1155 = arith.muli %rem3A_1153, %mul3A_1154 : i32
      %add3A_1156 = arith.constant 0 : i32
      %add3A_1157 = arith.addi %mul3A_1155, %add3A_1156 : i32
      %mul3A_1158 = arith.constant 1024 : i32
      %mul3A_1159 = arith.muli %add3A_1157, %mul3A_1158 : i32
      %add3A_1160 = arith.addi %mul3A_1159, %mul3A_2 : i32
      %dma_start3A_1161 = arith.constant 0 : i32
      %dma_start3A_1162 = arith.constant 0 : i32
      %dma_start3A_1163 = tpu.memref_slice %arg17[%dma_start3A_1161, %dma_start3A_1162] : memref<128x128xf32, #tpu.memory_space<vmem>> -> memref<32x128xf32, #tpu.memory_space<vmem>>
      %dma_start3A_1164 = arith.constant 0 : i32
      %dma_start3A_1165 = tpu.memref_slice %arg4[%add3A_1160, %dma_start3A_1164] : memref<245760x128xf32, #tpu.memory_space<hbm>> -> memref<32x128xf32, #tpu.memory_space<hbm>>
      %dma_start3A_1166 = arith.constant 0 : i32
      %dma_start3A_1167 = tpu.memref_slice %arg4[%add3A_1160, %dma_start3A_1166] : memref<245760x128xf32, #tpu.memory_space<hbm>> -> memref<32x128xf32, #tpu.memory_space<hbm>>
      %dma_start3A_1168 = arith.constant 0 : i32
      %dma_start3A_1169 = arith.constant 0 : i32
      %dma_start3A_1170 = tpu.memref_slice %arg17[%dma_start3A_1168, %dma_start3A_1169] : memref<128x128xf32, #tpu.memory_space<vmem>> -> memref<32x128xf32, #tpu.memory_space<vmem>>
      tpu.enqueue_dma source(%dma_start3A_1170 : memref<32x128xf32, #tpu.memory_space<vmem>>) target(%dma_start3A_1167 : memref<32x128xf32, #tpu.memory_space<hbm>>) target_semaphore(%arg29 : memref<!tpu.dma_semaphore, #tpu.memory_space<semaphore_mem>>)
      %add3A_1171 = arith.constant 1 : i32
      %add3A_1172 = arith.addi %mul3A_1155, %add3A_1171 : i32
      %mul3A_1173 = arith.constant 1024 : i32
      %mul3A_1174 = arith.muli %add3A_1172, %mul3A_1173 : i32
      %add3A_1175 = arith.addi %mul3A_1174, %mul3A_2 : i32
      %dma_start3A_1176 = arith.constant 32 : i32
      %dma_start3A_1177 = arith.constant 0 : i32
      %dma_start3A_1178 = tpu.memref_slice %arg17[%dma_start3A_1176, %dma_start3A_1177] : memref<128x128xf32, #tpu.memory_space<vmem>> -> memref<32x128xf32, #tpu.memory_space<vmem>>
      %dma_start3A_1179 = arith.constant 0 : i32
      %dma_start3A_1180 = tpu.memref_slice %arg4[%add3A_1175, %dma_start3A_1179] : memref<245760x128xf32, #tpu.memory_space<hbm>> -> memref<32x128xf32, #tpu.memory_space<hbm>>
      %dma_start3A_1181 = arith.constant 0 : i32
      %dma_start3A_1182 = tpu.memref_slice %arg4[%add3A_1175, %dma_start3A_1181] : memref<245760x128xf32, #tpu.memory_space<hbm>> -> memref<32x128xf32, #tpu.memory_space<hbm>>
      %dma_start3A_1183 = arith.constant 32 : i32
      %dma_start3A_1184 = arith.constant 0 : i32
      %dma_start3A_1185 = tpu.memref_slice %arg17[%dma_start3A_1183, %dma_start3A_1184] : memref<128x128xf32, #tpu.memory_space<vmem>> -> memref<32x128xf32, #tpu.memory_space<vmem>>
      tpu.enqueue_dma source(%dma_start3A_1185 : memref<32x128xf32, #tpu.memory_space<vmem>>) target(%dma_start3A_1182 : memref<32x128xf32, #tpu.memory_space<hbm>>) target_semaphore(%arg29 : memref<!tpu.dma_semaphore, #tpu.memory_space<semaphore_mem>>)
      %add3A_1186 = arith.constant 2 : i32
      %add3A_1187 = arith.addi %mul3A_1155, %add3A_1186 : i32
      %mul3A_1188 = arith.constant 1024 : i32
      %mul3A_1189 = arith.muli %add3A_1187, %mul3A_1188 : i32
      %add3A_1190 = arith.addi %mul3A_1189, %mul3A_2 : i32
      %dma_start3A_1191 = arith.constant 64 : i32
      %dma_start3A_1192 = arith.constant 0 : i32
      %dma_start3A_1193 = tpu.memref_slice %arg17[%dma_start3A_1191, %dma_start3A_1192] : memref<128x128xf32, #tpu.memory_space<vmem>> -> memref<32x128xf32, #tpu.memory_space<vmem>>
      %dma_start3A_1194 = arith.constant 0 : i32
      %dma_start3A_1195 = tpu.memref_slice %arg4[%add3A_1190, %dma_start3A_1194] : memref<245760x128xf32, #tpu.memory_space<hbm>> -> memref<32x128xf32, #tpu.memory_space<hbm>>
      %dma_start3A_1196 = arith.constant 0 : i32
      %dma_start3A_1197 = tpu.memref_slice %arg4[%add3A_1190, %dma_start3A_1196] : memref<245760x128xf32, #tpu.memory_space<hbm>> -> memref<32x128xf32, #tpu.memory_space<hbm>>
      %dma_start3A_1198 = arith.constant 64 : i32
      %dma_start3A_1199 = arith.constant 0 : i32
      %dma_start3A_1200 = tpu.memref_slice %arg17[%dma_start3A_1198, %dma_start3A_1199] : memref<128x128xf32, #tpu.memory_space<vmem>> -> memref<32x128xf32, #tpu.memory_space<vmem>>
      tpu.enqueue_dma source(%dma_start3A_1200 : memref<32x128xf32, #tpu.memory_space<vmem>>) target(%dma_start3A_1197 : memref<32x128xf32, #tpu.memory_space<hbm>>) target_semaphore(%arg29 : memref<!tpu.dma_semaphore, #tpu.memory_space<semaphore_mem>>)
      %add3A_1201 = arith.constant 3 : i32
      %add3A_1202 = arith.addi %mul3A_1155, %add3A_1201 : i32
      %mul3A_1203 = arith.constant 1024 : i32
      %mul3A_1204 = arith.muli %add3A_1202, %mul3A_1203 : i32
      %add3A_1205 = arith.addi %mul3A_1204, %mul3A_2 : i32
      %dma_start3A_1206 = arith.constant 96 : i32
      %dma_start3A_1207 = arith.constant 0 : i32
      %dma_start3A_1208 = tpu.memref_slice %arg17[%dma_start3A_1206, %dma_start3A_1207] : memref<128x128xf32, #tpu.memory_space<vmem>> -> memref<32x128xf32, #tpu.memory_space<vmem>>
      %dma_start3A_1209 = arith.constant 0 : i32
      %dma_start3A_1210 = tpu.memref_slice %arg4[%add3A_1205, %dma_start3A_1209] : memref<245760x128xf32, #tpu.memory_space<hbm>> -> memref<32x128xf32, #tpu.memory_space<hbm>>
      %dma_start3A_1211 = arith.constant 0 : i32
      %dma_start3A_1212 = tpu.memref_slice %arg4[%add3A_1205, %dma_start3A_1211] : memref<245760x128xf32, #tpu.memory_space<hbm>> -> memref<32x128xf32, #tpu.memory_space<hbm>>
      %dma_start3A_1213 = arith.constant 96 : i32
      %dma_start3A_1214 = arith.constant 0 : i32
      %dma_start3A_1215 = tpu.memref_slice %arg17[%dma_start3A_1213, %dma_start3A_1214] : memref<128x128xf32, #tpu.memory_space<vmem>> -> memref<32x128xf32, #tpu.memory_space<vmem>>
      tpu.enqueue_dma source(%dma_start3A_1215 : memref<32x128xf32, #tpu.memory_space<vmem>>) target(%dma_start3A_1212 : memref<32x128xf32, #tpu.memory_space<hbm>>) target_semaphore(%arg29 : memref<!tpu.dma_semaphore, #tpu.memory_space<semaphore_mem>>)
    }
    %scan3A_393 = arith.constant 10 : i32
    %dma_wait3A = arith.constant 0 : i32
    %dma_wait3A_394 = arith.constant 0 : i32
    %dma_wait3A_395 = tpu.memref_slice %arg12[%dma_wait3A, %dma_wait3A_394] : memref<128x128xf32, #tpu.memory_space<vmem>> -> memref<32x128xf32, #tpu.memory_space<vmem>>
    %dma_wait3A_396 = arith.constant 0 : i32
    %dma_wait3A_397 = arith.constant 0 : i32
    %dma_wait3A_398 = tpu.memref_slice %arg4[%dma_wait3A_396, %dma_wait3A_397] : memref<245760x128xf32, #tpu.memory_space<hbm>> -> memref<32x128xf32, #tpu.memory_space<hbm>>
    %dma_wait3A_399 = arith.constant 0 : i32
    %dma_wait3A_400 = arith.constant 0 : i32
    %dma_wait3A_401 = tpu.memref_slice %arg4[%dma_wait3A_399, %dma_wait3A_400] : memref<245760x128xf32, #tpu.memory_space<hbm>> -> memref<32x128xf32, #tpu.memory_space<hbm>>
    %dma_wait3A_402 = arith.constant 0 : i32
    %dma_wait3A_403 = arith.constant 0 : i32
    %dma_wait3A_404 = tpu.memref_slice %arg12[%dma_wait3A_402, %dma_wait3A_403] : memref<128x128xf32, #tpu.memory_space<vmem>> -> memref<32x128xf32, #tpu.memory_space<vmem>>
    tpu.wait_dma2 semaphore(%arg24 : memref<!tpu.dma_semaphore, #tpu.memory_space<semaphore_mem>>) src(%dma_wait3A_404 : memref<32x128xf32, #tpu.memory_space<vmem>>) dst(%dma_wait3A_401 : memref<32x128xf32, #tpu.memory_space<hbm>>)
    %dma_wait3A_405 = arith.constant 0 : i32
    %dma_wait3A_406 = arith.constant 0 : i32
    %dma_wait3A_407 = tpu.memref_slice %arg12[%dma_wait3A_405, %dma_wait3A_406] : memref<128x128xf32, #tpu.memory_space<vmem>> -> memref<32x128xf32, #tpu.memory_space<vmem>>
    %dma_wait3A_408 = arith.constant 0 : i32
    %dma_wait3A_409 = arith.constant 0 : i32
    %dma_wait3A_410 = tpu.memref_slice %arg4[%dma_wait3A_408, %dma_wait3A_409] : memref<245760x128xf32, #tpu.memory_space<hbm>> -> memref<32x128xf32, #tpu.memory_space<hbm>>
    %dma_wait3A_411 = arith.constant 0 : i32
    %dma_wait3A_412 = arith.constant 0 : i32
    %dma_wait3A_413 = tpu.memref_slice %arg4[%dma_wait3A_411, %dma_wait3A_412] : memref<245760x128xf32, #tpu.memory_space<hbm>> -> memref<32x128xf32, #tpu.memory_space<hbm>>
    %dma_wait3A_414 = arith.constant 0 : i32
    %dma_wait3A_415 = arith.constant 0 : i32
    %dma_wait3A_416 = tpu.memref_slice %arg12[%dma_wait3A_414, %dma_wait3A_415] : memref<128x128xf32, #tpu.memory_space<vmem>> -> memref<32x128xf32, #tpu.memory_space<vmem>>
    tpu.wait_dma2 semaphore(%arg24 : memref<!tpu.dma_semaphore, #tpu.memory_space<semaphore_mem>>) src(%dma_wait3A_416 : memref<32x128xf32, #tpu.memory_space<vmem>>) dst(%dma_wait3A_413 : memref<32x128xf32, #tpu.memory_space<hbm>>)
    %dma_wait3A_417 = arith.constant 0 : i32
    %dma_wait3A_418 = arith.constant 0 : i32
    %dma_wait3A_419 = tpu.memref_slice %arg12[%dma_wait3A_417, %dma_wait3A_418] : memref<128x128xf32, #tpu.memory_space<vmem>> -> memref<32x128xf32, #tpu.memory_space<vmem>>
    %dma_wait3A_420 = arith.constant 0 : i32
    %dma_wait3A_421 = arith.constant 0 : i32
    %dma_wait3A_422 = tpu.memref_slice %arg4[%dma_wait3A_420, %dma_wait3A_421] : memref<245760x128xf32, #tpu.memory_space<hbm>> -> memref<32x128xf32, #tpu.memory_space<hbm>>
    %dma_wait3A_423 = arith.constant 0 : i32
    %dma_wait3A_424 = arith.constant 0 : i32
    %dma_wait3A_425 = tpu.memref_slice %arg4[%dma_wait3A_423, %dma_wait3A_424] : memref<245760x128xf32, #tpu.memory_space<hbm>> -> memref<32x128xf32, #tpu.memory_space<hbm>>
    %dma_wait3A_426 = arith.constant 0 : i32
    %dma_wait3A_427 = arith.constant 0 : i32
    %dma_wait3A_428 = tpu.memref_slice %arg12[%dma_wait3A_426, %dma_wait3A_427] : memref<128x128xf32, #tpu.memory_space<vmem>> -> memref<32x128xf32, #tpu.memory_space<vmem>>
    tpu.wait_dma2 semaphore(%arg24 : memref<!tpu.dma_semaphore, #tpu.memory_space<semaphore_mem>>) src(%dma_wait3A_428 : memref<32x128xf32, #tpu.memory_space<vmem>>) dst(%dma_wait3A_425 : memref<32x128xf32, #tpu.memory_space<hbm>>)
    %dma_wait3A_429 = arith.constant 0 : i32
    %dma_wait3A_430 = arith.constant 0 : i32
    %dma_wait3A_431 = tpu.memref_slice %arg12[%dma_wait3A_429, %dma_wait3A_430] : memref<128x128xf32, #tpu.memory_space<vmem>> -> memref<32x128xf32, #tpu.memory_space<vmem>>
    %dma_wait3A_432 = arith.constant 0 : i32
    %dma_wait3A_433 = arith.constant 0 : i32
    %dma_wait3A_434 = tpu.memref_slice %arg4[%dma_wait3A_432, %dma_wait3A_433] : memref<245760x128xf32, #tpu.memory_space<hbm>> -> memref<32x128xf32, #tpu.memory_space<hbm>>
    %dma_wait3A_435 = arith.constant 0 : i32
    %dma_wait3A_436 = arith.constant 0 : i32
    %dma_wait3A_437 = tpu.memref_slice %arg4[%dma_wait3A_435, %dma_wait3A_436] : memref<245760x128xf32, #tpu.memory_space<hbm>> -> memref<32x128xf32, #tpu.memory_space<hbm>>
    %dma_wait3A_438 = arith.constant 0 : i32
    %dma_wait3A_439 = arith.constant 0 : i32
    %dma_wait3A_440 = tpu.memref_slice %arg12[%dma_wait3A_438, %dma_wait3A_439] : memref<128x128xf32, #tpu.memory_space<vmem>> -> memref<32x128xf32, #tpu.memory_space<vmem>>
    tpu.wait_dma2 semaphore(%arg24 : memref<!tpu.dma_semaphore, #tpu.memory_space<semaphore_mem>>) src(%dma_wait3A_440 : memref<32x128xf32, #tpu.memory_space<vmem>>) dst(%dma_wait3A_437 : memref<32x128xf32, #tpu.memory_space<hbm>>)
    %dma_wait3A_441 = arith.constant 0 : i32
    %dma_wait3A_442 = arith.constant 0 : i32
    %dma_wait3A_443 = tpu.memref_slice %arg13[%dma_wait3A_441, %dma_wait3A_442] : memref<128x128xf32, #tpu.memory_space<vmem>> -> memref<32x128xf32, #tpu.memory_space<vmem>>
    %dma_wait3A_444 = arith.constant 0 : i32
    %dma_wait3A_445 = arith.constant 0 : i32
    %dma_wait3A_446 = tpu.memref_slice %arg4[%dma_wait3A_444, %dma_wait3A_445] : memref<245760x128xf32, #tpu.memory_space<hbm>> -> memref<32x128xf32, #tpu.memory_space<hbm>>
    %dma_wait3A_447 = arith.constant 0 : i32
    %dma_wait3A_448 = arith.constant 0 : i32
    %dma_wait3A_449 = tpu.memref_slice %arg4[%dma_wait3A_447, %dma_wait3A_448] : memref<245760x128xf32, #tpu.memory_space<hbm>> -> memref<32x128xf32, #tpu.memory_space<hbm>>
    %dma_wait3A_450 = arith.constant 0 : i32
    %dma_wait3A_451 = arith.constant 0 : i32
    %dma_wait3A_452 = tpu.memref_slice %arg13[%dma_wait3A_450, %dma_wait3A_451] : memref<128x128xf32, #tpu.memory_space<vmem>> -> memref<32x128xf32, #tpu.memory_space<vmem>>
    tpu.wait_dma2 semaphore(%arg25 : memref<!tpu.dma_semaphore, #tpu.memory_space<semaphore_mem>>) src(%dma_wait3A_452 : memref<32x128xf32, #tpu.memory_space<vmem>>) dst(%dma_wait3A_449 : memref<32x128xf32, #tpu.memory_space<hbm>>)
    %dma_wait3A_453 = arith.constant 0 : i32
    %dma_wait3A_454 = arith.constant 0 : i32
    %dma_wait3A_455 = tpu.memref_slice %arg13[%dma_wait3A_453, %dma_wait3A_454] : memref<128x128xf32, #tpu.memory_space<vmem>> -> memref<32x128xf32, #tpu.memory_space<vmem>>
    %dma_wait3A_456 = arith.constant 0 : i32
    %dma_wait3A_457 = arith.constant 0 : i32
    %dma_wait3A_458 = tpu.memref_slice %arg4[%dma_wait3A_456, %dma_wait3A_457] : memref<245760x128xf32, #tpu.memory_space<hbm>> -> memref<32x128xf32, #tpu.memory_space<hbm>>
    %dma_wait3A_459 = arith.constant 0 : i32
    %dma_wait3A_460 = arith.constant 0 : i32
    %dma_wait3A_461 = tpu.memref_slice %arg4[%dma_wait3A_459, %dma_wait3A_460] : memref<245760x128xf32, #tpu.memory_space<hbm>> -> memref<32x128xf32, #tpu.memory_space<hbm>>
    %dma_wait3A_462 = arith.constant 0 : i32
    %dma_wait3A_463 = arith.constant 0 : i32
    %dma_wait3A_464 = tpu.memref_slice %arg13[%dma_wait3A_462, %dma_wait3A_463] : memref<128x128xf32, #tpu.memory_space<vmem>> -> memref<32x128xf32, #tpu.memory_space<vmem>>
    tpu.wait_dma2 semaphore(%arg25 : memref<!tpu.dma_semaphore, #tpu.memory_space<semaphore_mem>>) src(%dma_wait3A_464 : memref<32x128xf32, #tpu.memory_space<vmem>>) dst(%dma_wait3A_461 : memref<32x128xf32, #tpu.memory_space<hbm>>)
    %dma_wait3A_465 = arith.constant 0 : i32
    %dma_wait3A_466 = arith.constant 0 : i32
    %dma_wait3A_467 = tpu.memref_slice %arg13[%dma_wait3A_465, %dma_wait3A_466] : memref<128x128xf32, #tpu.memory_space<vmem>> -> memref<32x128xf32, #tpu.memory_space<vmem>>
    %dma_wait3A_468 = arith.constant 0 : i32
    %dma_wait3A_469 = arith.constant 0 : i32
    %dma_wait3A_470 = tpu.memref_slice %arg4[%dma_wait3A_468, %dma_wait3A_469] : memref<245760x128xf32, #tpu.memory_space<hbm>> -> memref<32x128xf32, #tpu.memory_space<hbm>>
    %dma_wait3A_471 = arith.constant 0 : i32
    %dma_wait3A_472 = arith.constant 0 : i32
    %dma_wait3A_473 = tpu.memref_slice %arg4[%dma_wait3A_471, %dma_wait3A_472] : memref<245760x128xf32, #tpu.memory_space<hbm>> -> memref<32x128xf32, #tpu.memory_space<hbm>>
    %dma_wait3A_474 = arith.constant 0 : i32
    %dma_wait3A_475 = arith.constant 0 : i32
    %dma_wait3A_476 = tpu.memref_slice %arg13[%dma_wait3A_474, %dma_wait3A_475] : memref<128x128xf32, #tpu.memory_space<vmem>> -> memref<32x128xf32, #tpu.memory_space<vmem>>
    tpu.wait_dma2 semaphore(%arg25 : memref<!tpu.dma_semaphore, #tpu.memory_space<semaphore_mem>>) src(%dma_wait3A_476 : memref<32x128xf32, #tpu.memory_space<vmem>>) dst(%dma_wait3A_473 : memref<32x128xf32, #tpu.memory_space<hbm>>)
    %dma_wait3A_477 = arith.constant 0 : i32
    %dma_wait3A_478 = arith.constant 0 : i32
    %dma_wait3A_479 = tpu.memref_slice %arg13[%dma_wait3A_477, %dma_wait3A_478] : memref<128x128xf32, #tpu.memory_space<vmem>> -> memref<32x128xf32, #tpu.memory_space<vmem>>
    %dma_wait3A_480 = arith.constant 0 : i32
    %dma_wait3A_481 = arith.constant 0 : i32
    %dma_wait3A_482 = tpu.memref_slice %arg4[%dma_wait3A_480, %dma_wait3A_481] : memref<245760x128xf32, #tpu.memory_space<hbm>> -> memref<32x128xf32, #tpu.memory_space<hbm>>
    %dma_wait3A_483 = arith.constant 0 : i32
    %dma_wait3A_484 = arith.constant 0 : i32
    %dma_wait3A_485 = tpu.memref_slice %arg4[%dma_wait3A_483, %dma_wait3A_484] : memref<245760x128xf32, #tpu.memory_space<hbm>> -> memref<32x128xf32, #tpu.memory_space<hbm>>
    %dma_wait3A_486 = arith.constant 0 : i32
    %dma_wait3A_487 = arith.constant 0 : i32
    %dma_wait3A_488 = tpu.memref_slice %arg13[%dma_wait3A_486, %dma_wait3A_487] : memref<128x128xf32, #tpu.memory_space<vmem>> -> memref<32x128xf32, #tpu.memory_space<vmem>>
    tpu.wait_dma2 semaphore(%arg25 : memref<!tpu.dma_semaphore, #tpu.memory_space<semaphore_mem>>) src(%dma_wait3A_488 : memref<32x128xf32, #tpu.memory_space<vmem>>) dst(%dma_wait3A_485 : memref<32x128xf32, #tpu.memory_space<hbm>>)
    %dma_wait3A_489 = arith.constant 0 : i32
    %dma_wait3A_490 = arith.constant 0 : i32
    %dma_wait3A_491 = tpu.memref_slice %arg14[%dma_wait3A_489, %dma_wait3A_490] : memref<128x128xf32, #tpu.memory_space<vmem>> -> memref<32x128xf32, #tpu.memory_space<vmem>>
    %dma_wait3A_492 = arith.constant 0 : i32
    %dma_wait3A_493 = arith.constant 0 : i32
    %dma_wait3A_494 = tpu.memref_slice %arg4[%dma_wait3A_492, %dma_wait3A_493] : memref<245760x128xf32, #tpu.memory_space<hbm>> -> memref<32x128xf32, #tpu.memory_space<hbm>>
    %dma_wait3A_495 = arith.constant 0 : i32
    %dma_wait3A_496 = arith.constant 0 : i32
    %dma_wait3A_497 = tpu.memref_slice %arg4[%dma_wait3A_495, %dma_wait3A_496] : memref<245760x128xf32, #tpu.memory_space<hbm>> -> memref<32x128xf32, #tpu.memory_space<hbm>>
    %dma_wait3A_498 = arith.constant 0 : i32
    %dma_wait3A_499 = arith.constant 0 : i32
    %dma_wait3A_500 = tpu.memref_slice %arg14[%dma_wait3A_498, %dma_wait3A_499] : memref<128x128xf32, #tpu.memory_space<vmem>> -> memref<32x128xf32, #tpu.memory_space<vmem>>
    tpu.wait_dma2 semaphore(%arg26 : memref<!tpu.dma_semaphore, #tpu.memory_space<semaphore_mem>>) src(%dma_wait3A_500 : memref<32x128xf32, #tpu.memory_space<vmem>>) dst(%dma_wait3A_497 : memref<32x128xf32, #tpu.memory_space<hbm>>)
    %dma_wait3A_501 = arith.constant 0 : i32
    %dma_wait3A_502 = arith.constant 0 : i32
    %dma_wait3A_503 = tpu.memref_slice %arg14[%dma_wait3A_501, %dma_wait3A_502] : memref<128x128xf32, #tpu.memory_space<vmem>> -> memref<32x128xf32, #tpu.memory_space<vmem>>
    %dma_wait3A_504 = arith.constant 0 : i32
    %dma_wait3A_505 = arith.constant 0 : i32
    %dma_wait3A_506 = tpu.memref_slice %arg4[%dma_wait3A_504, %dma_wait3A_505] : memref<245760x128xf32, #tpu.memory_space<hbm>> -> memref<32x128xf32, #tpu.memory_space<hbm>>
    %dma_wait3A_507 = arith.constant 0 : i32
    %dma_wait3A_508 = arith.constant 0 : i32
    %dma_wait3A_509 = tpu.memref_slice %arg4[%dma_wait3A_507, %dma_wait3A_508] : memref<245760x128xf32, #tpu.memory_space<hbm>> -> memref<32x128xf32, #tpu.memory_space<hbm>>
    %dma_wait3A_510 = arith.constant 0 : i32
    %dma_wait3A_511 = arith.constant 0 : i32
    %dma_wait3A_512 = tpu.memref_slice %arg14[%dma_wait3A_510, %dma_wait3A_511] : memref<128x128xf32, #tpu.memory_space<vmem>> -> memref<32x128xf32, #tpu.memory_space<vmem>>
    tpu.wait_dma2 semaphore(%arg26 : memref<!tpu.dma_semaphore, #tpu.memory_space<semaphore_mem>>) src(%dma_wait3A_512 : memref<32x128xf32, #tpu.memory_space<vmem>>) dst(%dma_wait3A_509 : memref<32x128xf32, #tpu.memory_space<hbm>>)
    %dma_wait3A_513 = arith.constant 0 : i32
    %dma_wait3A_514 = arith.constant 0 : i32
    %dma_wait3A_515 = tpu.memref_slice %arg14[%dma_wait3A_513, %dma_wait3A_514] : memref<128x128xf32, #tpu.memory_space<vmem>> -> memref<32x128xf32, #tpu.memory_space<vmem>>
    %dma_wait3A_516 = arith.constant 0 : i32
    %dma_wait3A_517 = arith.constant 0 : i32
    %dma_wait3A_518 = tpu.memref_slice %arg4[%dma_wait3A_516, %dma_wait3A_517] : memref<245760x128xf32, #tpu.memory_space<hbm>> -> memref<32x128xf32, #tpu.memory_space<hbm>>
    %dma_wait3A_519 = arith.constant 0 : i32
    %dma_wait3A_520 = arith.constant 0 : i32
    %dma_wait3A_521 = tpu.memref_slice %arg4[%dma_wait3A_519, %dma_wait3A_520] : memref<245760x128xf32, #tpu.memory_space<hbm>> -> memref<32x128xf32, #tpu.memory_space<hbm>>
    %dma_wait3A_522 = arith.constant 0 : i32
    %dma_wait3A_523 = arith.constant 0 : i32
    %dma_wait3A_524 = tpu.memref_slice %arg14[%dma_wait3A_522, %dma_wait3A_523] : memref<128x128xf32, #tpu.memory_space<vmem>> -> memref<32x128xf32, #tpu.memory_space<vmem>>
    tpu.wait_dma2 semaphore(%arg26 : memref<!tpu.dma_semaphore, #tpu.memory_space<semaphore_mem>>) src(%dma_wait3A_524 : memref<32x128xf32, #tpu.memory_space<vmem>>) dst(%dma_wait3A_521 : memref<32x128xf32, #tpu.memory_space<hbm>>)
    %dma_wait3A_525 = arith.constant 0 : i32
    %dma_wait3A_526 = arith.constant 0 : i32
    %dma_wait3A_527 = tpu.memref_slice %arg14[%dma_wait3A_525, %dma_wait3A_526] : memref<128x128xf32, #tpu.memory_space<vmem>> -> memref<32x128xf32, #tpu.memory_space<vmem>>
    %dma_wait3A_528 = arith.constant 0 : i32
    %dma_wait3A_529 = arith.constant 0 : i32
    %dma_wait3A_530 = tpu.memref_slice %arg4[%dma_wait3A_528, %dma_wait3A_529] : memref<245760x128xf32, #tpu.memory_space<hbm>> -> memref<32x128xf32, #tpu.memory_space<hbm>>
    %dma_wait3A_531 = arith.constant 0 : i32
    %dma_wait3A_532 = arith.constant 0 : i32
    %dma_wait3A_533 = tpu.memref_slice %arg4[%dma_wait3A_531, %dma_wait3A_532] : memref<245760x128xf32, #tpu.memory_space<hbm>> -> memref<32x128xf32, #tpu.memory_space<hbm>>
    %dma_wait3A_534 = arith.constant 0 : i32
    %dma_wait3A_535 = arith.constant 0 : i32
    %dma_wait3A_536 = tpu.memref_slice %arg14[%dma_wait3A_534, %dma_wait3A_535] : memref<128x128xf32, #tpu.memory_space<vmem>> -> memref<32x128xf32, #tpu.memory_space<vmem>>
    tpu.wait_dma2 semaphore(%arg26 : memref<!tpu.dma_semaphore, #tpu.memory_space<semaphore_mem>>) src(%dma_wait3A_536 : memref<32x128xf32, #tpu.memory_space<vmem>>) dst(%dma_wait3A_533 : memref<32x128xf32, #tpu.memory_space<hbm>>)
    %dma_wait3A_537 = arith.constant 0 : i32
    %dma_wait3A_538 = arith.constant 0 : i32
    %dma_wait3A_539 = tpu.memref_slice %arg15[%dma_wait3A_537, %dma_wait3A_538] : memref<128x128xf32, #tpu.memory_space<vmem>> -> memref<32x128xf32, #tpu.memory_space<vmem>>
    %dma_wait3A_540 = arith.constant 0 : i32
    %dma_wait3A_541 = arith.constant 0 : i32
    %dma_wait3A_542 = tpu.memref_slice %arg4[%dma_wait3A_540, %dma_wait3A_541] : memref<245760x128xf32, #tpu.memory_space<hbm>> -> memref<32x128xf32, #tpu.memory_space<hbm>>
    %dma_wait3A_543 = arith.constant 0 : i32
    %dma_wait3A_544 = arith.constant 0 : i32
    %dma_wait3A_545 = tpu.memref_slice %arg4[%dma_wait3A_543, %dma_wait3A_544] : memref<245760x128xf32, #tpu.memory_space<hbm>> -> memref<32x128xf32, #tpu.memory_space<hbm>>
    %dma_wait3A_546 = arith.constant 0 : i32
    %dma_wait3A_547 = arith.constant 0 : i32
    %dma_wait3A_548 = tpu.memref_slice %arg15[%dma_wait3A_546, %dma_wait3A_547] : memref<128x128xf32, #tpu.memory_space<vmem>> -> memref<32x128xf32, #tpu.memory_space<vmem>>
    tpu.wait_dma2 semaphore(%arg27 : memref<!tpu.dma_semaphore, #tpu.memory_space<semaphore_mem>>) src(%dma_wait3A_548 : memref<32x128xf32, #tpu.memory_space<vmem>>) dst(%dma_wait3A_545 : memref<32x128xf32, #tpu.memory_space<hbm>>)
    %dma_wait3A_549 = arith.constant 0 : i32
    %dma_wait3A_550 = arith.constant 0 : i32
    %dma_wait3A_551 = tpu.memref_slice %arg15[%dma_wait3A_549, %dma_wait3A_550] : memref<128x128xf32, #tpu.memory_space<vmem>> -> memref<32x128xf32, #tpu.memory_space<vmem>>
    %dma_wait3A_552 = arith.constant 0 : i32
    %dma_wait3A_553 = arith.constant 0 : i32
    %dma_wait3A_554 = tpu.memref_slice %arg4[%dma_wait3A_552, %dma_wait3A_553] : memref<245760x128xf32, #tpu.memory_space<hbm>> -> memref<32x128xf32, #tpu.memory_space<hbm>>
    %dma_wait3A_555 = arith.constant 0 : i32
    %dma_wait3A_556 = arith.constant 0 : i32
    %dma_wait3A_557 = tpu.memref_slice %arg4[%dma_wait3A_555, %dma_wait3A_556] : memref<245760x128xf32, #tpu.memory_space<hbm>> -> memref<32x128xf32, #tpu.memory_space<hbm>>
    %dma_wait3A_558 = arith.constant 0 : i32
    %dma_wait3A_559 = arith.constant 0 : i32
    %dma_wait3A_560 = tpu.memref_slice %arg15[%dma_wait3A_558, %dma_wait3A_559] : memref<128x128xf32, #tpu.memory_space<vmem>> -> memref<32x128xf32, #tpu.memory_space<vmem>>
    tpu.wait_dma2 semaphore(%arg27 : memref<!tpu.dma_semaphore, #tpu.memory_space<semaphore_mem>>) src(%dma_wait3A_560 : memref<32x128xf32, #tpu.memory_space<vmem>>) dst(%dma_wait3A_557 : memref<32x128xf32, #tpu.memory_space<hbm>>)
    %dma_wait3A_561 = arith.constant 0 : i32
    %dma_wait3A_562 = arith.constant 0 : i32
    %dma_wait3A_563 = tpu.memref_slice %arg15[%dma_wait3A_561, %dma_wait3A_562] : memref<128x128xf32, #tpu.memory_space<vmem>> -> memref<32x128xf32, #tpu.memory_space<vmem>>
    %dma_wait3A_564 = arith.constant 0 : i32
    %dma_wait3A_565 = arith.constant 0 : i32
    %dma_wait3A_566 = tpu.memref_slice %arg4[%dma_wait3A_564, %dma_wait3A_565] : memref<245760x128xf32, #tpu.memory_space<hbm>> -> memref<32x128xf32, #tpu.memory_space<hbm>>
    %dma_wait3A_567 = arith.constant 0 : i32
    %dma_wait3A_568 = arith.constant 0 : i32
    %dma_wait3A_569 = tpu.memref_slice %arg4[%dma_wait3A_567, %dma_wait3A_568] : memref<245760x128xf32, #tpu.memory_space<hbm>> -> memref<32x128xf32, #tpu.memory_space<hbm>>
    %dma_wait3A_570 = arith.constant 0 : i32
    %dma_wait3A_571 = arith.constant 0 : i32
    %dma_wait3A_572 = tpu.memref_slice %arg15[%dma_wait3A_570, %dma_wait3A_571] : memref<128x128xf32, #tpu.memory_space<vmem>> -> memref<32x128xf32, #tpu.memory_space<vmem>>
    tpu.wait_dma2 semaphore(%arg27 : memref<!tpu.dma_semaphore, #tpu.memory_space<semaphore_mem>>) src(%dma_wait3A_572 : memref<32x128xf32, #tpu.memory_space<vmem>>) dst(%dma_wait3A_569 : memref<32x128xf32, #tpu.memory_space<hbm>>)
    %dma_wait3A_573 = arith.constant 0 : i32
    %dma_wait3A_574 = arith.constant 0 : i32
    %dma_wait3A_575 = tpu.memref_slice %arg15[%dma_wait3A_573, %dma_wait3A_574] : memref<128x128xf32, #tpu.memory_space<vmem>> -> memref<32x128xf32, #tpu.memory_space<vmem>>
    %dma_wait3A_576 = arith.constant 0 : i32
    %dma_wait3A_577 = arith.constant 0 : i32
    %dma_wait3A_578 = tpu.memref_slice %arg4[%dma_wait3A_576, %dma_wait3A_577] : memref<245760x128xf32, #tpu.memory_space<hbm>> -> memref<32x128xf32, #tpu.memory_space<hbm>>
    %dma_wait3A_579 = arith.constant 0 : i32
    %dma_wait3A_580 = arith.constant 0 : i32
    %dma_wait3A_581 = tpu.memref_slice %arg4[%dma_wait3A_579, %dma_wait3A_580] : memref<245760x128xf32, #tpu.memory_space<hbm>> -> memref<32x128xf32, #tpu.memory_space<hbm>>
    %dma_wait3A_582 = arith.constant 0 : i32
    %dma_wait3A_583 = arith.constant 0 : i32
    %dma_wait3A_584 = tpu.memref_slice %arg15[%dma_wait3A_582, %dma_wait3A_583] : memref<128x128xf32, #tpu.memory_space<vmem>> -> memref<32x128xf32, #tpu.memory_space<vmem>>
    tpu.wait_dma2 semaphore(%arg27 : memref<!tpu.dma_semaphore, #tpu.memory_space<semaphore_mem>>) src(%dma_wait3A_584 : memref<32x128xf32, #tpu.memory_space<vmem>>) dst(%dma_wait3A_581 : memref<32x128xf32, #tpu.memory_space<hbm>>)
    %dma_wait3A_585 = arith.constant 0 : i32
    %dma_wait3A_586 = arith.constant 0 : i32
    %dma_wait3A_587 = tpu.memref_slice %arg16[%dma_wait3A_585, %dma_wait3A_586] : memref<128x128xf32, #tpu.memory_space<vmem>> -> memref<32x128xf32, #tpu.memory_space<vmem>>
    %dma_wait3A_588 = arith.constant 0 : i32
    %dma_wait3A_589 = arith.constant 0 : i32
    %dma_wait3A_590 = tpu.memref_slice %arg4[%dma_wait3A_588, %dma_wait3A_589] : memref<245760x128xf32, #tpu.memory_space<hbm>> -> memref<32x128xf32, #tpu.memory_space<hbm>>
    %dma_wait3A_591 = arith.constant 0 : i32
    %dma_wait3A_592 = arith.constant 0 : i32
    %dma_wait3A_593 = tpu.memref_slice %arg4[%dma_wait3A_591, %dma_wait3A_592] : memref<245760x128xf32, #tpu.memory_space<hbm>> -> memref<32x128xf32, #tpu.memory_space<hbm>>
    %dma_wait3A_594 = arith.constant 0 : i32
    %dma_wait3A_595 = arith.constant 0 : i32
    %dma_wait3A_596 = tpu.memref_slice %arg16[%dma_wait3A_594, %dma_wait3A_595] : memref<128x128xf32, #tpu.memory_space<vmem>> -> memref<32x128xf32, #tpu.memory_space<vmem>>
    tpu.wait_dma2 semaphore(%arg28 : memref<!tpu.dma_semaphore, #tpu.memory_space<semaphore_mem>>) src(%dma_wait3A_596 : memref<32x128xf32, #tpu.memory_space<vmem>>) dst(%dma_wait3A_593 : memref<32x128xf32, #tpu.memory_space<hbm>>)
    %dma_wait3A_597 = arith.constant 0 : i32
    %dma_wait3A_598 = arith.constant 0 : i32
    %dma_wait3A_599 = tpu.memref_slice %arg16[%dma_wait3A_597, %dma_wait3A_598] : memref<128x128xf32, #tpu.memory_space<vmem>> -> memref<32x128xf32, #tpu.memory_space<vmem>>
    %dma_wait3A_600 = arith.constant 0 : i32
    %dma_wait3A_601 = arith.constant 0 : i32
    %dma_wait3A_602 = tpu.memref_slice %arg4[%dma_wait3A_600, %dma_wait3A_601] : memref<245760x128xf32, #tpu.memory_space<hbm>> -> memref<32x128xf32, #tpu.memory_space<hbm>>
    %dma_wait3A_603 = arith.constant 0 : i32
    %dma_wait3A_604 = arith.constant 0 : i32
    %dma_wait3A_605 = tpu.memref_slice %arg4[%dma_wait3A_603, %dma_wait3A_604] : memref<245760x128xf32, #tpu.memory_space<hbm>> -> memref<32x128xf32, #tpu.memory_space<hbm>>
    %dma_wait3A_606 = arith.constant 0 : i32
    %dma_wait3A_607 = arith.constant 0 : i32
    %dma_wait3A_608 = tpu.memref_slice %arg16[%dma_wait3A_606, %dma_wait3A_607] : memref<128x128xf32, #tpu.memory_space<vmem>> -> memref<32x128xf32, #tpu.memory_space<vmem>>
    tpu.wait_dma2 semaphore(%arg28 : memref<!tpu.dma_semaphore, #tpu.memory_space<semaphore_mem>>) src(%dma_wait3A_608 : memref<32x128xf32, #tpu.memory_space<vmem>>) dst(%dma_wait3A_605 : memref<32x128xf32, #tpu.memory_space<hbm>>)
    %dma_wait3A_609 = arith.constant 0 : i32
    %dma_wait3A_610 = arith.constant 0 : i32
    %dma_wait3A_611 = tpu.memref_slice %arg16[%dma_wait3A_609, %dma_wait3A_610] : memref<128x128xf32, #tpu.memory_space<vmem>> -> memref<32x128xf32, #tpu.memory_space<vmem>>
    %dma_wait3A_612 = arith.constant 0 : i32
    %dma_wait3A_613 = arith.constant 0 : i32
    %dma_wait3A_614 = tpu.memref_slice %arg4[%dma_wait3A_612, %dma_wait3A_613] : memref<245760x128xf32, #tpu.memory_space<hbm>> -> memref<32x128xf32, #tpu.memory_space<hbm>>
    %dma_wait3A_615 = arith.constant 0 : i32
    %dma_wait3A_616 = arith.constant 0 : i32
    %dma_wait3A_617 = tpu.memref_slice %arg4[%dma_wait3A_615, %dma_wait3A_616] : memref<245760x128xf32, #tpu.memory_space<hbm>> -> memref<32x128xf32, #tpu.memory_space<hbm>>
    %dma_wait3A_618 = arith.constant 0 : i32
    %dma_wait3A_619 = arith.constant 0 : i32
    %dma_wait3A_620 = tpu.memref_slice %arg16[%dma_wait3A_618, %dma_wait3A_619] : memref<128x128xf32, #tpu.memory_space<vmem>> -> memref<32x128xf32, #tpu.memory_space<vmem>>
    tpu.wait_dma2 semaphore(%arg28 : memref<!tpu.dma_semaphore, #tpu.memory_space<semaphore_mem>>) src(%dma_wait3A_620 : memref<32x128xf32, #tpu.memory_space<vmem>>) dst(%dma_wait3A_617 : memref<32x128xf32, #tpu.memory_space<hbm>>)
    %dma_wait3A_621 = arith.constant 0 : i32
    %dma_wait3A_622 = arith.constant 0 : i32
    %dma_wait3A_623 = tpu.memref_slice %arg16[%dma_wait3A_621, %dma_wait3A_622] : memref<128x128xf32, #tpu.memory_space<vmem>> -> memref<32x128xf32, #tpu.memory_space<vmem>>
    %dma_wait3A_624 = arith.constant 0 : i32
    %dma_wait3A_625 = arith.constant 0 : i32
    %dma_wait3A_626 = tpu.memref_slice %arg4[%dma_wait3A_624, %dma_wait3A_625] : memref<245760x128xf32, #tpu.memory_space<hbm>> -> memref<32x128xf32, #tpu.memory_space<hbm>>
    %dma_wait3A_627 = arith.constant 0 : i32
    %dma_wait3A_628 = arith.constant 0 : i32
    %dma_wait3A_629 = tpu.memref_slice %arg4[%dma_wait3A_627, %dma_wait3A_628] : memref<245760x128xf32, #tpu.memory_space<hbm>> -> memref<32x128xf32, #tpu.memory_space<hbm>>
    %dma_wait3A_630 = arith.constant 0 : i32
    %dma_wait3A_631 = arith.constant 0 : i32
    %dma_wait3A_632 = tpu.memref_slice %arg16[%dma_wait3A_630, %dma_wait3A_631] : memref<128x128xf32, #tpu.memory_space<vmem>> -> memref<32x128xf32, #tpu.memory_space<vmem>>
    tpu.wait_dma2 semaphore(%arg28 : memref<!tpu.dma_semaphore, #tpu.memory_space<semaphore_mem>>) src(%dma_wait3A_632 : memref<32x128xf32, #tpu.memory_space<vmem>>) dst(%dma_wait3A_629 : memref<32x128xf32, #tpu.memory_space<hbm>>)
    %dma_wait3A_633 = arith.constant 0 : i32
    %dma_wait3A_634 = arith.constant 0 : i32
    %dma_wait3A_635 = tpu.memref_slice %arg17[%dma_wait3A_633, %dma_wait3A_634] : memref<128x128xf32, #tpu.memory_space<vmem>> -> memref<32x128xf32, #tpu.memory_space<vmem>>
    %dma_wait3A_636 = arith.constant 0 : i32
    %dma_wait3A_637 = arith.constant 0 : i32
    %dma_wait3A_638 = tpu.memref_slice %arg4[%dma_wait3A_636, %dma_wait3A_637] : memref<245760x128xf32, #tpu.memory_space<hbm>> -> memref<32x128xf32, #tpu.memory_space<hbm>>
    %dma_wait3A_639 = arith.constant 0 : i32
    %dma_wait3A_640 = arith.constant 0 : i32
    %dma_wait3A_641 = tpu.memref_slice %arg4[%dma_wait3A_639, %dma_wait3A_640] : memref<245760x128xf32, #tpu.memory_space<hbm>> -> memref<32x128xf32, #tpu.memory_space<hbm>>
    %dma_wait3A_642 = arith.constant 0 : i32
    %dma_wait3A_643 = arith.constant 0 : i32
    %dma_wait3A_644 = tpu.memref_slice %arg17[%dma_wait3A_642, %dma_wait3A_643] : memref<128x128xf32, #tpu.memory_space<vmem>> -> memref<32x128xf32, #tpu.memory_space<vmem>>
    tpu.wait_dma2 semaphore(%arg29 : memref<!tpu.dma_semaphore, #tpu.memory_space<semaphore_mem>>) src(%dma_wait3A_644 : memref<32x128xf32, #tpu.memory_space<vmem>>) dst(%dma_wait3A_641 : memref<32x128xf32, #tpu.memory_space<hbm>>)
    %dma_wait3A_645 = arith.constant 0 : i32
    %dma_wait3A_646 = arith.constant 0 : i32
    %dma_wait3A_647 = tpu.memref_slice %arg17[%dma_wait3A_645, %dma_wait3A_646] : memref<128x128xf32, #tpu.memory_space<vmem>> -> memref<32x128xf32, #tpu.memory_space<vmem>>
    %dma_wait3A_648 = arith.constant 0 : i32
    %dma_wait3A_649 = arith.constant 0 : i32
    %dma_wait3A_650 = tpu.memref_slice %arg4[%dma_wait3A_648, %dma_wait3A_649] : memref<245760x128xf32, #tpu.memory_space<hbm>> -> memref<32x128xf32, #tpu.memory_space<hbm>>
    %dma_wait3A_651 = arith.constant 0 : i32
    %dma_wait3A_652 = arith.constant 0 : i32
    %dma_wait3A_653 = tpu.memref_slice %arg4[%dma_wait3A_651, %dma_wait3A_652] : memref<245760x128xf32, #tpu.memory_space<hbm>> -> memref<32x128xf32, #tpu.memory_space<hbm>>
    %dma_wait3A_654 = arith.constant 0 : i32
    %dma_wait3A_655 = arith.constant 0 : i32
    %dma_wait3A_656 = tpu.memref_slice %arg17[%dma_wait3A_654, %dma_wait3A_655] : memref<128x128xf32, #tpu.memory_space<vmem>> -> memref<32x128xf32, #tpu.memory_space<vmem>>
    tpu.wait_dma2 semaphore(%arg29 : memref<!tpu.dma_semaphore, #tpu.memory_space<semaphore_mem>>) src(%dma_wait3A_656 : memref<32x128xf32, #tpu.memory_space<vmem>>) dst(%dma_wait3A_653 : memref<32x128xf32, #tpu.memory_space<hbm>>)
    %dma_wait3A_657 = arith.constant 0 : i32
    %dma_wait3A_658 = arith.constant 0 : i32
    %dma_wait3A_659 = tpu.memref_slice %arg17[%dma_wait3A_657, %dma_wait3A_658] : memref<128x128xf32, #tpu.memory_space<vmem>> -> memref<32x128xf32, #tpu.memory_space<vmem>>
    %dma_wait3A_660 = arith.constant 0 : i32
    %dma_wait3A_661 = arith.constant 0 : i32
    %dma_wait3A_662 = tpu.memref_slice %arg4[%dma_wait3A_660, %dma_wait3A_661] : memref<245760x128xf32, #tpu.memory_space<hbm>> -> memref<32x128xf32, #tpu.memory_space<hbm>>
    %dma_wait3A_663 = arith.constant 0 : i32
    %dma_wait3A_664 = arith.constant 0 : i32
    %dma_wait3A_665 = tpu.memref_slice %arg4[%dma_wait3A_663, %dma_wait3A_664] : memref<245760x128xf32, #tpu.memory_space<hbm>> -> memref<32x128xf32, #tpu.memory_space<hbm>>
    %dma_wait3A_666 = arith.constant 0 : i32
    %dma_wait3A_667 = arith.constant 0 : i32
    %dma_wait3A_668 = tpu.memref_slice %arg17[%dma_wait3A_666, %dma_wait3A_667] : memref<128x128xf32, #tpu.memory_space<vmem>> -> memref<32x128xf32, #tpu.memory_space<vmem>>
    tpu.wait_dma2 semaphore(%arg29 : memref<!tpu.dma_semaphore, #tpu.memory_space<semaphore_mem>>) src(%dma_wait3A_668 : memref<32x128xf32, #tpu.memory_space<vmem>>) dst(%dma_wait3A_665 : memref<32x128xf32, #tpu.memory_space<hbm>>)
    %dma_wait3A_669 = arith.constant 0 : i32
    %dma_wait3A_670 = arith.constant 0 : i32
    %dma_wait3A_671 = tpu.memref_slice %arg17[%dma_wait3A_669, %dma_wait3A_670] : memref<128x128xf32, #tpu.memory_space<vmem>> -> memref<32x128xf32, #tpu.memory_space<vmem>>
    %dma_wait3A_672 = arith.constant 0 : i32
    %dma_wait3A_673 = arith.constant 0 : i32
    %dma_wait3A_674 = tpu.memref_slice %arg4[%dma_wait3A_672, %dma_wait3A_673] : memref<245760x128xf32, #tpu.memory_space<hbm>> -> memref<32x128xf32, #tpu.memory_space<hbm>>
    %dma_wait3A_675 = arith.constant 0 : i32
    %dma_wait3A_676 = arith.constant 0 : i32
    %dma_wait3A_677 = tpu.memref_slice %arg4[%dma_wait3A_675, %dma_wait3A_676] : memref<245760x128xf32, #tpu.memory_space<hbm>> -> memref<32x128xf32, #tpu.memory_space<hbm>>
    %dma_wait3A_678 = arith.constant 0 : i32
    %dma_wait3A_679 = arith.constant 0 : i32
    %dma_wait3A_680 = tpu.memref_slice %arg17[%dma_wait3A_678, %dma_wait3A_679] : memref<128x128xf32, #tpu.memory_space<vmem>> -> memref<32x128xf32, #tpu.memory_space<vmem>>
    tpu.wait_dma2 semaphore(%arg29 : memref<!tpu.dma_semaphore, #tpu.memory_space<semaphore_mem>>) src(%dma_wait3A_680 : memref<32x128xf32, #tpu.memory_space<vmem>>) dst(%dma_wait3A_677 : memref<32x128xf32, #tpu.memory_space<hbm>>)
    return
  }
}

</mosaic_0001>

<sc_bundles>
// kernel: kernel.3.cloned.1.call-start
scs
__scs_entry_jumppad:
0x0: {  	(pc) =	sbr.rel $0x88, $3  }
0x1: {  	(tag) =	ssettag $0x0;
	lr =	simm.s32 $0x1  }
0x2: {  	[smem:$0x3F9F] =	sst lr;
	_ =	strace $0xD0000000  }
0x3: {  	_ = 	snop  }
0x4: {  	_ = 	snop  }
0x5: {  	_ = 	snop  }
0x6: {  	_ = 	snop  }
0x7: {  	_ = 	snop  }
__scs_overlays_trampoline_lowered:
0x8: {  	[smem:$0x3FAE] =	sst s0  }
0x9: {  	[smem:$0x3FAF] =	sst s1  }
0xa: {  	[smem:$0x3FB0] =	sst s2  }
0xb: {  	[smem:$0x3FB1] =	sst s3  }
0xc: {  	[smem:$0x3FB2] =	sst s4  }
0xd: {  	[smem:$0x3FB3] =	sst s5  }
0xe: {  	[smem:$0x3FB4] =	sst s6  }
0xf: {  	[smem:$0x3FB5] =	sst s7  }
0x10: {  	[smem:$0x3FB6] =	sst s8  }
0x11: {  	[smem:$0x3FB7] =	sst s9;
	s0 =	simm.s32 @!p0 $0x0  }
0x12: {  	s1 =	sld [smem:$0x3F9D];
	s0 =	simm.s32 @p0 $0x1  }
0x13: {  	[smem:$0x3FB8] =	sst s0;
	s0 =	simm.s32 @!p1 $0x0  }
0x14: {  	s2 =	sld [smem:$0x3F9C];
	s0 =	simm.s32 @p1 $0x1  }
0x15: {  	[smem:$0x3FB9] =	sst s0;
	s0 =	simm.s32 @!p2 $0x0  }
0x16: {  	s3 =	sld [smem:$0x3FDB];
	s0 =	simm.s32 @p2 $0x1  }
0x17: {  	s4 =	simm.s32 $0x1BF5;
	[smem:$0x3FBB] =	sst s0  }
0x18: {  	s0 =	sld [smem:$0x3F9E];
	_ =	swait.ge [sflag:s4], $0x0  }
0x19: {  	s7 =	sld [smem:$0x3F9F]  }
0x1a: {  	s8 =	sadd.s32 $0xFFFFE003, lr  }
0x1b: {  	s9 =	sadd.s32 $0xFFFFFEF7, lr;
	s5 =	simm.s32 $0xFFFFFFFF;
	p2 =	slt.u32 s8, $0xFFFFF086  }
0x1c: {  	p1 =	slt.u32 s9, $0xF7A;
	s5 =	simm.s32 @!p2 $0x0  }
0x1d: {  	s5 =	simm.s32 @p1 $0x1;
	p0 =	seq.s32 s7, s2  }
0x1e: {  	s7 =	smul.u32 @!p0 $0xF7A, s2;
	p2 =	seq.s32 @!p0 s5, $0x0  }
0x1f: {  	s9 =	smul.u32 $0xF7A, s1;
	s8 =	simm.s32 @!p0 $0x1BF5;
	p2 =	por !p2, p0  }
0x20: {  	[sflag:s8] =	ssyncset.s32 @!p0 $0xFFFFF086;
	s6 =	sadd.s32 @!p0 s3, s7;
	s7 =	simm.s32 @!p0 $0x108  }
0x21: {  	s3 =	sadd.s32 s3, s9;
	s6 =	sadd.s32 @!p0 $0x88, s6;
	s7 =	simm.s32 @p2 $0x1082  }
0x22: {  	[simem:s7], [sflag:s8] =	dma.local @!p0 [hbm:s6], $0xF7A  }
0x23: {  	s9 =	sor.u32 $0xD0000000, s2;
	s6 =	simm.s32 $0x108;
	_ =	swait.ge @!p0 [sflag:s8], $0x0  }
0x24: {  	s3 =	sadd.s32 $0x88, s3;
	s6 =	simm.s32 @!p1 $0x1082;
	[sflag:s4] =	ssyncset.s32 $0xFFFFF086  }
0x25: {  	[simem:s6], [sflag:s4] =	dma.local [hbm:s3], $0xF7A  }
0x26: {  	[smem:$0x3F9F] =	sst s1;
	(tag) =	ssettag s2;
	_ =	strace s9  }
0x27: {  	s1 =	sld [smem:$0x3FAF]  }
0x28: {  	s2 =	sld [smem:$0x3FB0]  }
0x29: {  	s4 =	sld [smem:$0x3FB2]  }
0x2a: {  	p0 =	seq.s32 s5, $0x0;
	s5 =	sld [smem:$0x3FB3]  }
0x2b: {  	s6 =	sld [smem:$0x3FB4]  }
0x2c: {  	s7 =	sld [smem:$0x3FB5]  }
0x2d: {  	s3 =	simm.s32 $0x108;
	s8 =	sld [smem:$0x3FB6]  }
0x2e: {  	s3 =	simm.s32 @!p0 $0x1082;
	s9 =	sld [smem:$0x3FB7]  }
0x2f: {  	lr =	sadd.s32 s0, s3;
	s0 =	sld [smem:$0x3FAE]  }
0x30: {  	s3 =	sld [smem:$0x3FB1]  }
0x31: {  	[smem:$0x3FBA] =	sst s10  }
0x32: {  	s10 =	sld [smem:$0x3FB8];
	_ =	sdelay $0x3  }
0x33: {  	p0 =	seq.s32 s10, $0x1;
	s10 =	sld [smem:$0x3FBA];
	_ =	sdelay $0x3  }
0x34: {  	[smem:$0x3FBA] =	sst s10  }
0x35: {  	s10 =	sld [smem:$0x3FB9];
	_ =	sdelay $0x3  }
0x36: {  	p1 =	seq.s32 s10, $0x1;
	s10 =	sld [smem:$0x3FBA];
	_ =	sdelay $0x3  }
0x37: {  	[smem:$0x3FBA] =	sst s10  }
0x38: {  	s10 =	sld [smem:$0x3FBB]  }
0x39: {  	_ = 	snop;
	(pc) =	sbr.ind lr, $3  }
0x3a: {  	_ = 	snop  }
0x3b: {  	_ = 	snop  }
0x3c: {  	p2 =	seq.s32 s10, $0x1;
	s10 =	sld [smem:$0x3FBA]  }
0x3d: {  	_ =	shalt  }
0x3e: {  	_ =	shalt  }
0x3f: {  	_ =	shalt  }
0x40: {  	_ =	shalt  }
0x41: {  	_ =	shalt  }
0x42: {  	_ =	shalt  }
0x43: {  	_ =	shalt  }
0x44: {  	_ =	shalt  }
0x45: {  	_ =	shalt  }
0x46: {  	_ =	shalt  }
0x47: {  	_ =	shalt  }
0x48: {  	_ =	shalt  }
0x49: {  	_ =	shalt  }
0x4a: {  	_ =	shalt  }
0x4b: {  	_ =	shalt  }
0x4c: {  	_ =	shalt  }
0x4d: {  	_ =	shalt  }
0x4e: {  	_ =	shalt  }
0x4f: {  	_ =	shalt  }
0x50: {  	_ =	shalt  }
0x51: {  	_ =	shalt  }
0x52: {  	_ =	shalt  }
0x53: {  	_ =	shalt  }
0x54: {  	_ =	shalt  }
0x55: {  	_ =	shalt  }
0x56: {  	_ =	shalt  }
0x57: {  	_ =	shalt  }
0x58: {  	_ =	shalt  }
0x59: {  	_ =	shalt  }
0x5a: {  	_ =	shalt  }
0x5b: {  	_ =	shalt  }
0x5c: {  	_ =	shalt  }
0x5d: {  	_ =	shalt  }
0x5e: {  	_ =	shalt  }
0x5f: {  	_ =	shalt  }
0x60: {  	_ =	shalt  }
0x61: {  	_ =	shalt  }
0x62: {  	_ =	shalt  }
0x63: {  	_ =	shalt  }
0x64: {  	_ =	shalt  }
0x65: {  	_ =	shalt  }
0x66: {  	_ =	shalt  }
0x67: {  	_ =	shalt  }
0x68: {  	_ =	shalt  }
0x69: {  	_ =	shalt  }
0x6a: {  	_ =	shalt  }
0x6b: {  	_ =	shalt  }
0x6c: {  	_ =	shalt  }
0x6d: {  	_ =	shalt  }
0x6e: {  	_ =	shalt  }
0x6f: {  	_ =	shalt  }
0x70: {  	_ =	shalt  }
0x71: {  	_ =	shalt  }
0x72: {  	_ =	shalt  }
0x73: {  	_ =	shalt  }
0x74: {  	_ =	shalt  }
0x75: {  	_ =	shalt  }
0x76: {  	_ =	shalt  }
0x77: {  	_ =	shalt  }
0x78: {  	_ =	shalt  }
0x79: {  	_ =	shalt  }
0x7a: {  	_ =	shalt  }
0x7b: {  	_ =	shalt  }
0x7c: {  	_ =	shalt  }
0x7d: {  	_ =	shalt  }
0x7e: {  	_ =	shalt  }
0x7f: {  	_ =	shalt  }
0x80: {  	_ =	shalt  }
0x81: {  	_ =	shalt  }
0x82: {  	_ =	shalt  }
0x83: {  	_ =	shalt  }
0x84: {  	_ =	shalt  }
0x85: {  	_ =	shalt  }
0x86: {  	_ =	shalt  }
0x87: {  	_ =	shalt  }
.Lfunc_end0:
.L_simem_size_0:
called_computation_lowered:
.L_overlay_start_0:
0x88: {  	s2 =	sld [smem:$0x3FD9]  }
0x89: {  	s3 =	sld [smem:$0x3FFE];
	_ =	sdelay $0x1  }
0x8a: {  	s1 =	srdreg.scid  }
0x8b: {  	s0 =	sand.u32 $0x1, s1  }
0x8c: {  	s18 =	sshll.u32 s0, $0xA;
	s2 =	sadd.s32 s3, s2  }
0x8d: {  	s2 =	sadd.s32 s2, s18  }
0x8e: {  	[smem:$0x3FC6] =	sst s2  }
0x8f: {  	_ = 	snop  }
0x90: {  	s2 =	sld [smem:$0x3FC9]  }
0x91: {  	s19 =	sld [smem:$0x3FC8]  }
0x92: {  	s4 =	sld [smem:$0x3FD0];
	(tm) =	ssettm $0x1  }
0x93: {  	s5 =	sld [smem:$0x3FFB];
	_ =	sdelay $0x3  }
0x94: {  	_ =	strace s5  }
0x95: {  	s5 =	sld [smem:$0x3FFC];
	_ =	sdelay $0x3  }
0x96: {  	_ =	strace s5  }
0x97: {  	s5 =	sld [smem:$0x3FFD];
	_ =	sdelay $0x3  }
0x98: {  	_ =	strace s5  }
0x99: {  	_ =	strace $0x8FFFFFFF  }
0x9a: {  	s20 =	sld [smem:$0x3FDB];
	_ =	sdelay $0x1  }
0x9b: {  	s6 =	simm.s32 $_scs_section_size  }
0x9c: {  	s7 =	simm.s32 $_size__tile_overlayer_lowered;
	s8 =	simm.s32 $_tile_overlayer_lowered  }
0x9d: {  	s23 =	simm.s32 $0x1BFF;
	s22 =	sshll.u32 s8, $0x1;
	s5 =	sadd.s32 s6, s20  }
0x9e: {  	s9 =	simm.s32 $0x0;
	s21 =	sshll.u32 s7, $0x1;
	s7 =	sadd.s32 s22, s5  }
0x9f: {  	[timem:s9], [sflag:s23] =	dma.local [hbm:s7], s21  }
0xa0: {  	_ =	swait.ge [sflag:s23], s21  }
0xa1: {  	s6 =	ssub.s32 $0x0, s21;
	[sflag:s23] =	ssyncset.done $0x0  }
0xa2: {  	[sflag:s23] =	ssyncadd.s32 s6;
	_ =	sdelay $0x1  }
0xa3: {  	s24 =	simm.s32 $0x1B8B  }
0xa4: {  	_ =	swait.ge [sflag:s24], $0x1  }
0xa5: {  	[sflag:s24] =	ssyncset.done $0x0  }
0xa6: {  	s25 =	simm.s32 $0x1B8E;
	[sflag:s24] =	ssyncadd.s32 $0xFFFFFFFF  }
0xa7: {  	s26 =	simm.s32 $execute0_lowered;
	[smem:$0x3FD2] =	sst s25  }
0xa8: {  	s6 =	sshll.u32 s26, $0x1;
	_ =	strace $0x80000046;
	[dreg:$0x1] =	wrdreg $0xFFFFFFFF  }
0xa9: {  	s28 =	simm.s32 $_size_execute0_lowered;
	s5 =	sadd.s32 s5, s6;
	[dreg:$0x0] =	wrdreg $0x0  }
0xaa: {  	s6 =	sshll.u32 s28, $0x1;
	[dreg:$0x2] =	wrdreg s5  }
0xab: {  	[dreg:$0x3] =	wrdreg s6  }
0xac: {  	[dreg:$0x4] =	wrdreg $0xC0  }
0xad: {  	_ =	task [dreg:s9], $0x5FFFF  }
0xae: {  	[dreg:$0x1] =	wrdreg $0xFFFFFFFF  }
0xaf: {  	[dreg:$0x0] =	wrdreg $0x60  }
0xb0: {  	[dreg:$0x2] =	wrdreg s19  }
0xb1: {  	[dreg:$0x3] =	wrdreg s2  }
0xb2: {  	[dreg:$0x4] =	wrdreg s4  }
0xb3: {  	[dreg:$0x5] =	wrdreg $0x9  }
0xb4: {  	_ =	task.clear_ibuf [dreg:s9], $0x6FFFF;
	_ =	strace $0x90000046  }
0xb5: {  	s29 =	simm.s32 $0x9;
	_ =	strace $0x80000048  }
0xb6: {  	_ =	swait.ge [sflag:s29], $0x1  }
0xb7: {  	[sflag:s29] =	ssyncadd.s32 $0xFFFFFFFF  }
0xb8: {  	_ =	strace $0x90000048  }
0xb9: {  	_ =	sfence  }
0xba: {  	s30 =	sld [smem:$0x0];
	_ =	sdelay $0x2  }
0xbb: {  	s31 =	sshll.u32 s1, $0xD;
	s1 =	sshrl.u32 s1, $0x2  }
0xbc: {  	s3 =	sand.u32 $0x4000, s31;
	s1 =	sadd.s32 s1, s30  }
0xbd: {  	s0 =	sor.u32 s3, s0;
	s1 =	sshll.u32 s1, $0x11  }
0xbe: {  	s0 =	sor.u32 s1, s0  }
0xbf: {  	s0 =	sadd.s32 $0x8F2B, s0  }
0xc0: {  	[sflag:s0] =	ssyncadd.remote.s32 $0x1  }
0xc1: {  	_ =	sfence.sel $0xFFFF  }
0xc2: {  	[dreg:$0x0] =	wrdreg $0xFFFFFFFF;
	(pc) =	sbr.abs _section_cstart, $3  }
0xc3: {  	[dreg:$0x1] =	wrdreg $0xFFFFFFFF  }
0xc4: {  	_ =	task.clear_ibuf [dreg:s9], $0x2FFFF;
	_ =	strace $0x9FFFFFFF  }
0xc5: {  	(tm) =	ssettm $0x7FFFFFFF  }
tec
execute0_lowered:
.L_overlay_start_1:
0x0: {  	(tag) =	ssettag $0x1  }
0x1: {  	s1 =	rddreg [dreg:$0x0];
	s0 =	srdreg.scid  }
0x2: {  	s6 =	stileid.u32;
	s2 =	rddreg [dreg:$0x1]  }
0x3: {  	s7 =	rddreg [dreg:$0x2];
	s19 =	simm.s32 $0x3;
	s20 =	simm.s32 $0x300  }
0x4: {  	s9 =	simm.s32 $0x2380;
	s21 =	simm.s32 $0x3380;
	s22 =	simm.s32 $0x5380  }
0x5: {  	s24 =	simm.s32 $0x6380;
	s10 =	sand.u32 $0x1, s0;
	s3 =	sshll.u32 s6, $0x1  }
0x6: {  	s29 =	simm.s32 $0x380;
	s0 =	sor.u32 s10, s3;
	s3 =	simm.s32 $0x0  }
0x7: {  	s31 =	simm.s32 $0x4380;
	s30 =	simm.s32 $0x5;
	[smem:$0x7FF] =	sst s3  }
0x8: {  	s23 =	smul.u32 $0x78, s6;
	_ =	strace $0x80000047;
	[dreg:$0x4] =	wrdreg s20  }
0x9: {  	s4 =	ssub.s32 $0x2, s10;
	s17 =	smul.u32 $0x3C, s0;
	[dreg:$0x6] =	wrdreg s9  }
0xa: {  	s5 =	sshrl.u32 s4, $0x1;
	s0 =	sshll.u32 s0, $0x2;
	[dreg:$0x7] =	wrdreg s21  }
0xb: {  	s11 =	ssub.s32 s4, s5;
	s0 =	sadd.s32 s2, s0;
	[dreg:$0x8] =	wrdreg s22  }
0xc: {  	s5 =	simm.s32 $0x2;
	s4 =	simm.s32 $0x1380;
	[dreg:$0x9] =	wrdreg s24  }
0xd: {  	s20 =	simm.s32 $0x4;
	s21 =	smul.u32 $0x3C, s10;
	[dreg:$0x17] =	wrdreg s0  }
0xe: {  	s22 =	simm.s32 $0x7380;
	s9 =	simm.s32 $0xA380;
	[dreg:$0x5] =	wrdreg s4  }
0xf: {  	s24 =	simm.s32 $0xD380;
	s10 =	sshll.u32 s10, $0x9;
	[dreg:$0xa] =	wrdreg s22  }
0x10: {  	s18 =	sshrl.u32 s17, $0x5;
	p0 =	slt.u32 s17, $0x740;
	[dreg:$0xc] =	wrdreg s9  }
0x11: {  	s0 =	simm.s32 $0x2;
	s4 =	simm.s32 $0x9380;
	[dreg:$0xe] =	wrdreg s24  }
0x12: {  	s9 =	sshll.u32 s6, $0xA;
	s24 =	simm.s32 $0x11380;
	s6 =	simm.s32 $0x13380  }
0x13: {  	s8 =	smul.u32 $0xFA0, s18;
	s0 =	simm.s32 @!p0 $0xFFFFFFC6;
	[dreg:$0xb] =	wrdreg s4  }
0x14: {  	p0 =	slt.u32 s17, $0x720;
	s4 =	simm.s32 $0xE380;
	[dreg:$0x11] =	wrdreg s24  }
0x15: {  	[dreg:$0x13] =	wrdreg s6;
	s24 =	smax.u32 s11, $0x1;
	s0 =	sadd.s32 s0, s18  }
0x16: {  	s19 =	simm.s32 @!p0 $0xFFFFFFC7;
	p0 =	slt.u32 s17, $0x700;
	[dreg:$0xf] =	wrdreg s4  }
0x17: {  	s4 =	simm.s32 $0x12380;
	[dreg:$0x1a] =	wrdreg s24;
	s16 =	sadd.s32 $0x3E8, s8  }
0x18: {  	s26 =	sadd.s32 $0x7D0, s8;
	s14 =	sadd.s32 $0xBB8, s8;
	s15 =	sadd.s32 $0xFA0, s8  }
0x19: {  	s2 =	sadd.s32 $0x1388, s8;
	s25 =	sadd.s32 $0x1770, s8;
	s0 =	smul.u32 $0xFA0, s0  }
0x1a: {  	s12 =	sadd.s32 $0x1B58, s8;
	s19 =	sadd.s32 s19, s18;
	s20 =	simm.s32 @!p0 $0xFFFFFFC8  }
0x1b: {  	[dreg:$0x12] =	wrdreg s4;
	v0 =	vmov s8;
	s8 =	simm.s32 $0x8380;
	s18 =	sadd.s32 s20, s18  }
0x1c: {  	s20 =	sadd.s32 s21, s23;
	s21 =	simm.s32 $0xB380;
	s19 =	smul.u32 $0xFA0, s19  }
0x1d: {  	v1 =	vmov s16;
	s16 =	simm.s32 $0x80;
	v6 =	vmov s25;
	v7 =	vmov s12;
	s12 =	simm.s32 $0xC380;
	s25 =	simm.s32 $0x14380  }
0x1e: {  	v5 =	vmov s2;
	s2 =	simm.s32 $0x6;
	s28 =	sadd.s32 $0x3E8, s0;
	s13 =	sadd.s32 $0x7D0, s0  }
0x1f: {  	s17 =	sadd.s32 $0xBB8, s0;
	s23 =	sshrl.u32 s20, $0x5;
	[dreg:$0xd] =	wrdreg s21  }
0x20: {  	s22 =	sshll.u32 s23, $0x10;
	s24 =	sadd.s32 $0xA, s23;
	[dreg:$0x18] =	wrdreg s23  }
0x21: {  	s7 =	sadd.s32 s22, s7;
	s22 =	simm.s32 $0xF380;
	[dreg:$0x1b] =	wrdreg s24  }
0x22: {  	s18 =	smul.u32 $0xFA0, s18;
	s24 =	sadd.s32 $0x4, s23;
	[dreg:$0x10] =	wrdreg s22  }
0x23: {  	s21 =	sadd.s32 s9, s7;
	s9 =	simm.s32 $0x15380;
	[dreg:$0x1c] =	wrdreg s24  }
0x24: {  	s20 =	sadd.s32 $0x3E8, s19;
	s22 =	simm.s32 $0x17380;
	[dreg:$0x14] =	wrdreg s9  }
0x25: {  	s11 =	smul.u32 $0xFA0, s23;
	s24 =	sadd.s32 $0x9, s23;
	[dreg:$0x16] =	wrdreg s22  }
0x26: {  	v10 =	vmov s13;
	s13 =	simm.s32 $0x10380;
	s10 =	sadd.s32 s10, s21;
	[dreg:$0x1d] =	wrdreg s24  }
0x27: {  	v9 =	vmov s28;
	s28 =	simm.s32 $0x1;
	s21 =	simm.s32 $0x16380;
	[dreg:$0x19] =	wrdreg s10  }
0x28: {  	s4 =	sadd.s32 $0x3E8, s18;
	s24 =	sadd.s32 $0x3, s23;
	[dreg:$0x15] =	wrdreg s21  }
0x29: {  	s6 =	sadd.s32 $0x7D0, s18;
	[dreg:$0x1e] =	wrdreg s24;
	s24 =	sadd.s32 $0x8, s23  }
0x2a: {  	s7 =	simm.s32 $0x3;
	[dreg:$0x1f] =	wrdreg s24;
	s24 =	sadd.s32 $0x2, s23  }
0x2b: {  	v18 =	vmov s6;
	s6 =	simm.s32 $0x0;
	[smem:$0x7F9] =	sst s24;
	s24 =	sadd.s32 $0x7, s23  }
0x2c: {  	v2 =	vmov s26;
	v3 =	vmov s14;
	v4 =	vmov s15;
	s22 =	sadd.s32 $0xBB8, s19;
	[smem:$0x7FA] =	sst s24;
	s24 =	sadd.s32 $0x1, s23  }
0x2d: {  	v8 =	vmov s0;
	v11 =	vmov s17;
	v12 =	vmov s19;
	s9 =	sadd.s32 $0xBB8, s18;
	[smem:$0x7FB] =	sst s24;
	s24 =	sadd.s32 $0x6, s23  }
0x2e: {  	v13 =	vmov s20;
	v16 =	vmov s18;
	v17 =	vmov s4;
	s21 =	sadd.s32 $0x7D0, s19;
	s23 =	sadd.s32 $0x5, s23;
	[smem:$0x7FC] =	sst s24  }
0x2f: {  	s10 =	simm.s32 $0x4;
	v15 =	vmov s22;
	v19 =	vmov s9;
	v14 =	vmov s21;
	[smem:$0x7FD] =	sst s23;
	s23 =	simm.s32 $0xC380  }
.LBB2_1:
0x30: {  	[smem:$0x7F8] =	sst s6  }
0x31: {  	s4 =	rddreg [dreg:$0x17];
	s21 =	simm.s32 $0xD  }
0x32: {  	[tilespmem:s3], [sflag:$0xD] =	stream.linear.gather [hbm4b:s4+s3], $0x20, $0x38;
	[tilespmem:$0x18380] =	vst v63  }
0x33: {  	_ =	swait.ge [sflag:s21], $0x20  }
0x34: {  	[sflag:s21] =	ssyncset.done $0x0  }
0x35: {  	[sflag:s21] =	ssyncadd.s32 $0xFFFFFFE0  }
0x36: {  	v20 =	vld [tilespmem:$0x0]  }
0x37: {  	v21 =	vld [tilespmem:$0x10];
	_ =	sdelay $0x3  }
0x38: {  	v22 =	vadd.s32 v0, v20  }
0x39: {  	[tilespmem:$0x80] =	vst v22;
	v22 =	vadd.s32 v0, v21  }
0x3a: {  	[tilespmem:$0x90] =	vst v22;
	v22 =	vadd.s32 v1, v20  }
0x3b: {  	[tilespmem:$0xA0] =	vst v22;
	v22 =	vadd.s32 v1, v21  }
0x3c: {  	[tilespmem:$0xB0] =	vst v22;
	v22 =	vadd.s32 v2, v20  }
0x3d: {  	[tilespmem:$0xC0] =	vst v22;
	v22 =	vadd.s32 v2, v21  }
0x3e: {  	[tilespmem:$0xD0] =	vst v22;
	v22 =	vadd.s32 v3, v20  }
0x3f: {  	[tilespmem:$0xE0] =	vst v22;
	v22 =	vadd.s32 v3, v21  }
0x40: {  	[tilespmem:$0xF0] =	vst v22  }
0x41: {  	v22 =	vadd.s32 v4, v20;
	[tilespmem:s29], [sflag:$0x1] =	stream.indirect.gather [hbm4b:s1+s16], $0x80, s16, s16, $0xb8;
	[tilespmem:$0x18380] =	vst v63  }
0x42: {  	[tilespmem:$0x100] =	vst v22;
	v22 =	vadd.s32 v4, v21  }
0x43: {  	[tilespmem:$0x110] =	vst v22;
	v22 =	vadd.s32 v5, v20  }
0x44: {  	[tilespmem:$0x120] =	vst v22;
	v22 =	vadd.s32 v5, v21  }
0x45: {  	[tilespmem:$0x130] =	vst v22;
	v22 =	vadd.s32 v6, v20  }
0x46: {  	[tilespmem:$0x140] =	vst v22;
	v22 =	vadd.s32 v6, v21  }
0x47: {  	[tilespmem:$0x150] =	vst v22;
	v22 =	vadd.s32 v7, v20  }
0x48: {  	[tilespmem:$0x160] =	vst v22;
	v22 =	vadd.s32 v7, v21  }
0x49: {  	s22 =	simm.s32 $0x100;
	[tilespmem:$0x170] =	vst v22  }
0x4a: {  	v22 =	vadd.s32 v8, v20;
	[tilespmem:s31], [sflag:$0x2] =	stream.indirect.gather [hbm4b:s1+s16], $0x80, s22, s16, $0xb8;
	[tilespmem:$0x18380] =	vst v63  }
0x4b: {  	[tilespmem:$0x180] =	vst v22;
	v22 =	vadd.s32 v8, v21  }
0x4c: {  	[tilespmem:$0x190] =	vst v22;
	v22 =	vadd.s32 v9, v20  }
0x4d: {  	[tilespmem:$0x1A0] =	vst v22;
	v22 =	vadd.s32 v9, v21  }
0x4e: {  	[tilespmem:$0x1B0] =	vst v22;
	v22 =	vadd.s32 v10, v20  }
0x4f: {  	[tilespmem:$0x1C0] =	vst v22;
	v22 =	vadd.s32 v10, v21  }
0x50: {  	[tilespmem:$0x1D0] =	vst v22;
	v22 =	vadd.s32 v11, v20  }
0x51: {  	[tilespmem:$0x1E0] =	vst v22;
	v22 =	vadd.s32 v11, v21  }
0x52: {  	s24 =	simm.s32 $0x180;
	[tilespmem:$0x1F0] =	vst v22  }
0x53: {  	v22 =	vadd.s32 v12, v20;
	[tilespmem:s8], [sflag:$0x3] =	stream.indirect.gather [hbm4b:s1+s16], $0x80, s24, s16, $0xb8;
	[tilespmem:$0x18380] =	vst v63  }
0x54: {  	[tilespmem:$0x200] =	vst v22;
	v22 =	vadd.s32 v12, v21  }
0x55: {  	[tilespmem:$0x210] =	vst v22;
	v22 =	vadd.s32 v13, v20  }
0x56: {  	[tilespmem:$0x220] =	vst v22;
	v22 =	vadd.s32 v13, v21  }
0x57: {  	[tilespmem:$0x230] =	vst v22;
	v22 =	vadd.s32 v14, v20  }
0x58: {  	[tilespmem:$0x240] =	vst v22;
	v22 =	vadd.s32 v14, v21  }
0x59: {  	s6 =	rddreg [dreg:$0x18];
	[tilespmem:$0x250] =	vst v22;
	v22 =	vadd.s32 v15, v20  }
0x5a: {  	s20 =	sld [smem:$0x7FC];
	[tilespmem:$0x260] =	vst v22;
	v22 =	vadd.s32 v15, v21  }
0x5b: {  	s0 =	simm.s32 $0x200;
	s19 =	sld [smem:$0x7FB];
	[tilespmem:$0x270] =	vst v22  }
0x5c: {  	v22 =	vadd.s32 v16, v20;
	[tilespmem:s12], [sflag:$0x4] =	stream.indirect.gather [hbm4b:s1+s16], $0x80, s0, s16, $0xb8;
	[tilespmem:$0x18380] =	vst v63  }
0x5d: {  	s18 =	sld [smem:$0x7FA];
	[tilespmem:$0x280] =	vst v22;
	v22 =	vadd.s32 v16, v21  }
0x5e: {  	s17 =	sld [smem:$0x7F9];
	[tilespmem:$0x290] =	vst v22;
	v22 =	vadd.s32 v17, v20  }
0x5f: {  	s4 =	rddreg [dreg:$0x1d];
	[tilespmem:$0x2A0] =	vst v22;
	v22 =	vadd.s32 v17, v21  }
0x60: {  	s9 =	rddreg [dreg:$0x19];
	[tilespmem:$0x2B0] =	vst v22;
	v22 =	vadd.s32 v18, v20  }
0x61: {  	s21 =	sld [smem:$0x7FD];
	[tilespmem:$0x2C0] =	vst v22;
	v22 =	vadd.s32 v18, v21  }
0x62: {  	s22 =	rddreg [dreg:$0x1e];
	[tilespmem:$0x2D0] =	vst v22;
	v22 =	vadd.s32 v19, v20  }
0x63: {  	s8 =	rddreg [dreg:$0x1c];
	[tilespmem:$0x2E0] =	vst v22;
	v22 =	vadd.s32 v19, v21  }
0x64: {  	s26 =	simm.s32 $0x280;
	s12 =	rddreg [dreg:$0x1b];
	[tilespmem:$0x2F0] =	vst v22  }
0x65: {  	[tilespmem:s13], [sflag:$0x5] =	stream.indirect.gather [hbm4b:s1+s16], $0x80, s26, s16, $0xb8;
	[tilespmem:$0x18380] =	vst v63  }
0x66: {  	s0 =	simm.s32 $0x10380;
	s16 =	rddreg [dreg:$0x1f];
	s13 =	simm.s32 $0x0  }
.LBB2_2:
0x67: {  	p0 =	seq.s32 s13, $0x0  }
0x68: {  	s15 =	simm.s32 @!p0 $0xC  }
0x69: {  	_ =	swait.ge @!p0 [sflag:s15], $0x1000  }
0x6a: {  	[sflag:s15] =	ssyncset.done @!p0 $0x0  }
0x6b: {  	[sflag:s15] =	ssyncadd.s32 @!p0 $0xFFFFF000  }
0x6c: {  	s14 =	smulhi.u32 $0x88888889, s21;
	_ =	swait.ge @!p0 [sflag:s15], $0x1000  }
0x6d: {  	[sflag:s15] =	ssyncset.done @!p0 $0x0  }
0x6e: {  	s14 =	sshrl.u32 s14, $0x5;
	[sflag:s15] =	ssyncadd.s32 @!p0 $0xFFFFF000  }
0x6f: {  	s24 =	smul.u32 $0x3A980, s14;
	_ =	swait.ge @!p0 [sflag:s15], $0x1000  }
0x70: {  	[sflag:s15] =	ssyncset.done @!p0 $0x0  }
0x71: {  	s24 =	ssub.s32 s11, s24;
	[sflag:s15] =	ssyncadd.s32 @!p0 $0xFFFFF000  }
0x72: {  	s24 =	sadd.s32 s24, s13;
	_ =	swait.ge @!p0 [sflag:s15], $0x1000  }
0x73: {  	s26 =	sadd.s32 $0x4E20, s24;
	[sflag:s15] =	ssyncset.done @!p0 $0x0  }
0x74: {  	v22 =	vadd.s32 s26, v20;
	[sflag:s15] =	ssyncadd.s32 @!p0 $0xFFFFF000  }
0x75: {  	[tilespmem:$0x300] =	vst v22;
	v22 =	vadd.s32 s26, v21;
	s26 =	sadd.s32 $0x5208, s24  }
0x76: {  	[tilespmem:$0x310] =	vst v22;
	v22 =	vadd.s32 s26, v20  }
0x77: {  	[tilespmem:$0x320] =	vst v22;
	v22 =	vadd.s32 s26, v21;
	s26 =	sadd.s32 $0x55F0, s24  }
0x78: {  	[tilespmem:$0x330] =	vst v22;
	v22 =	vadd.s32 s26, v20  }
0x79: {  	s15 =	sadd.s32 $0x59D8, s24;
	[tilespmem:$0x340] =	vst v22;
	v22 =	vadd.s32 s26, v21  }
0x7a: {  	s24 =	smulhi.u32 $0x88888889, s6;
	[tilespmem:$0x350] =	vst v22;
	v22 =	vadd.s32 s15, v20  }
0x7b: {  	[tilespmem:$0x360] =	vst v22;
	v22 =	vadd.s32 s15, v21  }
0x7c: {  	s26 =	rddreg [dreg:$0x4];
	s15 =	sshrl.u32 s24, $0x5;
	s24 =	simm.s32 $0x80;
	[tilespmem:$0x370] =	vst v22  }
0x7d: {  	[tilespmem:s25], [sflag:$0x6] =	stream.indirect.gather [hbm4b:s1+s24], $0x80, s26, s24, $0xb8;
	[tilespmem:$0x18380] =	vst v63  }
0x7e: {  	s15 =	smul.u32 $0xFFC40000, s15;
	_ =	swait.ge [sflag:s28], $0x4000  }
0x7f: {  	[sflag:s28] =	ssyncset.done $0x0  }
0x80: {  	s15 =	sadd.s32 s15, s9;
	[sflag:s28] =	ssyncadd.s32 $0xFFFFC000  }
0x81: {  	[hbm4b:s15+s3] =	stream.linear.scatter [tilespmem:s29], [sflag:$0x7], $0x1000, $0x38;
	[tilespmem:$0x18380] =	vst v63  }
0x82: {  	s24 =	rddreg [dreg:$0x5];
	s26 =	sadd.s32 $0x4000, s15  }
0x83: {  	[hbm4b:s26+s3] =	stream.linear.scatter [tilespmem:s24], [sflag:$0x7], $0x1000, $0x38;
	[tilespmem:$0x18380] =	vst v63  }
0x84: {  	s29 =	rddreg [dreg:$0x6];
	s24 =	sadd.s32 $0x8000, s15  }
0x85: {  	[hbm4b:s24+s3] =	stream.linear.scatter [tilespmem:s29], [sflag:$0x7], $0x1000, $0x38;
	[tilespmem:$0x18380] =	vst v63  }
0x86: {  	p0 =	seq.s32 s13, $0x34BC0;
	s26 =	rddreg [dreg:$0x7];
	s15 =	sadd.s32 $0xC000, s15  }
0x87: {  	[hbm4b:s15+s3] =	stream.linear.scatter [tilespmem:s26], [sflag:$0x7], $0x1000, $0x38;
	[tilespmem:$0x18380] =	vst v63  }
0x88: {  	s15 =	simm.s32 @!p0 $0x7  }
0x89: {  	_ =	swait.ge @!p0 [sflag:s15], $0x1000  }
0x8a: {  	[sflag:s15] =	ssyncset.done @!p0 $0x0  }
0x8b: {  	[sflag:s15] =	ssyncadd.s32 @!p0 $0xFFFFF000  }
0x8c: {  	s26 =	smulhi.u32 $0x88888889, s20;
	_ =	swait.ge @!p0 [sflag:s15], $0x1000  }
0x8d: {  	[sflag:s15] =	ssyncset.done @!p0 $0x0  }
0x8e: {  	s24 =	sshrl.u32 s26, $0x5;
	[sflag:s15] =	ssyncadd.s32 @!p0 $0xFFFFF000  }
0x8f: {  	s24 =	smul.u32 $0x3A980, s24;
	_ =	swait.ge @!p0 [sflag:s15], $0x1000  }
0x90: {  	[sflag:s15] =	ssyncset.done @!p0 $0x0  }
0x91: {  	s24 =	ssub.s32 s11, s24;
	[sflag:s15] =	ssyncadd.s32 @!p0 $0xFFFFF000  }
0x92: {  	s24 =	sadd.s32 @!p0 s24, s13;
	_ =	swait.ge @!p0 [sflag:s15], $0x1000  }
0x93: {  	s26 =	sadd.s32 @!p0 $0x5DC0, s24;
	[sflag:s15] =	ssyncset.done @!p0 $0x0  }
0x94: {  	v22 =	vadd.s32 @!p0 s26, v20;
	[sflag:s15] =	ssyncadd.s32 @!p0 $0xFFFFF000  }
0x95: {  	s15 =	sadd.s32 @!p0 $0x61A8, s24;
	[tilespmem:$0x80] =	vst @!p0 v22;
	v22 =	vadd.s32 @!p0 s26, v21  }
0x96: {  	[tilespmem:$0x90] =	vst @!p0 v22;
	v22 =	vadd.s32 @!p0 s15, v20  }
0x97: {  	[tilespmem:$0xA0] =	vst @!p0 v22;
	v22 =	vadd.s32 @!p0 s15, v21;
	s15 =	sadd.s32 @!p0 $0x6590, s24  }
0x98: {  	[tilespmem:$0xB0] =	vst @!p0 v22;
	v22 =	vadd.s32 @!p0 s15, v20  }
0x99: {  	s26 =	smulhi.u32 $0x88888889, s19;
	[tilespmem:$0xC0] =	vst @!p0 v22;
	v22 =	vadd.s32 @!p0 s15, v21;
	s15 =	sadd.s32 @!p0 $0x6978, s24  }
0x9a: {  	[tilespmem:$0xD0] =	vst @!p0 v22;
	v22 =	vadd.s32 @!p0 s15, v20  }
0x9b: {  	s26 =	sshrl.u32 s26, $0x5;
	[tilespmem:$0xE0] =	vst @!p0 v22;
	v22 =	vadd.s32 @!p0 s15, v21  }
0x9c: {  	s24 =	smul.u32 $0xFFC40000, s26;
	s26 =	simm.s32 @!p0 $0x380;
	s15 =	simm.s32 @!p0 $0x80;
	[tilespmem:$0xF0] =	vst @!p0 v22  }
0x9d: {  	[tilespmem:s26], [sflag:$0x1] =	stream.indirect.gather @!p0 [hbm4b:s1+s15], $0x80, s15, s15, $0xb8;
	[tilespmem:$0x18380] =	vst v63  }
0x9e: {  	_ =	swait.ge [sflag:s5], $0x4000  }
0x9f: {  	s24 =	sadd.s32 s24, s9;
	[sflag:s5] =	ssyncset.done $0x0  }
0xa0: {  	s26 =	sadd.s32 $0x10000, s24;
	[sflag:s5] =	ssyncadd.s32 $0xFFFFC000  }
0xa1: {  	[hbm4b:s26+s3] =	stream.linear.scatter [tilespmem:s31], [sflag:$0x8], $0x1000, $0x38;
	[tilespmem:$0x18380] =	vst v63  }
0xa2: {  	s29 =	rddreg [dreg:$0x8];
	s26 =	sadd.s32 $0x14000, s24  }
0xa3: {  	[hbm4b:s26+s3] =	stream.linear.scatter [tilespmem:s29], [sflag:$0x8], $0x1000, $0x38;
	[tilespmem:$0x18380] =	vst v63  }
0xa4: {  	s31 =	rddreg [dreg:$0x9];
	s26 =	sadd.s32 $0x18000, s24  }
0xa5: {  	[hbm4b:s26+s3] =	stream.linear.scatter [tilespmem:s31], [sflag:$0x8], $0x1000, $0x38;
	[tilespmem:$0x18380] =	vst v63  }
0xa6: {  	s29 =	rddreg [dreg:$0xa];
	s24 =	sadd.s32 $0x1C000, s24  }
0xa7: {  	[hbm4b:s24+s3] =	stream.linear.scatter [tilespmem:s29], [sflag:$0x8], $0x1000, $0x38;
	[tilespmem:$0x18380] =	vst v63  }
0xa8: {  	s24 =	simm.s32 @!p0 $0x8  }
0xa9: {  	_ =	swait.ge @!p0 [sflag:s24], $0x1000  }
0xaa: {  	[sflag:s24] =	ssyncset.done @!p0 $0x0  }
0xab: {  	[sflag:s24] =	ssyncadd.s32 @!p0 $0xFFFFF000  }
0xac: {  	s26 =	smulhi.u32 $0x88888889, s18;
	_ =	swait.ge @!p0 [sflag:s24], $0x1000  }
0xad: {  	[sflag:s24] =	ssyncset.done @!p0 $0x0  }
0xae: {  	s26 =	sshrl.u32 s26, $0x5;
	[sflag:s24] =	ssyncadd.s32 @!p0 $0xFFFFF000  }
0xaf: {  	s26 =	smul.u32 $0x3A980, s26;
	_ =	swait.ge @!p0 [sflag:s24], $0x1000  }
0xb0: {  	[sflag:s24] =	ssyncset.done @!p0 $0x0  }
0xb1: {  	s26 =	ssub.s32 s11, s26;
	[sflag:s24] =	ssyncadd.s32 @!p0 $0xFFFFF000  }
0xb2: {  	s26 =	sadd.s32 @!p0 s26, s13;
	_ =	swait.ge @!p0 [sflag:s24], $0x1000  }
0xb3: {  	s29 =	sadd.s32 @!p0 $0x6D60, s26;
	[sflag:s24] =	ssyncset.done @!p0 $0x0  }
0xb4: {  	v22 =	vadd.s32 @!p0 s29, v20;
	[sflag:s24] =	ssyncadd.s32 @!p0 $0xFFFFF000  }
0xb5: {  	s24 =	sadd.s32 @!p0 $0x7148, s26;
	[tilespmem:$0x100] =	vst @!p0 v22;
	v22 =	vadd.s32 @!p0 s29, v21  }
0xb6: {  	[tilespmem:$0x110] =	vst @!p0 v22;
	v22 =	vadd.s32 @!p0 s24, v20  }
0xb7: {  	[tilespmem:$0x120] =	vst @!p0 v22;
	v22 =	vadd.s32 @!p0 s24, v21;
	s24 =	sadd.s32 @!p0 $0x7530, s26  }
0xb8: {  	[tilespmem:$0x130] =	vst @!p0 v22;
	v22 =	vadd.s32 @!p0 s24, v20  }
0xb9: {  	s29 =	smulhi.u32 $0x88888889, s17;
	[tilespmem:$0x140] =	vst @!p0 v22;
	v22 =	vadd.s32 @!p0 s24, v21;
	s24 =	sadd.s32 @!p0 $0x7918, s26  }
0xba: {  	[tilespmem:$0x150] =	vst @!p0 v22;
	v22 =	vadd.s32 @!p0 s24, v20  }
0xbb: {  	s26 =	sshrl.u32 s29, $0x5;
	[tilespmem:$0x160] =	vst @!p0 v22;
	v22 =	vadd.s32 @!p0 s24, v21  }
0xbc: {  	s29 =	simm.s32 @!p0 $0x4380;
	s24 =	smul.u32 $0xFFC40000, s26;
	s26 =	simm.s32 @!p0 $0x100;
	[tilespmem:$0x170] =	vst @!p0 v22  }
0xbd: {  	[tilespmem:s29], [sflag:$0x2] =	stream.indirect.gather @!p0 [hbm4b:s1+s15], $0x80, s26, s15, $0xb8;
	[tilespmem:$0x18380] =	vst v63  }
0xbe: {  	_ =	swait.ge [sflag:s7], $0x4000  }
0xbf: {  	s24 =	sadd.s32 s24, s9;
	[sflag:s7] =	ssyncset.done $0x0  }
0xc0: {  	s31 =	simm.s32 $0x8380;
	s26 =	sadd.s32 $0x20000, s24;
	[sflag:s7] =	ssyncadd.s32 $0xFFFFC000  }
0xc1: {  	[hbm4b:s26+s3] =	stream.linear.scatter [tilespmem:s31], [sflag:$0x9], $0x1000, $0x38;
	[tilespmem:$0x18380] =	vst v63  }
0xc2: {  	s29 =	rddreg [dreg:$0xb];
	s26 =	sadd.s32 $0x24000, s24  }
0xc3: {  	[hbm4b:s26+s3] =	stream.linear.scatter [tilespmem:s29], [sflag:$0x9], $0x1000, $0x38;
	[tilespmem:$0x18380] =	vst v63  }
0xc4: {  	s31 =	rddreg [dreg:$0xc];
	s26 =	sadd.s32 $0x28000, s24  }
0xc5: {  	[hbm4b:s26+s3] =	stream.linear.scatter [tilespmem:s31], [sflag:$0x9], $0x1000, $0x38;
	[tilespmem:$0x18380] =	vst v63  }
0xc6: {  	s29 =	rddreg [dreg:$0xd];
	s24 =	sadd.s32 $0x2C000, s24  }
0xc7: {  	[hbm4b:s24+s3] =	stream.linear.scatter [tilespmem:s29], [sflag:$0x9], $0x1000, $0x38;
	[tilespmem:$0x18380] =	vst v63  }
0xc8: {  	s24 =	simm.s32 @!p0 $0x9  }
0xc9: {  	_ =	swait.ge @!p0 [sflag:s24], $0x1000  }
0xca: {  	[sflag:s24] =	ssyncset.done @!p0 $0x0  }
0xcb: {  	[sflag:s24] =	ssyncadd.s32 @!p0 $0xFFFFF000  }
0xcc: {  	s26 =	smulhi.u32 $0x88888889, s16;
	_ =	swait.ge @!p0 [sflag:s24], $0x1000  }
0xcd: {  	[sflag:s24] =	ssyncset.done @!p0 $0x0  }
0xce: {  	s26 =	sshrl.u32 s26, $0x5;
	[sflag:s24] =	ssyncadd.s32 @!p0 $0xFFFFF000  }
0xcf: {  	s26 =	smul.u32 $0x3A980, s26;
	_ =	swait.ge @!p0 [sflag:s24], $0x1000  }
0xd0: {  	[sflag:s24] =	ssyncset.done @!p0 $0x0  }
0xd1: {  	s26 =	ssub.s32 s11, s26;
	[sflag:s24] =	ssyncadd.s32 @!p0 $0xFFFFF000  }
0xd2: {  	s26 =	sadd.s32 @!p0 s26, s13;
	_ =	swait.ge @!p0 [sflag:s24], $0x1000  }
0xd3: {  	s29 =	sadd.s32 @!p0 $0x7D00, s26;
	[sflag:s24] =	ssyncset.done @!p0 $0x0  }
0xd4: {  	v22 =	vadd.s32 @!p0 s29, v20;
	[sflag:s24] =	ssyncadd.s32 @!p0 $0xFFFFF000  }
0xd5: {  	s24 =	sadd.s32 @!p0 $0x80E8, s26;
	[tilespmem:$0x180] =	vst @!p0 v22;
	v22 =	vadd.s32 @!p0 s29, v21  }
0xd6: {  	[tilespmem:$0x190] =	vst @!p0 v22;
	v22 =	vadd.s32 @!p0 s24, v20  }
0xd7: {  	[tilespmem:$0x1A0] =	vst @!p0 v22;
	v22 =	vadd.s32 @!p0 s24, v21;
	s24 =	sadd.s32 @!p0 $0x84D0, s26  }
0xd8: {  	[tilespmem:$0x1B0] =	vst @!p0 v22;
	v22 =	vadd.s32 @!p0 s24, v20  }
0xd9: {  	s29 =	smulhi.u32 $0x88888889, s22;
	[tilespmem:$0x1C0] =	vst @!p0 v22;
	v22 =	vadd.s32 @!p0 s24, v21;
	s24 =	sadd.s32 @!p0 $0x88B8, s26  }
0xda: {  	[tilespmem:$0x1D0] =	vst @!p0 v22;
	v22 =	vadd.s32 @!p0 s24, v20  }
0xdb: {  	s26 =	sshrl.u32 s29, $0x5;
	[tilespmem:$0x1E0] =	vst @!p0 v22;
	v22 =	vadd.s32 @!p0 s24, v21  }
0xdc: {  	s29 =	simm.s32 @!p0 $0x8380;
	s24 =	smul.u32 $0xFFC40000, s26;
	s26 =	simm.s32 @!p0 $0x180;
	[tilespmem:$0x1F0] =	vst @!p0 v22  }
0xdd: {  	[tilespmem:s29], [sflag:$0x3] =	stream.indirect.gather @!p0 [hbm4b:s1+s15], $0x80, s26, s15, $0xb8;
	[tilespmem:$0x18380] =	vst v63  }
0xde: {  	_ =	swait.ge [sflag:s10], $0x4000  }
0xdf: {  	s24 =	sadd.s32 s24, s9;
	[sflag:s10] =	ssyncset.done $0x0  }
0xe0: {  	s26 =	sadd.s32 $0x30000, s24;
	[sflag:s10] =	ssyncadd.s32 $0xFFFFC000  }
0xe1: {  	[hbm4b:s26+s3] =	stream.linear.scatter [tilespmem:s23], [sflag:$0xA], $0x1000, $0x38;
	[tilespmem:$0x18380] =	vst v63  }
0xe2: {  	s29 =	rddreg [dreg:$0xe];
	s26 =	sadd.s32 $0x34000, s24  }
0xe3: {  	[hbm4b:s26+s3] =	stream.linear.scatter [tilespmem:s29], [sflag:$0xA], $0x1000, $0x38;
	[tilespmem:$0x18380] =	vst v63  }
0xe4: {  	s31 =	rddreg [dreg:$0xf];
	s26 =	sadd.s32 $0x38000, s24  }
0xe5: {  	[hbm4b:s26+s3] =	stream.linear.scatter [tilespmem:s31], [sflag:$0xA], $0x1000, $0x38;
	[tilespmem:$0x18380] =	vst v63  }
0xe6: {  	s29 =	rddreg [dreg:$0x10];
	s24 =	sadd.s32 $0x3C000, s24  }
0xe7: {  	[hbm4b:s24+s3] =	stream.linear.scatter [tilespmem:s29], [sflag:$0xA], $0x1000, $0x38;
	[tilespmem:$0x18380] =	vst v63  }
0xe8: {  	s24 =	simm.s32 @!p0 $0xA  }
0xe9: {  	_ =	swait.ge @!p0 [sflag:s24], $0x1000  }
0xea: {  	[sflag:s24] =	ssyncset.done @!p0 $0x0  }
0xeb: {  	[sflag:s24] =	ssyncadd.s32 @!p0 $0xFFFFF000  }
0xec: {  	s26 =	smulhi.u32 $0x88888889, s4;
	_ =	swait.ge @!p0 [sflag:s24], $0x1000  }
0xed: {  	[sflag:s24] =	ssyncset.done @!p0 $0x0  }
0xee: {  	s26 =	sshrl.u32 s26, $0x5;
	[sflag:s24] =	ssyncadd.s32 @!p0 $0xFFFFF000  }
0xef: {  	s26 =	smul.u32 $0x3A980, s26;
	_ =	swait.ge @!p0 [sflag:s24], $0x1000  }
0xf0: {  	[sflag:s24] =	ssyncset.done @!p0 $0x0  }
0xf1: {  	s26 =	ssub.s32 s11, s26;
	[sflag:s24] =	ssyncadd.s32 @!p0 $0xFFFFF000  }
0xf2: {  	s26 =	sadd.s32 @!p0 s26, s13;
	_ =	swait.ge @!p0 [sflag:s24], $0x1000  }
0xf3: {  	s29 =	sadd.s32 @!p0 $0x8CA0, s26;
	[sflag:s24] =	ssyncset.done @!p0 $0x0  }
0xf4: {  	v22 =	vadd.s32 @!p0 s29, v20;
	[sflag:s24] =	ssyncadd.s32 @!p0 $0xFFFFF000  }
0xf5: {  	s24 =	sadd.s32 @!p0 $0x9088, s26;
	[tilespmem:$0x200] =	vst @!p0 v22;
	v22 =	vadd.s32 @!p0 s29, v21  }
0xf6: {  	[tilespmem:$0x210] =	vst @!p0 v22;
	v22 =	vadd.s32 @!p0 s24, v20  }
0xf7: {  	[tilespmem:$0x220] =	vst @!p0 v22;
	v22 =	vadd.s32 @!p0 s24, v21;
	s24 =	sadd.s32 @!p0 $0x9470, s26  }
0xf8: {  	[tilespmem:$0x230] =	vst @!p0 v22;
	v22 =	vadd.s32 @!p0 s24, v20  }
0xf9: {  	s29 =	smulhi.u32 $0x88888889, s8;
	[tilespmem:$0x240] =	vst @!p0 v22;
	v22 =	vadd.s32 @!p0 s24, v21;
	s24 =	sadd.s32 @!p0 $0x9858, s26  }
0xfa: {  	[tilespmem:$0x250] =	vst @!p0 v22;
	v22 =	vadd.s32 @!p0 s24, v20  }
0xfb: {  	s26 =	sshrl.u32 s29, $0x5;
	[tilespmem:$0x260] =	vst @!p0 v22;
	v22 =	vadd.s32 @!p0 s24, v21  }
0xfc: {  	s29 =	simm.s32 @!p0 $0xC380;
	s24 =	smul.u32 $0xFFC40000, s26;
	s26 =	simm.s32 @!p0 $0x200;
	[tilespmem:$0x270] =	vst @!p0 v22  }
0xfd: {  	[tilespmem:s29], [sflag:$0x4] =	stream.indirect.gather @!p0 [hbm4b:s1+s15], $0x80, s26, s15, $0xb8;
	[tilespmem:$0x18380] =	vst v63  }
0xfe: {  	_ =	swait.ge [sflag:s30], $0x4000  }
0xff: {  	s24 =	sadd.s32 s24, s9;
	[sflag:s30] =	ssyncset.done $0x0  }
0x100: {  	s26 =	sadd.s32 $0x40000, s24;
	[sflag:s30] =	ssyncadd.s32 $0xFFFFC000  }
0x101: {  	[hbm4b:s26+s3] =	stream.linear.scatter [tilespmem:s0], [sflag:$0xB], $0x1000, $0x38;
	[tilespmem:$0x18380] =	vst v63  }
0x102: {  	s29 =	rddreg [dreg:$0x11];
	s26 =	sadd.s32 $0x44000, s24  }
0x103: {  	[hbm4b:s26+s3] =	stream.linear.scatter [tilespmem:s29], [sflag:$0xB], $0x1000, $0x38;
	[tilespmem:$0x18380] =	vst v63  }
0x104: {  	s31 =	rddreg [dreg:$0x12];
	s26 =	sadd.s32 $0x48000, s24  }
0x105: {  	[hbm4b:s26+s3] =	stream.linear.scatter [tilespmem:s31], [sflag:$0xB], $0x1000, $0x38;
	[tilespmem:$0x18380] =	vst v63  }
0x106: {  	s29 =	rddreg [dreg:$0x13];
	s24 =	sadd.s32 $0x4C000, s24  }
0x107: {  	[hbm4b:s24+s3] =	stream.linear.scatter [tilespmem:s29], [sflag:$0xB], $0x1000, $0x38;
	[tilespmem:$0x18380] =	vst v63  }
0x108: {  	s24 =	simm.s32 @!p0 $0xB  }
0x109: {  	_ =	swait.ge @!p0 [sflag:s24], $0x1000  }
0x10a: {  	[sflag:s24] =	ssyncset.done @!p0 $0x0  }
0x10b: {  	[sflag:s24] =	ssyncadd.s32 @!p0 $0xFFFFF000  }
0x10c: {  	s26 =	smulhi.u32 $0x88888889, s12;
	_ =	swait.ge @!p0 [sflag:s24], $0x1000  }
0x10d: {  	[sflag:s24] =	ssyncset.done @!p0 $0x0  }
0x10e: {  	s26 =	sshrl.u32 s26, $0x5;
	[sflag:s24] =	ssyncadd.s32 @!p0 $0xFFFFF000  }
0x10f: {  	s26 =	smul.u32 $0x3A980, s26;
	_ =	swait.ge @!p0 [sflag:s24], $0x1000  }
0x110: {  	[sflag:s24] =	ssyncset.done @!p0 $0x0  }
0x111: {  	s26 =	ssub.s32 s11, s26;
	[sflag:s24] =	ssyncadd.s32 @!p0 $0xFFFFF000  }
0x112: {  	s26 =	sadd.s32 @!p0 s26, s13;
	_ =	swait.ge @!p0 [sflag:s24], $0x1000  }
0x113: {  	s29 =	sadd.s32 @!p0 $0x9C40, s26;
	[sflag:s24] =	ssyncset.done @!p0 $0x0  }
0x114: {  	v22 =	vadd.s32 @!p0 s29, v20;
	[sflag:s24] =	ssyncadd.s32 @!p0 $0xFFFFF000  }
0x115: {  	s24 =	sadd.s32 @!p0 $0xA028, s26;
	[tilespmem:$0x280] =	vst @!p0 v22;
	v22 =	vadd.s32 @!p0 s29, v21  }
0x116: {  	[tilespmem:$0x290] =	vst @!p0 v22;
	v22 =	vadd.s32 @!p0 s24, v20  }
0x117: {  	[tilespmem:$0x2A0] =	vst @!p0 v22;
	v22 =	vadd.s32 @!p0 s24, v21;
	s24 =	sadd.s32 @!p0 $0xA410, s26  }
0x118: {  	s14 =	smul.u32 $0xFFC40000, s14;
	[tilespmem:$0x2B0] =	vst @!p0 v22;
	v22 =	vadd.s32 @!p0 s24, v20  }
0x119: {  	[tilespmem:$0x2C0] =	vst @!p0 v22;
	v22 =	vadd.s32 @!p0 s24, v21;
	s24 =	sadd.s32 @!p0 $0xA7F8, s26  }
0x11a: {  	s21 =	sadd.s32 $0x6, s21;
	s14 =	sadd.s32 s14, s9;
	s6 =	sadd.s32 $0x6, s6;
	[tilespmem:$0x2D0] =	vst @!p0 v22;
	v22 =	vadd.s32 @!p0 s24, v20  }
0x11b: {  	s20 =	sadd.s32 $0x6, s20;
	s19 =	sadd.s32 $0x6, s19;
	s18 =	sadd.s32 $0x6, s18;
	[tilespmem:$0x2E0] =	vst @!p0 v22;
	v22 =	vadd.s32 @!p0 s24, v21  }
0x11c: {  	s17 =	sadd.s32 $0x6, s17;
	s26 =	simm.s32 @!p0 $0x10380;
	s24 =	simm.s32 @!p0 $0x280;
	[tilespmem:$0x2F0] =	vst @!p0 v22  }
0x11d: {  	[tilespmem:s26], [sflag:$0x5] =	stream.indirect.gather @!p0 [hbm4b:s1+s15], $0x80, s24, s15, $0xb8;
	[tilespmem:$0x18380] =	vst v63  }
0x11e: {  	s16 =	sadd.s32 $0x6, s16;
	s22 =	sadd.s32 $0x6, s22;
	_ =	swait.ge [sflag:s2], $0x4000  }
0x11f: {  	s4 =	sadd.s32 $0x6, s4;
	s8 =	sadd.s32 $0x6, s8;
	[sflag:s2] =	ssyncset.done $0x0  }
0x120: {  	s13 =	sadd.s32 $0x5DC0, s13;
	s26 =	sadd.s32 $0x50000, s14;
	[sflag:s2] =	ssyncadd.s32 $0xFFFFC000  }
0x121: {  	[hbm4b:s26+s3] =	stream.linear.scatter [tilespmem:s25], [sflag:$0xC], $0x1000, $0x38;
	[tilespmem:$0x18380] =	vst v63  }
0x122: {  	s15 =	sadd.s32 $0x54000, s14;
	p0 =	sne.s32 s13, $0x3A980;
	s24 =	rddreg [dreg:$0x14]  }
0x123: {  	[hbm4b:s15+s3] =	stream.linear.scatter [tilespmem:s24], [sflag:$0xC], $0x1000, $0x38;
	[tilespmem:$0x18380] =	vst v63  }
.Ltmp0:
0x124: {  	s9 =	sadd.s32 $0x60000, s9;
	s31 =	simm.s32 $0x4380;
	(pc) =	sbr.rel @p0 .LBB2_2-.Ltmp0, $4  }
0x125: {  	s12 =	sadd.s32 $0x6, s12;
	s26 =	rddreg [dreg:$0x15];
	s15 =	sadd.s32 $0x58000, s14  }
0x126: {  	[hbm4b:s15+s3] =	stream.linear.scatter [tilespmem:s26], [sflag:$0xC], $0x1000, $0x38;
	[tilespmem:$0x18380] =	vst v63  }
0x127: {  	s29 =	simm.s32 $0x380;
	s24 =	rddreg [dreg:$0x16];
	s14 =	sadd.s32 $0x5C000, s14  }
0x128: {  	[hbm4b:s14+s3] =	stream.linear.scatter [tilespmem:s24], [sflag:$0xC], $0x1000, $0x38;
	[tilespmem:$0x18380] =	vst v63  }
0x129: {  	s0 =	simm.s32 $0x7  }
0x12a: {  	_ =	swait.ge [sflag:s0], $0x1000  }
0x12b: {  	[sflag:s0] =	ssyncset.done $0x0  }
0x12c: {  	[sflag:s0] =	ssyncadd.s32 $0xFFFFF000  }
0x12d: {  	_ =	swait.ge [sflag:s0], $0x1000  }
0x12e: {  	[sflag:s0] =	ssyncset.done $0x0  }
0x12f: {  	[sflag:s0] =	ssyncadd.s32 $0xFFFFF000  }
0x130: {  	_ =	swait.ge [sflag:s0], $0x1000  }
0x131: {  	[sflag:s0] =	ssyncset.done $0x0  }
0x132: {  	[sflag:s0] =	ssyncadd.s32 $0xFFFFF000  }
0x133: {  	_ =	swait.ge [sflag:s0], $0x1000  }
0x134: {  	[sflag:s0] =	ssyncset.done $0x0  }
0x135: {  	s20 =	simm.s32 $0x8;
	[sflag:s0] =	ssyncadd.s32 $0xFFFFF000  }
0x136: {  	_ =	swait.ge [sflag:s20], $0x1000  }
0x137: {  	[sflag:s20] =	ssyncset.done $0x0  }
0x138: {  	[sflag:s20] =	ssyncadd.s32 $0xFFFFF000  }
0x139: {  	_ =	swait.ge [sflag:s20], $0x1000  }
0x13a: {  	[sflag:s20] =	ssyncset.done $0x0  }
0x13b: {  	[sflag:s20] =	ssyncadd.s32 $0xFFFFF000  }
0x13c: {  	_ =	swait.ge [sflag:s20], $0x1000  }
0x13d: {  	[sflag:s20] =	ssyncset.done $0x0  }
0x13e: {  	[sflag:s20] =	ssyncadd.s32 $0xFFFFF000  }
0x13f: {  	_ =	swait.ge [sflag:s20], $0x1000  }
0x140: {  	[sflag:s20] =	ssyncset.done $0x0  }
0x141: {  	s21 =	simm.s32 $0x9;
	[sflag:s20] =	ssyncadd.s32 $0xFFFFF000  }
0x142: {  	_ =	swait.ge [sflag:s21], $0x1000  }
0x143: {  	[sflag:s21] =	ssyncset.done $0x0  }
0x144: {  	[sflag:s21] =	ssyncadd.s32 $0xFFFFF000  }
0x145: {  	_ =	swait.ge [sflag:s21], $0x1000  }
0x146: {  	[sflag:s21] =	ssyncset.done $0x0  }
0x147: {  	[sflag:s21] =	ssyncadd.s32 $0xFFFFF000  }
0x148: {  	_ =	swait.ge [sflag:s21], $0x1000  }
0x149: {  	[sflag:s21] =	ssyncset.done $0x0  }
0x14a: {  	[sflag:s21] =	ssyncadd.s32 $0xFFFFF000  }
0x14b: {  	_ =	swait.ge [sflag:s21], $0x1000  }
0x14c: {  	[sflag:s21] =	ssyncset.done $0x0  }
0x14d: {  	s22 =	simm.s32 $0xA;
	[sflag:s21] =	ssyncadd.s32 $0xFFFFF000  }
0x14e: {  	_ =	swait.ge [sflag:s22], $0x1000  }
0x14f: {  	[sflag:s22] =	ssyncset.done $0x0  }
0x150: {  	[sflag:s22] =	ssyncadd.s32 $0xFFFFF000  }
0x151: {  	_ =	swait.ge [sflag:s22], $0x1000  }
0x152: {  	[sflag:s22] =	ssyncset.done $0x0  }
0x153: {  	[sflag:s22] =	ssyncadd.s32 $0xFFFFF000  }
0x154: {  	_ =	swait.ge [sflag:s22], $0x1000  }
0x155: {  	[sflag:s22] =	ssyncset.done $0x0  }
0x156: {  	[sflag:s22] =	ssyncadd.s32 $0xFFFFF000  }
0x157: {  	_ =	swait.ge [sflag:s22], $0x1000  }
0x158: {  	[sflag:s22] =	ssyncset.done $0x0  }
0x159: {  	s24 =	simm.s32 $0xB;
	[sflag:s22] =	ssyncadd.s32 $0xFFFFF000  }
0x15a: {  	_ =	swait.ge [sflag:s24], $0x1000  }
0x15b: {  	[sflag:s24] =	ssyncset.done $0x0  }
0x15c: {  	[sflag:s24] =	ssyncadd.s32 $0xFFFFF000  }
0x15d: {  	_ =	swait.ge [sflag:s24], $0x1000  }
0x15e: {  	[sflag:s24] =	ssyncset.done $0x0  }
0x15f: {  	[sflag:s24] =	ssyncadd.s32 $0xFFFFF000  }
0x160: {  	_ =	swait.ge [sflag:s24], $0x1000  }
0x161: {  	[sflag:s24] =	ssyncset.done $0x0  }
0x162: {  	[sflag:s24] =	ssyncadd.s32 $0xFFFFF000  }
0x163: {  	_ =	swait.ge [sflag:s24], $0x1000  }
0x164: {  	[sflag:s24] =	ssyncset.done $0x0  }
0x165: {  	s26 =	simm.s32 $0xC;
	[sflag:s24] =	ssyncadd.s32 $0xFFFFF000  }
0x166: {  	_ =	swait.ge [sflag:s26], $0x1000  }
0x167: {  	[sflag:s26] =	ssyncset.done $0x0  }
0x168: {  	[sflag:s26] =	ssyncadd.s32 $0xFFFFF000  }
0x169: {  	_ =	swait.ge [sflag:s26], $0x1000  }
0x16a: {  	[sflag:s26] =	ssyncset.done $0x0  }
0x16b: {  	[sflag:s26] =	ssyncadd.s32 $0xFFFFF000  }
0x16c: {  	_ =	swait.ge [sflag:s26], $0x1000  }
0x16d: {  	[sflag:s26] =	ssyncset.done $0x0  }
0x16e: {  	[sflag:s26] =	ssyncadd.s32 $0xFFFFF000  }
0x16f: {  	_ =	swait.ge [sflag:s26], $0x1000  }
0x170: {  	s6 =	sld [smem:$0x7F8];
	_ =	sdelay $0x2  }
0x171: {  	s4 =	rddreg [dreg:$0x1a];
	s6 =	sadd.s32 $0x1, s6  }
0x172: {  	p0 =	sne.s32 s6, s4  }
.Ltmp1:
0x173: {  	_ = 	snop;
	(pc) =	sbr.rel @p0 .LBB2_1-.Ltmp1, $3  }
0x174: {  	_ =	sdelay $0x1  }
0x175: {  	s8 =	simm.s32 $0x8380;
	s12 =	simm.s32 $0xC380;
	[sflag:s26] =	ssyncset.done $0x0  }
0x176: {  	s16 =	simm.s32 $0x80;
	s13 =	simm.s32 $0x10380;
	[sflag:s26] =	ssyncadd.s32 $0xFFFFF000  }
0x177: {  	_ =	sfence.sel $0x180000  }
0x178: {  	[bflag:$0x0] =	sbarrier.arrive $0xFFFF  }
0x179: {  	_ =	strace $0x90000047  }
0x17a: {  	s0 =	stileid.u32;
	[bflag:$0x2] =	sbarrier.arrive $0xFFFF  }
0x17b: {  	p0 =	sne.s32 s0, $0x0;
	s0 =	rddreg [dreg:$0x3]  }
0x17c: {  	s0 =	sadd.s32 @!p0 $0x100000, s0  }
0x17d: {  	[sflag:s0] =	ssyncadd.tile.s32 @!p0 $0x1;
	_ =	shalt  }
.Lfunc_end2:
_tile_overlayer_lowered:
.L_overlay_start_2:
0x17e: {  	(tag) =	ssettag $0x2  }
0x17f: {  	s0 =	rddreg [dreg:$0x0];
	s2 =	stileid.u32  }
0x180: {  	s1 =	rddreg [dreg:$0x1];
	p0 =	sne.s32 s2, $0x0  }
0x181: {  	s3 =	rddreg [dreg:$0x2];
	[bflag:$0x3] =	sbarrier.arrive $0xFFFF;
	s2 =	simm.s32 @!p0 $0x1C0D  }
0x182: {  	[timem:s3], [sflag:s2] =	dma.local @!p0 [hbm:s0], s1  }
0x183: {  	s0 =	simm.s32 @!p0 $0xD  }
0x184: {  	_ =	swait.ge @!p0 [sflag:s0], s1  }
0x185: {  	s1 =	ssub.s32 @!p0 $0x0, s1;
	[sflag:s0] =	ssyncset.done @!p0 $0x0  }
0x186: {  	[sflag:s0] =	ssyncadd.s32 @!p0 s1  }
0x187: {  	[bflag:$0x3] =	sbarrier.arrive $0xFFFF  }
0x188: {  	_ =	shalt  }

</sc_bundles>
